<compile_context>
chip_gen: v7x
topology: tpu7x:2x2x1
jax: 0.10.2.dev20260603
libtpu: 0.0.44.dev20260713+nightly
codegen_flags: <defaults>
</compile_context>

<pallas_src>
import math

import jax
import jax.numpy as jnp
import numpy as np
from jax import lax
from jax.experimental import pallas as pl
from jax.experimental.pallas import tpu as pltpu
from jax.experimental.pallas import tpu_sc as plsc

N_NODES = 10000
N_EDGES = 320000
FEAT = 128
N_RBF = 20
CUTOFF = 5.0

PAD = 16
E_PAD = 327680
EDGE_BLK = 8192
FOLD = 8
FB = EDGE_BLK // FOLD
N_BLOCKS = E_PAD // EDGE_BLK
COLS = E_PAD // FOLD

NC = 2
NS = 16
NW = NC * NS
E_PER_W = E_PAD // NW
CHUNK = 80
N_CHUNKS = E_PER_W // CHUNK
GRP = 8
N_ACC = 10016
TRASH = N_NODES
ACC_STRIPE = N_ACC // NS

NODE_BLK = 10000
NODE_RPB = NODE_BLK // 8


def _node_mlp_body(s_ref, w1t_ref, b1_ref, wp_ref, b2p_ref, out_ref):
    x = jnp.dot(s_ref[...], w1t_ref[...], preferred_element_type=jnp.float32)
    x = x + b1_ref[...]
    h = x * jax.nn.sigmoid(x)
    ph = jnp.dot(h, wp_ref[...], preferred_element_type=jnp.float32) + b2p_ref[...]
    out_ref[...] = jnp.concatenate(
        [ph[c * NODE_RPB : (c + 1) * NODE_RPB, :] for c in range(8)], axis=1
    )


def _node_mlp(s_perm, w1t, b1r, wp, b2p):
    return pl.pallas_call(
        _node_mlp_body,
        grid=(1,),
        in_specs=[
            pl.BlockSpec((NODE_BLK, FEAT), lambda i: (0, 0)),
            pl.BlockSpec((FEAT, FEAT), lambda i: (0, 0)),
            pl.BlockSpec((1, FEAT), lambda i: (0, 0)),
            pl.BlockSpec((FEAT, PAD), lambda i: (0, 0)),
            pl.BlockSpec((1, PAD), lambda i: (0, 0)),
        ],
        out_specs=pl.BlockSpec((NODE_RPB, 8 * PAD), lambda i: (0, 0)),
        out_shape=jax.ShapeDtypeStruct((N_NODES // 8, 8 * PAD), jnp.float32),
    )(s_perm, w1t, b1r, wp, b2p)


def _gather_body(table_hbm, idx_hbm, out_hbm, idx_v, rows_v, gsem, ssem):
    c = lax.axis_index("c")
    s = lax.axis_index("s")
    wid = s * NC + c
    pltpu.sync_copy(idx_hbm.at[wid], idx_v)

    def grp(g, carry):
        base = g * GRP
        cps = [
            pltpu.async_copy(table_hbm.at[idx_v.at[base + j]], rows_v.at[j], gsem)
            for j in range(GRP)
        ]
        for cp in cps:
            cp.wait()
        sts = [
            pltpu.async_copy(rows_v.at[j], out_hbm.at[wid, base + j], ssem)
            for j in range(GRP)
        ]
        for st in sts:
            st.wait()
        return carry

    lax.fori_loop(0, N_CHUNKS // GRP, grp, 0)


def _sc_gather(node16, src3):
    mesh = plsc.VectorSubcoreMesh(core_axis_name="c", subcore_axis_name="s")
    f = pl.kernel(
        _gather_body,
        out_type=jax.ShapeDtypeStruct((NW, N_CHUNKS, CHUNK, PAD), jnp.float32),
        mesh=mesh,
        compiler_params=pltpu.CompilerParams(use_tc_tiling_on_sc=False),
        scratch_types=[
            pltpu.VMEM((N_CHUNKS, CHUNK), jnp.int32),
            pltpu.VMEM((GRP, CHUNK, PAD), jnp.float32),
            pltpu.SemaphoreType.DMA,
            pltpu.SemaphoreType.DMA,
        ],
    )
    return f(node16, src3)


def _edge_body(p_ref, r_ref, v_ref, wdk_ref, bdk_ref, ck_ref, ak_ref,
               pin_ref, pout_ref, out_ref):
    rs = r_ref[...]
    xx = rs[0:8]
    yy = rs[8:16]
    zz = rs[16:24]
    d2 = xx * xx + yy * yy + zz * zz
    d = jnp.sqrt(d2)
    d3 = jnp.concatenate([d, d, d], axis=0)
    d23 = jnp.concatenate([d2, d2, d2], axis=0)
    unit = jnp.where(d23 == 0.0, 0.0, rs / d3)
    idm = jnp.where(d2 == 0.0, 0.0, 1.0 / d)
    x1 = d * (math.pi / CUTOFF)
    s1 = jnp.sin(x1)
    c1 = jnp.cos(x1)
    two_c1 = c1 + c1
    terms = [s1, two_c1 * s1]
    for _ in range(N_RBF - 2):
        terms.append(two_c1 * terms[-1] - terms[-2])
    rbf = jnp.concatenate([t * idm for t in terms], axis=0)
    w = jnp.dot(wdk_ref[...], rbf, preferred_element_type=jnp.float32) + bdk_ref[...]
    p_stack = jnp.dot(
        pin_ref[...], p_ref[...].T, preferred_element_type=jnp.float32
    )
    P = p_stack * w
    u = jnp.concatenate(
        [unit[8 * k : 8 * (k + 1)] for _i in range(3) for k in range(3)]
        + [jnp.ones((24, FB), jnp.float32), jnp.zeros((32, FB), jnp.float32)],
        axis=0,
    )
    vpad = jnp.concatenate(
        [v_ref[...], jnp.zeros((128 - 72, FB), jnp.float32)], axis=0
    )
    outt = (
        jnp.dot(ck_ref[...], P, preferred_element_type=jnp.float32) * u
        + jnp.dot(ak_ref[...], P, preferred_element_type=jnp.float32) * vpad
    )
    out_ref[...] = jnp.dot(
        pout_ref[...], outt, preferred_element_type=jnp.float32
    ).T


def _edge_stage(p, r_stack, v_stack, wdk, bdk, ck, ak, pin, pout):
    return pl.pallas_call(
        _edge_body,
        grid=(N_BLOCKS,),
        in_specs=[
            pl.BlockSpec((FB, 128), lambda i: (i, 0)),
            pl.BlockSpec((24, FB), lambda i: (0, i)),
            pl.BlockSpec((72, FB), lambda i: (0, i)),
            pl.BlockSpec((128, 8 * N_RBF), lambda i: (0, 0)),
            pl.BlockSpec((128, 1), lambda i: (0, 0)),
            pl.BlockSpec((128, 128), lambda i: (0, 0)),
            pl.BlockSpec((128, 128), lambda i: (0, 0)),
            pl.BlockSpec((128, 128), lambda i: (0, 0)),
            pl.BlockSpec((128, 128), lambda i: (0, 0)),
        ],
        out_specs=pl.BlockSpec((FB, 128), lambda i: (i, 0)),
        out_shape=jax.ShapeDtypeStruct((E_PAD // 8, 128), jnp.float32),
    )(p, r_stack, v_stack, wdk, bdk, ck, ak, pin, pout)


def _scatter_body(vals_hbm, dst_hbm, zeros_hbm, out_hbm, idx_v, vals_v,
                  acc, lsem, ssem):
    c = lax.axis_index("c")
    s = lax.axis_index("s")
    wid = s * NC + c
    pltpu.sync_copy(
        zeros_hbm.at[pl.ds(s * ACC_STRIPE, ACC_STRIPE)],
        acc.at[pl.ds(s * ACC_STRIPE, ACC_STRIPE)],
    )
    plsc.subcore_barrier()
    pltpu.sync_copy(dst_hbm.at[wid], idx_v)

    def grp(g, carry):
        base = g * GRP
        lds = [
            pltpu.async_copy(vals_hbm.at[wid, base + j], vals_v.at[j], lsem)
            for j in range(GRP)
        ]
        for ld in lds:
            ld.wait()
        scs = [
            pltpu.async_copy(
                vals_v.at[j], acc.at[idx_v.at[base + j]], ssem, add=True
            )
            for j in range(GRP)
        ]
        for sc in scs:
            sc.wait()
        return carry

    lax.fori_loop(0, N_CHUNKS // GRP, grp, 0)
    plsc.subcore_barrier()
    pltpu.sync_copy(
        acc.at[pl.ds(s * ACC_STRIPE, ACC_STRIPE)],
        out_hbm.at[c, pl.ds(s * ACC_STRIPE, ACC_STRIPE)],
    )


def _sc_scatter(vals4, dst3, zeros):
    mesh = plsc.VectorSubcoreMesh(core_axis_name="c", subcore_axis_name="s")
    f = pl.kernel(
        _scatter_body,
        out_type=jax.ShapeDtypeStruct((NC, N_ACC, PAD), jnp.float32),
        mesh=mesh,
        compiler_params=pltpu.CompilerParams(use_tc_tiling_on_sc=False),
        scratch_types=[
            pltpu.VMEM((N_CHUNKS, CHUNK), jnp.int32),
            pltpu.VMEM((GRP, CHUNK, PAD), jnp.float32),
            pltpu.VMEM_SHARED((N_ACC, PAD), jnp.float32),
            pltpu.SemaphoreType.DMA,
            pltpu.SemaphoreType.DMA,
        ],
    )
    return f(vals4, dst3, zeros)


def _combine_body(p_ref, s_out, v_out):
    tot = p_ref[0] + p_ref[1]
    s_out[...] = tot[0:N_NODES, 9:12]
    v_out[...] = tot[0:N_NODES, 0:9]


def _combine(partials):
    return pl.pallas_call(
        _combine_body,
        in_specs=[pl.BlockSpec((NC, N_ACC, PAD), lambda: (0, 0, 0))],
        out_specs=[
            pl.BlockSpec((N_NODES, 3), lambda: (0, 0)),
            pl.BlockSpec((N_NODES, 9), lambda: (0, 0)),
        ],
        out_shape=[
            jax.ShapeDtypeStruct((N_NODES, 3), jnp.float32),
            jax.ShapeDtypeStruct((N_NODES, 9), jnp.float32),
        ],
    )(partials)


def kernel(s_j, v_j, r_ij, nbrs, W1, b1, W2, b2, Wd, bd):
    w1t = W1.T
    b1r = b1.reshape(1, FEAT)
    wp = jnp.zeros((FEAT, PAD), jnp.float32).at[:, :9].set(W2[:9].T)
    b2p = jnp.zeros((1, PAD), jnp.float32).at[0, :9].set(b2[:9])
    wd16 = jnp.zeros((PAD, N_RBF), jnp.float32).at[:9].set(Wd[:9])
    bd16 = jnp.zeros((PAD,), jnp.float32).at[:9].set(bd[:9])
    wdk = jnp.kron(wd16, jnp.eye(FOLD, dtype=jnp.float32))
    bdk = jnp.repeat(bd16, FOLD).reshape(128, 1)

    c16 = np.zeros((PAD, PAD), np.float32)
    a16 = np.zeros((PAD, PAD), np.float32)
    for i in range(3):
        for k in range(3):
            c16[3 * i + k, 6 + i] = 1.0
            a16[3 * i + k, i] = 1.0
        c16[9 + i, 3 + i] = 1.0
    ck = jnp.asarray(np.kron(c16, np.eye(8, dtype=np.float32)))
    ak = jnp.asarray(np.kron(a16, np.eye(8, dtype=np.float32)))

    pin = np.zeros((128, 128), np.float32)
    pout = np.zeros((128, 128), np.float32)
    for cc in range(8):
        for j in range(PAD):
            pin[8 * j + cc, 16 * cc + j] = 1.0
            pout[16 * cc + j, 8 * j + cc] = 1.0
    pin = jnp.asarray(pin)
    pout = jnp.asarray(pout)

    q = np.arange(N_NODES)
    qi, qt = q // NODE_BLK, q % NODE_BLK
    n_of_q = jnp.asarray((qi * NODE_RPB + (qt % NODE_RPB)) * 8 + qt // NODE_RPB)
    s_perm = jnp.take(s_j, n_of_q, axis=0)

    m = np.arange(E_PAD)
    mR, mc = m // 8, m % 8
    e_of_m = jnp.asarray((mR // FB) * EDGE_BLK + mc * FB + (mR % FB))

    npad = E_PAD - N_EDGES
    src_pad = jnp.concatenate([nbrs[:, 1], jnp.zeros((npad,), jnp.int32)])
    dst_pad = jnp.concatenate([nbrs[:, 0], jnp.full((npad,), TRASH, jnp.int32)])
    src3 = jnp.take(src_pad, e_of_m).reshape(NW, N_CHUNKS, CHUNK)
    dst3 = jnp.take(dst_pad, e_of_m).reshape(NW, N_CHUNKS, CHUNK)

    r_pad = jnp.concatenate([r_ij, jnp.zeros((npad, 3), jnp.float32)], axis=0)
    v_pad = jnp.concatenate(
        [v_j.reshape(N_EDGES, 9), jnp.zeros((npad, 9), jnp.float32)], axis=0
    )
    r_stack = (
        r_pad.T.reshape(3, N_BLOCKS, FOLD, FB).transpose(0, 2, 1, 3).reshape(24, COLS)
    )
    v_stack = (
        v_pad.T.reshape(9, N_BLOCKS, FOLD, FB).transpose(0, 2, 1, 3).reshape(72, COLS)
    )
    zeros = jnp.zeros((N_ACC, PAD), jnp.float32)

    node_tbl = _node_mlp(s_perm, w1t, b1r, wp, b2p).reshape(N_NODES, PAD)
    p4 = _sc_gather(node_tbl, src3)
    vals = _edge_stage(
        p4.reshape(E_PAD // 8, 128), r_stack, v_stack, wdk, bdk, ck, ak, pin, pout
    )
    partials = _sc_scatter(vals.reshape(NW, N_CHUNKS, CHUNK, PAD), dst3, zeros)
    ds, dv = _combine(partials)
    return (ds, dv.reshape(N_NODES, 3, 3))

# --- scband reference (transcript-rebuilt; emitter-appended) ---
"""Pipeline reference for scband-message-block-2473901162796 (READ-ONLY COPY).

The authoritative reference and input builder live on the scoring server;
editing this copy changes nothing except your own understanding.
"""

import jax, jax.numpy as jnp
import numpy as np

N_NODES = 10000
N_EDGES = 320000
FEAT = 128
N_RBF = 20
CUTOFF = 5.0


def swish(x):
    return x * jax.nn.sigmoid(x)


def setup_inputs(seed: int = 0) -> dict:
    key = jax.random.key(seed)
    ks = jax.random.split(key, 10)
    s_j = jax.random.normal(ks[0], (N_NODES, FEAT), dtype=jnp.float32)
    v_j = jax.random.normal(ks[1], (N_EDGES, 3, 3), dtype=jnp.float32)
    r_ij = jax.random.normal(ks[2], (N_EDGES, 3), dtype=jnp.float32)
    nbrs = jax.random.randint(ks[3], (N_EDGES, 2), 0, N_NODES, dtype=jnp.int32)
    # InvariantDense params: Linear(FEAT->FEAT), swish, Linear(FEAT->3*FEAT)
    W1 = 0.05 * jax.random.normal(ks[4], (FEAT, FEAT), dtype=jnp.float32)
    b1 = jnp.zeros((FEAT,), dtype=jnp.float32)
    W2 = 0.05 * jax.random.normal(ks[5], (3 * FEAT, FEAT), dtype=jnp.float32)
    b2 = jnp.zeros((3 * FEAT,), dtype=jnp.float32)
    # DistanceEmbed dense: Linear(N_RBF -> 3*FEAT)
    Wd = 0.05 * jax.random.normal(ks[6], (3 * FEAT, N_RBF), dtype=jnp.float32)
    bd = jnp.zeros((3 * FEAT,), dtype=jnp.float32)
    return {"s_j": s_j, "v_j": v_j, "r_ij": r_ij, "nbrs": nbrs,
            "W1": W1, "b1": b1, "W2": W2, "b2": b2, "Wd": Wd, "bd": bd}


def reference(s_j, v_j, r_ij, nbrs, W1, b1, W2, b2, Wd, bd):
    # preprocess_r
    dist = jnp.sqrt(jnp.sum(r_ij ** 2, axis=-1))
    unit = r_ij / dist.reshape(-1, 1)
    # InvariantDense applied to gathered node features s_j[nbrs[:,1]]
    sg = jnp.take(s_j, nbrs[:, 1], axis=0)
    h = swish(sg @ W1.T + b1)
    phi = h @ W2.T + b2  # [E, 3*FEAT]
    # DistanceEmbed: PaiNN sinc radial basis -> dense -> identity f_cut
    n = jnp.arange(1, N_RBF + 1, dtype=jnp.float32)
    coef = n * jnp.pi / CUTOFF
    d = dist[:, None]
    denom = jnp.where(d == 0, 1.0, d)
    rbf = jnp.where(d == 0, 0.0, jnp.sin(coef * d) / denom)  # [E, N_RBF]
    w_s = rbf @ Wd.T + bd  # [E, 3*FEAT]
    output = phi * w_s
    inv_out = output.reshape(output.shape[0], -1, 3)  # [E, FEAT, 3]
    equiv = jnp.stack([inv_out[:, 2]] * 3, axis=-1) * unit.reshape(-1, 1, 3)  # [E,3,3]
    delta_v_ij = equiv + jnp.stack([inv_out[:, 0]] * 3, axis=-1) * v_j  # [E,3,3]
    delta_s_ij = inv_out[:, 1]  # [E,3]
    graph_size = s_j.shape[0]
    delta_v_i = jnp.zeros((graph_size, 3, 3), dtype=delta_v_ij.dtype).at[nbrs[:, 0]].add(delta_v_ij)
    delta_s_i = jnp.zeros((graph_size, 3), dtype=delta_s_ij.dtype).at[nbrs[:, 0]].add(delta_s_ij)
    return (delta_s_i, delta_v_i)

if __name__ == "__main__":
    import jax
    _d = setup_inputs()
    print(jax.jit(kernel)(*tuple(_d.values())))

</pallas_src>

<mosaic_0001>
#map = affine_map<(d0, d1) -> (0, 0)>
#map1 = affine_map<(d0, d1) -> (0, 0, 0)>
#map2 = affine_map<(d0, d1) -> (0, 0, 0, 0)>
module attributes {stable_mosaic.version = 14 : i64} {
  func.func @_gather_body(%arg0: i32, %arg1: i32, %arg2: memref<10000x16xf32, #tpu.memory_space<hbm>>, %arg3: memref<32x128x80xi32, #tpu.memory_space<hbm>>, %arg4: memref<32x128x80x16xf32, #tpu.memory_space<hbm>>, %arg5: memref<128x80xi32, #tpu.memory_space<vmem>>, %arg6: memref<8x80x16xf32, #tpu.memory_space<vmem>>, %arg7: memref<!tpu.dma_semaphore, #tpu.memory_space<semaphore_mem>>, %arg8: memref<!tpu.dma_semaphore, #tpu.memory_space<semaphore_mem>>) attributes {dimension_semantics = [#tpu.dimension_semantics<core_parallel>, #tpu.dimension_semantics<subcore_parallel>], iteration_bounds = array<i64: 2, 16>, scalar_prefetch = 0 : i64, scratch_operands = 4 : i64, tpu.core_type = #tpu.core_type<sc_vector_subcore>, window_params = [{transform_indices = #map}, {transform_indices = #map1}, {transform_indices = #map2}]} {
    %mul3A = arith.constant 2 : i32
    %mul3A_0 = arith.muli %arg1, %mul3A : i32
    %add3A = arith.addi %mul3A_0, %arg0 : i32
    "tpu.region"() ({
      %run_scoped3A = tpu.sem_alloc : memref<!tpu.dma_semaphore, #tpu.memory_space<semaphore_mem>>
      %dma_start3A = arith.constant 0 : i32
      %dma_start3A_6 = arith.constant 0 : i32
      %dma_start3A_7 = tpu.memref_slice %arg3[%add3A, %dma_start3A, %dma_start3A_6] : memref<32x128x80xi32, #tpu.memory_space<hbm>> -> memref<1x128x80xi32, #tpu.memory_space<hbm>>
      %dma_start3A_8 = tpu.memref_squeeze %dma_start3A_7 : memref<1x128x80xi32, #tpu.memory_space<hbm>> -> memref<128x80xi32, #tpu.memory_space<hbm>>
      %dma_start3A_9 = arith.constant 0 : i32
      %dma_start3A_10 = arith.constant 0 : i32
      %dma_start3A_11 = tpu.memref_slice %arg3[%add3A, %dma_start3A_9, %dma_start3A_10] : memref<32x128x80xi32, #tpu.memory_space<hbm>> -> memref<1x128x80xi32, #tpu.memory_space<hbm>>
      %dma_start3A_12 = tpu.memref_squeeze %dma_start3A_11 : memref<1x128x80xi32, #tpu.memory_space<hbm>> -> memref<128x80xi32, #tpu.memory_space<hbm>>
      tpu.enqueue_dma source(%dma_start3A_12 : memref<128x80xi32, #tpu.memory_space<hbm>>) target(%arg5 : memref<128x80xi32, #tpu.memory_space<vmem>>) target_semaphore(%run_scoped3A : memref<!tpu.dma_semaphore, #tpu.memory_space<semaphore_mem>>)
      %dma_wait3A = arith.constant 0 : i32
      %dma_wait3A_13 = arith.constant 0 : i32
      %dma_wait3A_14 = tpu.memref_slice %arg3[%add3A, %dma_wait3A, %dma_wait3A_13] : memref<32x128x80xi32, #tpu.memory_space<hbm>> -> memref<1x128x80xi32, #tpu.memory_space<hbm>>
      %dma_wait3A_15 = tpu.memref_squeeze %dma_wait3A_14 : memref<1x128x80xi32, #tpu.memory_space<hbm>> -> memref<128x80xi32, #tpu.memory_space<hbm>>
      %dma_wait3A_16 = arith.constant 0 : i32
      %dma_wait3A_17 = arith.constant 0 : i32
      %dma_wait3A_18 = tpu.memref_slice %arg3[%add3A, %dma_wait3A_16, %dma_wait3A_17] : memref<32x128x80xi32, #tpu.memory_space<hbm>> -> memref<1x128x80xi32, #tpu.memory_space<hbm>>
      %dma_wait3A_19 = tpu.memref_squeeze %dma_wait3A_18 : memref<1x128x80xi32, #tpu.memory_space<hbm>> -> memref<128x80xi32, #tpu.memory_space<hbm>>
      tpu.wait_dma2 semaphore(%run_scoped3A : memref<!tpu.dma_semaphore, #tpu.memory_space<semaphore_mem>>) src(%dma_wait3A_19 : memref<128x80xi32, #tpu.memory_space<hbm>>) dst(%arg5 : memref<128x80xi32, #tpu.memory_space<vmem>>)
      tpu.yield
    }) : () -> ()
    %scan3A = arith.constant 0 : i32
    %scan3A_1 = arith.constant 0 : i32
    %scan3A_2 = arith.constant 16 : i32
    %scan3A_3 = arith.addi %scan3A_1, %scan3A_2 : i32
    %scan3A_4 = arith.constant 1 : i32
    scf.for %scan3A_6 = %scan3A_1 to %scan3A_3 step %scan3A_4  : i32 {
      %mul3A_7 = arith.constant 8 : i32
      %mul3A_8 = arith.muli %scan3A_6, %mul3A_7 : i32
      %add3A_9 = arith.constant 0 : i32
      %add3A_10 = arith.addi %mul3A_8, %add3A_9 : i32
      %dma_start3A = arith.constant 0 : i32
      %dma_start3A_11 = arith.constant 0 : i32
      %dma_start3A_12 = arith.constant 0 : i32
      %dma_start3A_13 = tpu.memref_slice %arg6[%dma_start3A, %dma_start3A_11, %dma_start3A_12] : memref<8x80x16xf32, #tpu.memory_space<vmem>> -> memref<1x80x16xf32, #tpu.memory_space<vmem>>
      %dma_start3A_14 = tpu.memref_squeeze %dma_start3A_13 : memref<1x80x16xf32, #tpu.memory_space<vmem>> -> memref<80x16xf32, #tpu.memory_space<vmem>>
      %dma_start3A_15 = arith.constant 0 : i32
      %dma_start3A_16 = tpu.memref_slice %arg5[%add3A_10, %dma_start3A_15] : memref<128x80xi32, #tpu.memory_space<vmem>> -> memref<1x80xi32, #tpu.memory_space<vmem>>
      %dma_start3A_17 = tpu.memref_squeeze %dma_start3A_16 : memref<1x80xi32, #tpu.memory_space<vmem>> -> memref<80xi32, #tpu.memory_space<vmem>>
      %dma_start3A_18 = arith.constant 0 : i32
      %dma_start3A_19 = arith.constant 0 : i32
      %dma_start3A_20 = tpu.memref_slice %arg2[%dma_start3A_18, %dma_start3A_19] : memref<10000x16xf32, #tpu.memory_space<hbm>> -> memref<10000x16xf32, #tpu.memory_space<hbm>>
      tpu.enqueue_indirect_dma source(%dma_start3A_20 : memref<10000x16xf32, #tpu.memory_space<hbm>>) target(%dma_start3A_14 : memref<80x16xf32, #tpu.memory_space<vmem>>) offsets(%dma_start3A_17 : memref<80xi32, #tpu.memory_space<vmem>>) semaphore(%arg7 : memref<!tpu.dma_semaphore, #tpu.memory_space<semaphore_mem>>)
      %add3A_21 = arith.constant 1 : i32
      %add3A_22 = arith.addi %mul3A_8, %add3A_21 : i32
      %dma_start3A_23 = arith.constant 1 : i32
      %dma_start3A_24 = arith.constant 0 : i32
      %dma_start3A_25 = arith.constant 0 : i32
      %dma_start3A_26 = tpu.memref_slice %arg6[%dma_start3A_23, %dma_start3A_24, %dma_start3A_25] : memref<8x80x16xf32, #tpu.memory_space<vmem>> -> memref<1x80x16xf32, #tpu.memory_space<vmem>>
      %dma_start3A_27 = tpu.memref_squeeze %dma_start3A_26 : memref<1x80x16xf32, #tpu.memory_space<vmem>> -> memref<80x16xf32, #tpu.memory_space<vmem>>
      %dma_start3A_28 = arith.constant 0 : i32
      %dma_start3A_29 = tpu.memref_slice %arg5[%add3A_22, %dma_start3A_28] : memref<128x80xi32, #tpu.memory_space<vmem>> -> memref<1x80xi32, #tpu.memory_space<vmem>>
      %dma_start3A_30 = tpu.memref_squeeze %dma_start3A_29 : memref<1x80xi32, #tpu.memory_space<vmem>> -> memref<80xi32, #tpu.memory_space<vmem>>
      %dma_start3A_31 = arith.constant 0 : i32
      %dma_start3A_32 = arith.constant 0 : i32
      %dma_start3A_33 = tpu.memref_slice %arg2[%dma_start3A_31, %dma_start3A_32] : memref<10000x16xf32, #tpu.memory_space<hbm>> -> memref<10000x16xf32, #tpu.memory_space<hbm>>
      tpu.enqueue_indirect_dma source(%dma_start3A_33 : memref<10000x16xf32, #tpu.memory_space<hbm>>) target(%dma_start3A_27 : memref<80x16xf32, #tpu.memory_space<vmem>>) offsets(%dma_start3A_30 : memref<80xi32, #tpu.memory_space<vmem>>) semaphore(%arg7 : memref<!tpu.dma_semaphore, #tpu.memory_space<semaphore_mem>>)
      %add3A_34 = arith.constant 2 : i32
      %add3A_35 = arith.addi %mul3A_8, %add3A_34 : i32
      %dma_start3A_36 = arith.constant 2 : i32
      %dma_start3A_37 = arith.constant 0 : i32
      %dma_start3A_38 = arith.constant 0 : i32
      %dma_start3A_39 = tpu.memref_slice %arg6[%dma_start3A_36, %dma_start3A_37, %dma_start3A_38] : memref<8x80x16xf32, #tpu.memory_space<vmem>> -> memref<1x80x16xf32, #tpu.memory_space<vmem>>
      %dma_start3A_40 = tpu.memref_squeeze %dma_start3A_39 : memref<1x80x16xf32, #tpu.memory_space<vmem>> -> memref<80x16xf32, #tpu.memory_space<vmem>>
      %dma_start3A_41 = arith.constant 0 : i32
      %dma_start3A_42 = tpu.memref_slice %arg5[%add3A_35, %dma_start3A_41] : memref<128x80xi32, #tpu.memory_space<vmem>> -> memref<1x80xi32, #tpu.memory_space<vmem>>
      %dma_start3A_43 = tpu.memref_squeeze %dma_start3A_42 : memref<1x80xi32, #tpu.memory_space<vmem>> -> memref<80xi32, #tpu.memory_space<vmem>>
      %dma_start3A_44 = arith.constant 0 : i32
      %dma_start3A_45 = arith.constant 0 : i32
      %dma_start3A_46 = tpu.memref_slice %arg2[%dma_start3A_44, %dma_start3A_45] : memref<10000x16xf32, #tpu.memory_space<hbm>> -> memref<10000x16xf32, #tpu.memory_space<hbm>>
      tpu.enqueue_indirect_dma source(%dma_start3A_46 : memref<10000x16xf32, #tpu.memory_space<hbm>>) target(%dma_start3A_40 : memref<80x16xf32, #tpu.memory_space<vmem>>) offsets(%dma_start3A_43 : memref<80xi32, #tpu.memory_space<vmem>>) semaphore(%arg7 : memref<!tpu.dma_semaphore, #tpu.memory_space<semaphore_mem>>)
      %add3A_47 = arith.constant 3 : i32
      %add3A_48 = arith.addi %mul3A_8, %add3A_47 : i32
      %dma_start3A_49 = arith.constant 3 : i32
      %dma_start3A_50 = arith.constant 0 : i32
      %dma_start3A_51 = arith.constant 0 : i32
      %dma_start3A_52 = tpu.memref_slice %arg6[%dma_start3A_49, %dma_start3A_50, %dma_start3A_51] : memref<8x80x16xf32, #tpu.memory_space<vmem>> -> memref<1x80x16xf32, #tpu.memory_space<vmem>>
      %dma_start3A_53 = tpu.memref_squeeze %dma_start3A_52 : memref<1x80x16xf32, #tpu.memory_space<vmem>> -> memref<80x16xf32, #tpu.memory_space<vmem>>
      %dma_start3A_54 = arith.constant 0 : i32
      %dma_start3A_55 = tpu.memref_slice %arg5[%add3A_48, %dma_start3A_54] : memref<128x80xi32, #tpu.memory_space<vmem>> -> memref<1x80xi32, #tpu.memory_space<vmem>>
      %dma_start3A_56 = tpu.memref_squeeze %dma_start3A_55 : memref<1x80xi32, #tpu.memory_space<vmem>> -> memref<80xi32, #tpu.memory_space<vmem>>
      %dma_start3A_57 = arith.constant 0 : i32
      %dma_start3A_58 = arith.constant 0 : i32
      %dma_start3A_59 = tpu.memref_slice %arg2[%dma_start3A_57, %dma_start3A_58] : memref<10000x16xf32, #tpu.memory_space<hbm>> -> memref<10000x16xf32, #tpu.memory_space<hbm>>
      tpu.enqueue_indirect_dma source(%dma_start3A_59 : memref<10000x16xf32, #tpu.memory_space<hbm>>) target(%dma_start3A_53 : memref<80x16xf32, #tpu.memory_space<vmem>>) offsets(%dma_start3A_56 : memref<80xi32, #tpu.memory_space<vmem>>) semaphore(%arg7 : memref<!tpu.dma_semaphore, #tpu.memory_space<semaphore_mem>>)
      %add3A_60 = arith.constant 4 : i32
      %add3A_61 = arith.addi %mul3A_8, %add3A_60 : i32
      %dma_start3A_62 = arith.constant 4 : i32
      %dma_start3A_63 = arith.constant 0 : i32
      %dma_start3A_64 = arith.constant 0 : i32
      %dma_start3A_65 = tpu.memref_slice %arg6[%dma_start3A_62, %dma_start3A_63, %dma_start3A_64] : memref<8x80x16xf32, #tpu.memory_space<vmem>> -> memref<1x80x16xf32, #tpu.memory_space<vmem>>
      %dma_start3A_66 = tpu.memref_squeeze %dma_start3A_65 : memref<1x80x16xf32, #tpu.memory_space<vmem>> -> memref<80x16xf32, #tpu.memory_space<vmem>>
      %dma_start3A_67 = arith.constant 0 : i32
      %dma_start3A_68 = tpu.memref_slice %arg5[%add3A_61, %dma_start3A_67] : memref<128x80xi32, #tpu.memory_space<vmem>> -> memref<1x80xi32, #tpu.memory_space<vmem>>
      %dma_start3A_69 = tpu.memref_squeeze %dma_start3A_68 : memref<1x80xi32, #tpu.memory_space<vmem>> -> memref<80xi32, #tpu.memory_space<vmem>>
      %dma_start3A_70 = arith.constant 0 : i32
      %dma_start3A_71 = arith.constant 0 : i32
      %dma_start3A_72 = tpu.memref_slice %arg2[%dma_start3A_70, %dma_start3A_71] : memref<10000x16xf32, #tpu.memory_space<hbm>> -> memref<10000x16xf32, #tpu.memory_space<hbm>>
      tpu.enqueue_indirect_dma source(%dma_start3A_72 : memref<10000x16xf32, #tpu.memory_space<hbm>>) target(%dma_start3A_66 : memref<80x16xf32, #tpu.memory_space<vmem>>) offsets(%dma_start3A_69 : memref<80xi32, #tpu.memory_space<vmem>>) semaphore(%arg7 : memref<!tpu.dma_semaphore, #tpu.memory_space<semaphore_mem>>)
      %add3A_73 = arith.constant 5 : i32
      %add3A_74 = arith.addi %mul3A_8, %add3A_73 : i32
      %dma_start3A_75 = arith.constant 5 : i32
      %dma_start3A_76 = arith.constant 0 : i32
      %dma_start3A_77 = arith.constant 0 : i32
      %dma_start3A_78 = tpu.memref_slice %arg6[%dma_start3A_75, %dma_start3A_76, %dma_start3A_77] : memref<8x80x16xf32, #tpu.memory_space<vmem>> -> memref<1x80x16xf32, #tpu.memory_space<vmem>>
      %dma_start3A_79 = tpu.memref_squeeze %dma_start3A_78 : memref<1x80x16xf32, #tpu.memory_space<vmem>> -> memref<80x16xf32, #tpu.memory_space<vmem>>
      %dma_start3A_80 = arith.constant 0 : i32
      %dma_start3A_81 = tpu.memref_slice %arg5[%add3A_74, %dma_start3A_80] : memref<128x80xi32, #tpu.memory_space<vmem>> -> memref<1x80xi32, #tpu.memory_space<vmem>>
      %dma_start3A_82 = tpu.memref_squeeze %dma_start3A_81 : memref<1x80xi32, #tpu.memory_space<vmem>> -> memref<80xi32, #tpu.memory_space<vmem>>
      %dma_start3A_83 = arith.constant 0 : i32
      %dma_start3A_84 = arith.constant 0 : i32
      %dma_start3A_85 = tpu.memref_slice %arg2[%dma_start3A_83, %dma_start3A_84] : memref<10000x16xf32, #tpu.memory_space<hbm>> -> memref<10000x16xf32, #tpu.memory_space<hbm>>
      tpu.enqueue_indirect_dma source(%dma_start3A_85 : memref<10000x16xf32, #tpu.memory_space<hbm>>) target(%dma_start3A_79 : memref<80x16xf32, #tpu.memory_space<vmem>>) offsets(%dma_start3A_82 : memref<80xi32, #tpu.memory_space<vmem>>) semaphore(%arg7 : memref<!tpu.dma_semaphore, #tpu.memory_space<semaphore_mem>>)
      %add3A_86 = arith.constant 6 : i32
      %add3A_87 = arith.addi %mul3A_8, %add3A_86 : i32
      %dma_start3A_88 = arith.constant 6 : i32
      %dma_start3A_89 = arith.constant 0 : i32
      %dma_start3A_90 = arith.constant 0 : i32
      %dma_start3A_91 = tpu.memref_slice %arg6[%dma_start3A_88, %dma_start3A_89, %dma_start3A_90] : memref<8x80x16xf32, #tpu.memory_space<vmem>> -> memref<1x80x16xf32, #tpu.memory_space<vmem>>
      %dma_start3A_92 = tpu.memref_squeeze %dma_start3A_91 : memref<1x80x16xf32, #tpu.memory_space<vmem>> -> memref<80x16xf32, #tpu.memory_space<vmem>>
      %dma_start3A_93 = arith.constant 0 : i32
      %dma_start3A_94 = tpu.memref_slice %arg5[%add3A_87, %dma_start3A_93] : memref<128x80xi32, #tpu.memory_space<vmem>> -> memref<1x80xi32, #tpu.memory_space<vmem>>
      %dma_start3A_95 = tpu.memref_squeeze %dma_start3A_94 : memref<1x80xi32, #tpu.memory_space<vmem>> -> memref<80xi32, #tpu.memory_space<vmem>>
      %dma_start3A_96 = arith.constant 0 : i32
      %dma_start3A_97 = arith.constant 0 : i32
      %dma_start3A_98 = tpu.memref_slice %arg2[%dma_start3A_96, %dma_start3A_97] : memref<10000x16xf32, #tpu.memory_space<hbm>> -> memref<10000x16xf32, #tpu.memory_space<hbm>>
      tpu.enqueue_indirect_dma source(%dma_start3A_98 : memref<10000x16xf32, #tpu.memory_space<hbm>>) target(%dma_start3A_92 : memref<80x16xf32, #tpu.memory_space<vmem>>) offsets(%dma_start3A_95 : memref<80xi32, #tpu.memory_space<vmem>>) semaphore(%arg7 : memref<!tpu.dma_semaphore, #tpu.memory_space<semaphore_mem>>)
      %add3A_99 = arith.constant 7 : i32
      %add3A_100 = arith.addi %mul3A_8, %add3A_99 : i32
      %dma_start3A_101 = arith.constant 7 : i32
      %dma_start3A_102 = arith.constant 0 : i32
      %dma_start3A_103 = arith.constant 0 : i32
      %dma_start3A_104 = tpu.memref_slice %arg6[%dma_start3A_101, %dma_start3A_102, %dma_start3A_103] : memref<8x80x16xf32, #tpu.memory_space<vmem>> -> memref<1x80x16xf32, #tpu.memory_space<vmem>>
      %dma_start3A_105 = tpu.memref_squeeze %dma_start3A_104 : memref<1x80x16xf32, #tpu.memory_space<vmem>> -> memref<80x16xf32, #tpu.memory_space<vmem>>
      %dma_start3A_106 = arith.constant 0 : i32
      %dma_start3A_107 = tpu.memref_slice %arg5[%add3A_100, %dma_start3A_106] : memref<128x80xi32, #tpu.memory_space<vmem>> -> memref<1x80xi32, #tpu.memory_space<vmem>>
      %dma_start3A_108 = tpu.memref_squeeze %dma_start3A_107 : memref<1x80xi32, #tpu.memory_space<vmem>> -> memref<80xi32, #tpu.memory_space<vmem>>
      %dma_start3A_109 = arith.constant 0 : i32
      %dma_start3A_110 = arith.constant 0 : i32
      %dma_start3A_111 = tpu.memref_slice %arg2[%dma_start3A_109, %dma_start3A_110] : memref<10000x16xf32, #tpu.memory_space<hbm>> -> memref<10000x16xf32, #tpu.memory_space<hbm>>
      tpu.enqueue_indirect_dma source(%dma_start3A_111 : memref<10000x16xf32, #tpu.memory_space<hbm>>) target(%dma_start3A_105 : memref<80x16xf32, #tpu.memory_space<vmem>>) offsets(%dma_start3A_108 : memref<80xi32, #tpu.memory_space<vmem>>) semaphore(%arg7 : memref<!tpu.dma_semaphore, #tpu.memory_space<semaphore_mem>>)
      %dma_wait3A = arith.constant 0 : i32
      %dma_wait3A_112 = arith.constant 0 : i32
      %dma_wait3A_113 = arith.constant 0 : i32
      %dma_wait3A_114 = tpu.memref_slice %arg6[%dma_wait3A, %dma_wait3A_112, %dma_wait3A_113] : memref<8x80x16xf32, #tpu.memory_space<vmem>> -> memref<1x80x16xf32, #tpu.memory_space<vmem>>
      %dma_wait3A_115 = tpu.memref_squeeze %dma_wait3A_114 : memref<1x80x16xf32, #tpu.memory_space<vmem>> -> memref<80x16xf32, #tpu.memory_space<vmem>>
      %dma_wait3A_116 = arith.constant 0 : i32
      %dma_wait3A_117 = tpu.memref_slice %arg5[%add3A_10, %dma_wait3A_116] : memref<128x80xi32, #tpu.memory_space<vmem>> -> memref<1x80xi32, #tpu.memory_space<vmem>>
      %dma_wait3A_118 = tpu.memref_squeeze %dma_wait3A_117 : memref<1x80xi32, #tpu.memory_space<vmem>> -> memref<80xi32, #tpu.memory_space<vmem>>
      %dma_wait3A_119 = arith.constant 0 : i32
      %dma_wait3A_120 = arith.constant 0 : i32
      %dma_wait3A_121 = tpu.memref_slice %arg2[%dma_wait3A_119, %dma_wait3A_120] : memref<10000x16xf32, #tpu.memory_space<hbm>> -> memref<10000x16xf32, #tpu.memory_space<hbm>>
      tpu.wait_indirect_dma semaphore(%arg7 : memref<!tpu.dma_semaphore, #tpu.memory_space<semaphore_mem>>) src(%dma_wait3A_121 : memref<10000x16xf32, #tpu.memory_space<hbm>>) dst(%dma_wait3A_115 : memref<80x16xf32, #tpu.memory_space<vmem>>)
      %dma_wait3A_122 = arith.constant 1 : i32
      %dma_wait3A_123 = arith.constant 0 : i32
      %dma_wait3A_124 = arith.constant 0 : i32
      %dma_wait3A_125 = tpu.memref_slice %arg6[%dma_wait3A_122, %dma_wait3A_123, %dma_wait3A_124] : memref<8x80x16xf32, #tpu.memory_space<vmem>> -> memref<1x80x16xf32, #tpu.memory_space<vmem>>
      %dma_wait3A_126 = tpu.memref_squeeze %dma_wait3A_125 : memref<1x80x16xf32, #tpu.memory_space<vmem>> -> memref<80x16xf32, #tpu.memory_space<vmem>>
      %dma_wait3A_127 = arith.constant 0 : i32
      %dma_wait3A_128 = tpu.memref_slice %arg5[%add3A_22, %dma_wait3A_127] : memref<128x80xi32, #tpu.memory_space<vmem>> -> memref<1x80xi32, #tpu.memory_space<vmem>>
      %dma_wait3A_129 = tpu.memref_squeeze %dma_wait3A_128 : memref<1x80xi32, #tpu.memory_space<vmem>> -> memref<80xi32, #tpu.memory_space<vmem>>
      %dma_wait3A_130 = arith.constant 0 : i32
      %dma_wait3A_131 = arith.constant 0 : i32
      %dma_wait3A_132 = tpu.memref_slice %arg2[%dma_wait3A_130, %dma_wait3A_131] : memref<10000x16xf32, #tpu.memory_space<hbm>> -> memref<10000x16xf32, #tpu.memory_space<hbm>>
      tpu.wait_indirect_dma semaphore(%arg7 : memref<!tpu.dma_semaphore, #tpu.memory_space<semaphore_mem>>) src(%dma_wait3A_132 : memref<10000x16xf32, #tpu.memory_space<hbm>>) dst(%dma_wait3A_126 : memref<80x16xf32, #tpu.memory_space<vmem>>)
      %dma_wait3A_133 = arith.constant 2 : i32
      %dma_wait3A_134 = arith.constant 0 : i32
      %dma_wait3A_135 = arith.constant 0 : i32
      %dma_wait3A_136 = tpu.memref_slice %arg6[%dma_wait3A_133, %dma_wait3A_134, %dma_wait3A_135] : memref<8x80x16xf32, #tpu.memory_space<vmem>> -> memref<1x80x16xf32, #tpu.memory_space<vmem>>
      %dma_wait3A_137 = tpu.memref_squeeze %dma_wait3A_136 : memref<1x80x16xf32, #tpu.memory_space<vmem>> -> memref<80x16xf32, #tpu.memory_space<vmem>>
      %dma_wait3A_138 = arith.constant 0 : i32
      %dma_wait3A_139 = tpu.memref_slice %arg5[%add3A_35, %dma_wait3A_138] : memref<128x80xi32, #tpu.memory_space<vmem>> -> memref<1x80xi32, #tpu.memory_space<vmem>>
      %dma_wait3A_140 = tpu.memref_squeeze %dma_wait3A_139 : memref<1x80xi32, #tpu.memory_space<vmem>> -> memref<80xi32, #tpu.memory_space<vmem>>
      %dma_wait3A_141 = arith.constant 0 : i32
      %dma_wait3A_142 = arith.constant 0 : i32
      %dma_wait3A_143 = tpu.memref_slice %arg2[%dma_wait3A_141, %dma_wait3A_142] : memref<10000x16xf32, #tpu.memory_space<hbm>> -> memref<10000x16xf32, #tpu.memory_space<hbm>>
      tpu.wait_indirect_dma semaphore(%arg7 : memref<!tpu.dma_semaphore, #tpu.memory_space<semaphore_mem>>) src(%dma_wait3A_143 : memref<10000x16xf32, #tpu.memory_space<hbm>>) dst(%dma_wait3A_137 : memref<80x16xf32, #tpu.memory_space<vmem>>)
      %dma_wait3A_144 = arith.constant 3 : i32
      %dma_wait3A_145 = arith.constant 0 : i32
      %dma_wait3A_146 = arith.constant 0 : i32
      %dma_wait3A_147 = tpu.memref_slice %arg6[%dma_wait3A_144, %dma_wait3A_145, %dma_wait3A_146] : memref<8x80x16xf32, #tpu.memory_space<vmem>> -> memref<1x80x16xf32, #tpu.memory_space<vmem>>
      %dma_wait3A_148 = tpu.memref_squeeze %dma_wait3A_147 : memref<1x80x16xf32, #tpu.memory_space<vmem>> -> memref<80x16xf32, #tpu.memory_space<vmem>>
      %dma_wait3A_149 = arith.constant 0 : i32
      %dma_wait3A_150 = tpu.memref_slice %arg5[%add3A_48, %dma_wait3A_149] : memref<128x80xi32, #tpu.memory_space<vmem>> -> memref<1x80xi32, #tpu.memory_space<vmem>>
      %dma_wait3A_151 = tpu.memref_squeeze %dma_wait3A_150 : memref<1x80xi32, #tpu.memory_space<vmem>> -> memref<80xi32, #tpu.memory_space<vmem>>
      %dma_wait3A_152 = arith.constant 0 : i32
      %dma_wait3A_153 = arith.constant 0 : i32
      %dma_wait3A_154 = tpu.memref_slice %arg2[%dma_wait3A_152, %dma_wait3A_153] : memref<10000x16xf32, #tpu.memory_space<hbm>> -> memref<10000x16xf32, #tpu.memory_space<hbm>>
      tpu.wait_indirect_dma semaphore(%arg7 : memref<!tpu.dma_semaphore, #tpu.memory_space<semaphore_mem>>) src(%dma_wait3A_154 : memref<10000x16xf32, #tpu.memory_space<hbm>>) dst(%dma_wait3A_148 : memref<80x16xf32, #tpu.memory_space<vmem>>)
      %dma_wait3A_155 = arith.constant 4 : i32
      %dma_wait3A_156 = arith.constant 0 : i32
      %dma_wait3A_157 = arith.constant 0 : i32
      %dma_wait3A_158 = tpu.memref_slice %arg6[%dma_wait3A_155, %dma_wait3A_156, %dma_wait3A_157] : memref<8x80x16xf32, #tpu.memory_space<vmem>> -> memref<1x80x16xf32, #tpu.memory_space<vmem>>
      %dma_wait3A_159 = tpu.memref_squeeze %dma_wait3A_158 : memref<1x80x16xf32, #tpu.memory_space<vmem>> -> memref<80x16xf32, #tpu.memory_space<vmem>>
      %dma_wait3A_160 = arith.constant 0 : i32
      %dma_wait3A_161 = tpu.memref_slice %arg5[%add3A_61, %dma_wait3A_160] : memref<128x80xi32, #tpu.memory_space<vmem>> -> memref<1x80xi32, #tpu.memory_space<vmem>>
      %dma_wait3A_162 = tpu.memref_squeeze %dma_wait3A_161 : memref<1x80xi32, #tpu.memory_space<vmem>> -> memref<80xi32, #tpu.memory_space<vmem>>
      %dma_wait3A_163 = arith.constant 0 : i32
      %dma_wait3A_164 = arith.constant 0 : i32
      %dma_wait3A_165 = tpu.memref_slice %arg2[%dma_wait3A_163, %dma_wait3A_164] : memref<10000x16xf32, #tpu.memory_space<hbm>> -> memref<10000x16xf32, #tpu.memory_space<hbm>>
      tpu.wait_indirect_dma semaphore(%arg7 : memref<!tpu.dma_semaphore, #tpu.memory_space<semaphore_mem>>) src(%dma_wait3A_165 : memref<10000x16xf32, #tpu.memory_space<hbm>>) dst(%dma_wait3A_159 : memref<80x16xf32, #tpu.memory_space<vmem>>)
      %dma_wait3A_166 = arith.constant 5 : i32
      %dma_wait3A_167 = arith.constant 0 : i32
      %dma_wait3A_168 = arith.constant 0 : i32
      %dma_wait3A_169 = tpu.memref_slice %arg6[%dma_wait3A_166, %dma_wait3A_167, %dma_wait3A_168] : memref<8x80x16xf32, #tpu.memory_space<vmem>> -> memref<1x80x16xf32, #tpu.memory_space<vmem>>
      %dma_wait3A_170 = tpu.memref_squeeze %dma_wait3A_169 : memref<1x80x16xf32, #tpu.memory_space<vmem>> -> memref<80x16xf32, #tpu.memory_space<vmem>>
      %dma_wait3A_171 = arith.constant 0 : i32
      %dma_wait3A_172 = tpu.memref_slice %arg5[%add3A_74, %dma_wait3A_171] : memref<128x80xi32, #tpu.memory_space<vmem>> -> memref<1x80xi32, #tpu.memory_space<vmem>>
      %dma_wait3A_173 = tpu.memref_squeeze %dma_wait3A_172 : memref<1x80xi32, #tpu.memory_space<vmem>> -> memref<80xi32, #tpu.memory_space<vmem>>
      %dma_wait3A_174 = arith.constant 0 : i32
      %dma_wait3A_175 = arith.constant 0 : i32
      %dma_wait3A_176 = tpu.memref_slice %arg2[%dma_wait3A_174, %dma_wait3A_175] : memref<10000x16xf32, #tpu.memory_space<hbm>> -> memref<10000x16xf32, #tpu.memory_space<hbm>>
      tpu.wait_indirect_dma semaphore(%arg7 : memref<!tpu.dma_semaphore, #tpu.memory_space<semaphore_mem>>) src(%dma_wait3A_176 : memref<10000x16xf32, #tpu.memory_space<hbm>>) dst(%dma_wait3A_170 : memref<80x16xf32, #tpu.memory_space<vmem>>)
      %dma_wait3A_177 = arith.constant 6 : i32
      %dma_wait3A_178 = arith.constant 0 : i32
      %dma_wait3A_179 = arith.constant 0 : i32
      %dma_wait3A_180 = tpu.memref_slice %arg6[%dma_wait3A_177, %dma_wait3A_178, %dma_wait3A_179] : memref<8x80x16xf32, #tpu.memory_space<vmem>> -> memref<1x80x16xf32, #tpu.memory_space<vmem>>
      %dma_wait3A_181 = tpu.memref_squeeze %dma_wait3A_180 : memref<1x80x16xf32, #tpu.memory_space<vmem>> -> memref<80x16xf32, #tpu.memory_space<vmem>>
      %dma_wait3A_182 = arith.constant 0 : i32
      %dma_wait3A_183 = tpu.memref_slice %arg5[%add3A_87, %dma_wait3A_182] : memref<128x80xi32, #tpu.memory_space<vmem>> -> memref<1x80xi32, #tpu.memory_space<vmem>>
      %dma_wait3A_184 = tpu.memref_squeeze %dma_wait3A_183 : memref<1x80xi32, #tpu.memory_space<vmem>> -> memref<80xi32, #tpu.memory_space<vmem>>
      %dma_wait3A_185 = arith.constant 0 : i32
      %dma_wait3A_186 = arith.constant 0 : i32
      %dma_wait3A_187 = tpu.memref_slice %arg2[%dma_wait3A_185, %dma_wait3A_186] : memref<10000x16xf32, #tpu.memory_space<hbm>> -> memref<10000x16xf32, #tpu.memory_space<hbm>>
      tpu.wait_indirect_dma semaphore(%arg7 : memref<!tpu.dma_semaphore, #tpu.memory_space<semaphore_mem>>) src(%dma_wait3A_187 : memref<10000x16xf32, #tpu.memory_space<hbm>>) dst(%dma_wait3A_181 : memref<80x16xf32, #tpu.memory_space<vmem>>)
      %dma_wait3A_188 = arith.constant 7 : i32
      %dma_wait3A_189 = arith.constant 0 : i32
      %dma_wait3A_190 = arith.constant 0 : i32
      %dma_wait3A_191 = tpu.memref_slice %arg6[%dma_wait3A_188, %dma_wait3A_189, %dma_wait3A_190] : memref<8x80x16xf32, #tpu.memory_space<vmem>> -> memref<1x80x16xf32, #tpu.memory_space<vmem>>
      %dma_wait3A_192 = tpu.memref_squeeze %dma_wait3A_191 : memref<1x80x16xf32, #tpu.memory_space<vmem>> -> memref<80x16xf32, #tpu.memory_space<vmem>>
      %dma_wait3A_193 = arith.constant 0 : i32
      %dma_wait3A_194 = tpu.memref_slice %arg5[%add3A_100, %dma_wait3A_193] : memref<128x80xi32, #tpu.memory_space<vmem>> -> memref<1x80xi32, #tpu.memory_space<vmem>>
      %dma_wait3A_195 = tpu.memref_squeeze %dma_wait3A_194 : memref<1x80xi32, #tpu.memory_space<vmem>> -> memref<80xi32, #tpu.memory_space<vmem>>
      %dma_wait3A_196 = arith.constant 0 : i32
      %dma_wait3A_197 = arith.constant 0 : i32
      %dma_wait3A_198 = tpu.memref_slice %arg2[%dma_wait3A_196, %dma_wait3A_197] : memref<10000x16xf32, #tpu.memory_space<hbm>> -> memref<10000x16xf32, #tpu.memory_space<hbm>>
      tpu.wait_indirect_dma semaphore(%arg7 : memref<!tpu.dma_semaphore, #tpu.memory_space<semaphore_mem>>) src(%dma_wait3A_198 : memref<10000x16xf32, #tpu.memory_space<hbm>>) dst(%dma_wait3A_192 : memref<80x16xf32, #tpu.memory_space<vmem>>)
      %add3A_199 = arith.constant 0 : i32
      %add3A_200 = arith.addi %mul3A_8, %add3A_199 : i32
      %dma_start3A_201 = arith.constant 0 : i32
      %dma_start3A_202 = arith.constant 0 : i32
      %dma_start3A_203 = arith.constant 0 : i32
      %dma_start3A_204 = tpu.memref_slice %arg6[%dma_start3A_201, %dma_start3A_202, %dma_start3A_203] : memref<8x80x16xf32, #tpu.memory_space<vmem>> -> memref<1x80x16xf32, #tpu.memory_space<vmem>>
      %dma_start3A_205 = tpu.memref_squeeze %dma_start3A_204 : memref<1x80x16xf32, #tpu.memory_space<vmem>> -> memref<80x16xf32, #tpu.memory_space<vmem>>
      %dma_start3A_206 = arith.constant 0 : i32
      %dma_start3A_207 = arith.constant 0 : i32
      %dma_start3A_208 = tpu.memref_slice %arg4[%add3A, %add3A_200, %dma_start3A_206, %dma_start3A_207] : memref<32x128x80x16xf32, #tpu.memory_space<hbm>> -> memref<1x1x80x16xf32, #tpu.memory_space<hbm>>
      %dma_start3A_209 = tpu.memref_squeeze %dma_start3A_208 : memref<1x1x80x16xf32, #tpu.memory_space<hbm>> -> memref<80x16xf32, #tpu.memory_space<hbm>>
      %dma_start3A_210 = arith.constant 0 : i32
      %dma_start3A_211 = arith.constant 0 : i32
      %dma_start3A_212 = tpu.memref_slice %arg4[%add3A, %add3A_200, %dma_start3A_210, %dma_start3A_211] : memref<32x128x80x16xf32, #tpu.memory_space<hbm>> -> memref<1x1x80x16xf32, #tpu.memory_space<hbm>>
      %dma_start3A_213 = tpu.memref_squeeze %dma_start3A_212 : memref<1x1x80x16xf32, #tpu.memory_space<hbm>> -> memref<80x16xf32, #tpu.memory_space<hbm>>
      %dma_start3A_214 = arith.constant 0 : i32
      %dma_start3A_215 = arith.constant 0 : i32
      %dma_start3A_216 = tpu.memref_slice %arg6[%dma_start3A_201, %dma_start3A_214, %dma_start3A_215] : memref<8x80x16xf32, #tpu.memory_space<vmem>> -> memref<1x80x16xf32, #tpu.memory_space<vmem>>
      %dma_start3A_217 = tpu.memref_squeeze %dma_start3A_216 : memref<1x80x16xf32, #tpu.memory_space<vmem>> -> memref<80x16xf32, #tpu.memory_space<vmem>>
      tpu.enqueue_dma source(%dma_start3A_217 : memref<80x16xf32, #tpu.memory_space<vmem>>) target(%dma_start3A_213 : memref<80x16xf32, #tpu.memory_space<hbm>>) target_semaphore(%arg8 : memref<!tpu.dma_semaphore, #tpu.memory_space<semaphore_mem>>)
      %add3A_218 = arith.constant 1 : i32
      %add3A_219 = arith.addi %mul3A_8, %add3A_218 : i32
      %dma_start3A_220 = arith.constant 1 : i32
      %dma_start3A_221 = arith.constant 0 : i32
      %dma_start3A_222 = arith.constant 0 : i32
      %dma_start3A_223 = tpu.memref_slice %arg6[%dma_start3A_220, %dma_start3A_221, %dma_start3A_222] : memref<8x80x16xf32, #tpu.memory_space<vmem>> -> memref<1x80x16xf32, #tpu.memory_space<vmem>>
      %dma_start3A_224 = tpu.memref_squeeze %dma_start3A_223 : memref<1x80x16xf32, #tpu.memory_space<vmem>> -> memref<80x16xf32, #tpu.memory_space<vmem>>
      %dma_start3A_225 = arith.constant 0 : i32
      %dma_start3A_226 = arith.constant 0 : i32
      %dma_start3A_227 = tpu.memref_slice %arg4[%add3A, %add3A_219, %dma_start3A_225, %dma_start3A_226] : memref<32x128x80x16xf32, #tpu.memory_space<hbm>> -> memref<1x1x80x16xf32, #tpu.memory_space<hbm>>
      %dma_start3A_228 = tpu.memref_squeeze %dma_start3A_227 : memref<1x1x80x16xf32, #tpu.memory_space<hbm>> -> memref<80x16xf32, #tpu.memory_space<hbm>>
      %dma_start3A_229 = arith.constant 0 : i32
      %dma_start3A_230 = arith.constant 0 : i32
      %dma_start3A_231 = tpu.memref_slice %arg4[%add3A, %add3A_219, %dma_start3A_229, %dma_start3A_230] : memref<32x128x80x16xf32, #tpu.memory_space<hbm>> -> memref<1x1x80x16xf32, #tpu.memory_space<hbm>>
      %dma_start3A_232 = tpu.memref_squeeze %dma_start3A_231 : memref<1x1x80x16xf32, #tpu.memory_space<hbm>> -> memref<80x16xf32, #tpu.memory_space<hbm>>
      %dma_start3A_233 = arith.constant 0 : i32
      %dma_start3A_234 = arith.constant 0 : i32
      %dma_start3A_235 = tpu.memref_slice %arg6[%dma_start3A_220, %dma_start3A_233, %dma_start3A_234] : memref<8x80x16xf32, #tpu.memory_space<vmem>> -> memref<1x80x16xf32, #tpu.memory_space<vmem>>
      %dma_start3A_236 = tpu.memref_squeeze %dma_start3A_235 : memref<1x80x16xf32, #tpu.memory_space<vmem>> -> memref<80x16xf32, #tpu.memory_space<vmem>>
      tpu.enqueue_dma source(%dma_start3A_236 : memref<80x16xf32, #tpu.memory_space<vmem>>) target(%dma_start3A_232 : memref<80x16xf32, #tpu.memory_space<hbm>>) target_semaphore(%arg8 : memref<!tpu.dma_semaphore, #tpu.memory_space<semaphore_mem>>)
      %add3A_237 = arith.constant 2 : i32
      %add3A_238 = arith.addi %mul3A_8, %add3A_237 : i32
      %dma_start3A_239 = arith.constant 2 : i32
      %dma_start3A_240 = arith.constant 0 : i32
      %dma_start3A_241 = arith.constant 0 : i32
      %dma_start3A_242 = tpu.memref_slice %arg6[%dma_start3A_239, %dma_start3A_240, %dma_start3A_241] : memref<8x80x16xf32, #tpu.memory_space<vmem>> -> memref<1x80x16xf32, #tpu.memory_space<vmem>>
      %dma_start3A_243 = tpu.memref_squeeze %dma_start3A_242 : memref<1x80x16xf32, #tpu.memory_space<vmem>> -> memref<80x16xf32, #tpu.memory_space<vmem>>
      %dma_start3A_244 = arith.constant 0 : i32
      %dma_start3A_245 = arith.constant 0 : i32
      %dma_start3A_246 = tpu.memref_slice %arg4[%add3A, %add3A_238, %dma_start3A_244, %dma_start3A_245] : memref<32x128x80x16xf32, #tpu.memory_space<hbm>> -> memref<1x1x80x16xf32, #tpu.memory_space<hbm>>
      %dma_start3A_247 = tpu.memref_squeeze %dma_start3A_246 : memref<1x1x80x16xf32, #tpu.memory_space<hbm>> -> memref<80x16xf32, #tpu.memory_space<hbm>>
      %dma_start3A_248 = arith.constant 0 : i32
      %dma_start3A_249 = arith.constant 0 : i32
      %dma_start3A_250 = tpu.memref_slice %arg4[%add3A, %add3A_238, %dma_start3A_248, %dma_start3A_249] : memref<32x128x80x16xf32, #tpu.memory_space<hbm>> -> memref<1x1x80x16xf32, #tpu.memory_space<hbm>>
      %dma_start3A_251 = tpu.memref_squeeze %dma_start3A_250 : memref<1x1x80x16xf32, #tpu.memory_space<hbm>> -> memref<80x16xf32, #tpu.memory_space<hbm>>
      %dma_start3A_252 = arith.constant 0 : i32
      %dma_start3A_253 = arith.constant 0 : i32
      %dma_start3A_254 = tpu.memref_slice %arg6[%dma_start3A_239, %dma_start3A_252, %dma_start3A_253] : memref<8x80x16xf32, #tpu.memory_space<vmem>> -> memref<1x80x16xf32, #tpu.memory_space<vmem>>
      %dma_start3A_255 = tpu.memref_squeeze %dma_start3A_254 : memref<1x80x16xf32, #tpu.memory_space<vmem>> -> memref<80x16xf32, #tpu.memory_space<vmem>>
      tpu.enqueue_dma source(%dma_start3A_255 : memref<80x16xf32, #tpu.memory_space<vmem>>) target(%dma_start3A_251 : memref<80x16xf32, #tpu.memory_space<hbm>>) target_semaphore(%arg8 : memref<!tpu.dma_semaphore, #tpu.memory_space<semaphore_mem>>)
      %add3A_256 = arith.constant 3 : i32
      %add3A_257 = arith.addi %mul3A_8, %add3A_256 : i32
      %dma_start3A_258 = arith.constant 3 : i32
      %dma_start3A_259 = arith.constant 0 : i32
      %dma_start3A_260 = arith.constant 0 : i32
      %dma_start3A_261 = tpu.memref_slice %arg6[%dma_start3A_258, %dma_start3A_259, %dma_start3A_260] : memref<8x80x16xf32, #tpu.memory_space<vmem>> -> memref<1x80x16xf32, #tpu.memory_space<vmem>>
      %dma_start3A_262 = tpu.memref_squeeze %dma_start3A_261 : memref<1x80x16xf32, #tpu.memory_space<vmem>> -> memref<80x16xf32, #tpu.memory_space<vmem>>
      %dma_start3A_263 = arith.constant 0 : i32
      %dma_start3A_264 = arith.constant 0 : i32
      %dma_start3A_265 = tpu.memref_slice %arg4[%add3A, %add3A_257, %dma_start3A_263, %dma_start3A_264] : memref<32x128x80x16xf32, #tpu.memory_space<hbm>> -> memref<1x1x80x16xf32, #tpu.memory_space<hbm>>
      %dma_start3A_266 = tpu.memref_squeeze %dma_start3A_265 : memref<1x1x80x16xf32, #tpu.memory_space<hbm>> -> memref<80x16xf32, #tpu.memory_space<hbm>>
      %dma_start3A_267 = arith.constant 0 : i32
      %dma_start3A_268 = arith.constant 0 : i32
      %dma_start3A_269 = tpu.memref_slice %arg4[%add3A, %add3A_257, %dma_start3A_267, %dma_start3A_268] : memref<32x128x80x16xf32, #tpu.memory_space<hbm>> -> memref<1x1x80x16xf32, #tpu.memory_space<hbm>>
      %dma_start3A_270 = tpu.memref_squeeze %dma_start3A_269 : memref<1x1x80x16xf32, #tpu.memory_space<hbm>> -> memref<80x16xf32, #tpu.memory_space<hbm>>
      %dma_start3A_271 = arith.constant 0 : i32
      %dma_start3A_272 = arith.constant 0 : i32
      %dma_start3A_273 = tpu.memref_slice %arg6[%dma_start3A_258, %dma_start3A_271, %dma_start3A_272] : memref<8x80x16xf32, #tpu.memory_space<vmem>> -> memref<1x80x16xf32, #tpu.memory_space<vmem>>
      %dma_start3A_274 = tpu.memref_squeeze %dma_start3A_273 : memref<1x80x16xf32, #tpu.memory_space<vmem>> -> memref<80x16xf32, #tpu.memory_space<vmem>>
      tpu.enqueue_dma source(%dma_start3A_274 : memref<80x16xf32, #tpu.memory_space<vmem>>) target(%dma_start3A_270 : memref<80x16xf32, #tpu.memory_space<hbm>>) target_semaphore(%arg8 : memref<!tpu.dma_semaphore, #tpu.memory_space<semaphore_mem>>)
      %add3A_275 = arith.constant 4 : i32
      %add3A_276 = arith.addi %mul3A_8, %add3A_275 : i32
      %dma_start3A_277 = arith.constant 4 : i32
      %dma_start3A_278 = arith.constant 0 : i32
      %dma_start3A_279 = arith.constant 0 : i32
      %dma_start3A_280 = tpu.memref_slice %arg6[%dma_start3A_277, %dma_start3A_278, %dma_start3A_279] : memref<8x80x16xf32, #tpu.memory_space<vmem>> -> memref<1x80x16xf32, #tpu.memory_space<vmem>>
      %dma_start3A_281 = tpu.memref_squeeze %dma_start3A_280 : memref<1x80x16xf32, #tpu.memory_space<vmem>> -> memref<80x16xf32, #tpu.memory_space<vmem>>
      %dma_start3A_282 = arith.constant 0 : i32
      %dma_start3A_283 = arith.constant 0 : i32
      %dma_start3A_284 = tpu.memref_slice %arg4[%add3A, %add3A_276, %dma_start3A_282, %dma_start3A_283] : memref<32x128x80x16xf32, #tpu.memory_space<hbm>> -> memref<1x1x80x16xf32, #tpu.memory_space<hbm>>
      %dma_start3A_285 = tpu.memref_squeeze %dma_start3A_284 : memref<1x1x80x16xf32, #tpu.memory_space<hbm>> -> memref<80x16xf32, #tpu.memory_space<hbm>>
      %dma_start3A_286 = arith.constant 0 : i32
      %dma_start3A_287 = arith.constant 0 : i32
      %dma_start3A_288 = tpu.memref_slice %arg4[%add3A, %add3A_276, %dma_start3A_286, %dma_start3A_287] : memref<32x128x80x16xf32, #tpu.memory_space<hbm>> -> memref<1x1x80x16xf32, #tpu.memory_space<hbm>>
      %dma_start3A_289 = tpu.memref_squeeze %dma_start3A_288 : memref<1x1x80x16xf32, #tpu.memory_space<hbm>> -> memref<80x16xf32, #tpu.memory_space<hbm>>
      %dma_start3A_290 = arith.constant 0 : i32
      %dma_start3A_291 = arith.constant 0 : i32
      %dma_start3A_292 = tpu.memref_slice %arg6[%dma_start3A_277, %dma_start3A_290, %dma_start3A_291] : memref<8x80x16xf32, #tpu.memory_space<vmem>> -> memref<1x80x16xf32, #tpu.memory_space<vmem>>
      %dma_start3A_293 = tpu.memref_squeeze %dma_start3A_292 : memref<1x80x16xf32, #tpu.memory_space<vmem>> -> memref<80x16xf32, #tpu.memory_space<vmem>>
      tpu.enqueue_dma source(%dma_start3A_293 : memref<80x16xf32, #tpu.memory_space<vmem>>) target(%dma_start3A_289 : memref<80x16xf32, #tpu.memory_space<hbm>>) target_semaphore(%arg8 : memref<!tpu.dma_semaphore, #tpu.memory_space<semaphore_mem>>)
      %add3A_294 = arith.constant 5 : i32
      %add3A_295 = arith.addi %mul3A_8, %add3A_294 : i32
      %dma_start3A_296 = arith.constant 5 : i32
      %dma_start3A_297 = arith.constant 0 : i32
      %dma_start3A_298 = arith.constant 0 : i32
      %dma_start3A_299 = tpu.memref_slice %arg6[%dma_start3A_296, %dma_start3A_297, %dma_start3A_298] : memref<8x80x16xf32, #tpu.memory_space<vmem>> -> memref<1x80x16xf32, #tpu.memory_space<vmem>>
      %dma_start3A_300 = tpu.memref_squeeze %dma_start3A_299 : memref<1x80x16xf32, #tpu.memory_space<vmem>> -> memref<80x16xf32, #tpu.memory_space<vmem>>
      %dma_start3A_301 = arith.constant 0 : i32
      %dma_start3A_302 = arith.constant 0 : i32
      %dma_start3A_303 = tpu.memref_slice %arg4[%add3A, %add3A_295, %dma_start3A_301, %dma_start3A_302] : memref<32x128x80x16xf32, #tpu.memory_space<hbm>> -> memref<1x1x80x16xf32, #tpu.memory_space<hbm>>
      %dma_start3A_304 = tpu.memref_squeeze %dma_start3A_303 : memref<1x1x80x16xf32, #tpu.memory_space<hbm>> -> memref<80x16xf32, #tpu.memory_space<hbm>>
      %dma_start3A_305 = arith.constant 0 : i32
      %dma_start3A_306 = arith.constant 0 : i32
      %dma_start3A_307 = tpu.memref_slice %arg4[%add3A, %add3A_295, %dma_start3A_305, %dma_start3A_306] : memref<32x128x80x16xf32, #tpu.memory_space<hbm>> -> memref<1x1x80x16xf32, #tpu.memory_space<hbm>>
      %dma_start3A_308 = tpu.memref_squeeze %dma_start3A_307 : memref<1x1x80x16xf32, #tpu.memory_space<hbm>> -> memref<80x16xf32, #tpu.memory_space<hbm>>
      %dma_start3A_309 = arith.constant 0 : i32
      %dma_start3A_310 = arith.constant 0 : i32
      %dma_start3A_311 = tpu.memref_slice %arg6[%dma_start3A_296, %dma_start3A_309, %dma_start3A_310] : memref<8x80x16xf32, #tpu.memory_space<vmem>> -> memref<1x80x16xf32, #tpu.memory_space<vmem>>
      %dma_start3A_312 = tpu.memref_squeeze %dma_start3A_311 : memref<1x80x16xf32, #tpu.memory_space<vmem>> -> memref<80x16xf32, #tpu.memory_space<vmem>>
      tpu.enqueue_dma source(%dma_start3A_312 : memref<80x16xf32, #tpu.memory_space<vmem>>) target(%dma_start3A_308 : memref<80x16xf32, #tpu.memory_space<hbm>>) target_semaphore(%arg8 : memref<!tpu.dma_semaphore, #tpu.memory_space<semaphore_mem>>)
      %add3A_313 = arith.constant 6 : i32
      %add3A_314 = arith.addi %mul3A_8, %add3A_313 : i32
      %dma_start3A_315 = arith.constant 6 : i32
      %dma_start3A_316 = arith.constant 0 : i32
      %dma_start3A_317 = arith.constant 0 : i32
      %dma_start3A_318 = tpu.memref_slice %arg6[%dma_start3A_315, %dma_start3A_316, %dma_start3A_317] : memref<8x80x16xf32, #tpu.memory_space<vmem>> -> memref<1x80x16xf32, #tpu.memory_space<vmem>>
      %dma_start3A_319 = tpu.memref_squeeze %dma_start3A_318 : memref<1x80x16xf32, #tpu.memory_space<vmem>> -> memref<80x16xf32, #tpu.memory_space<vmem>>
      %dma_start3A_320 = arith.constant 0 : i32
      %dma_start3A_321 = arith.constant 0 : i32
      %dma_start3A_322 = tpu.memref_slice %arg4[%add3A, %add3A_314, %dma_start3A_320, %dma_start3A_321] : memref<32x128x80x16xf32, #tpu.memory_space<hbm>> -> memref<1x1x80x16xf32, #tpu.memory_space<hbm>>
      %dma_start3A_323 = tpu.memref_squeeze %dma_start3A_322 : memref<1x1x80x16xf32, #tpu.memory_space<hbm>> -> memref<80x16xf32, #tpu.memory_space<hbm>>
      %dma_start3A_324 = arith.constant 0 : i32
      %dma_start3A_325 = arith.constant 0 : i32
      %dma_start3A_326 = tpu.memref_slice %arg4[%add3A, %add3A_314, %dma_start3A_324, %dma_start3A_325] : memref<32x128x80x16xf32, #tpu.memory_space<hbm>> -> memref<1x1x80x16xf32, #tpu.memory_space<hbm>>
      %dma_start3A_327 = tpu.memref_squeeze %dma_start3A_326 : memref<1x1x80x16xf32, #tpu.memory_space<hbm>> -> memref<80x16xf32, #tpu.memory_space<hbm>>
      %dma_start3A_328 = arith.constant 0 : i32
      %dma_start3A_329 = arith.constant 0 : i32
      %dma_start3A_330 = tpu.memref_slice %arg6[%dma_start3A_315, %dma_start3A_328, %dma_start3A_329] : memref<8x80x16xf32, #tpu.memory_space<vmem>> -> memref<1x80x16xf32, #tpu.memory_space<vmem>>
      %dma_start3A_331 = tpu.memref_squeeze %dma_start3A_330 : memref<1x80x16xf32, #tpu.memory_space<vmem>> -> memref<80x16xf32, #tpu.memory_space<vmem>>
      tpu.enqueue_dma source(%dma_start3A_331 : memref<80x16xf32, #tpu.memory_space<vmem>>) target(%dma_start3A_327 : memref<80x16xf32, #tpu.memory_space<hbm>>) target_semaphore(%arg8 : memref<!tpu.dma_semaphore, #tpu.memory_space<semaphore_mem>>)
      %add3A_332 = arith.constant 7 : i32
      %add3A_333 = arith.addi %mul3A_8, %add3A_332 : i32
      %dma_start3A_334 = arith.constant 7 : i32
      %dma_start3A_335 = arith.constant 0 : i32
      %dma_start3A_336 = arith.constant 0 : i32
      %dma_start3A_337 = tpu.memref_slice %arg6[%dma_start3A_334, %dma_start3A_335, %dma_start3A_336] : memref<8x80x16xf32, #tpu.memory_space<vmem>> -> memref<1x80x16xf32, #tpu.memory_space<vmem>>
      %dma_start3A_338 = tpu.memref_squeeze %dma_start3A_337 : memref<1x80x16xf32, #tpu.memory_space<vmem>> -> memref<80x16xf32, #tpu.memory_space<vmem>>
      %dma_start3A_339 = arith.constant 0 : i32
      %dma_start3A_340 = arith.constant 0 : i32
      %dma_start3A_341 = tpu.memref_slice %arg4[%add3A, %add3A_333, %dma_start3A_339, %dma_start3A_340] : memref<32x128x80x16xf32, #tpu.memory_space<hbm>> -> memref<1x1x80x16xf32, #tpu.memory_space<hbm>>
      %dma_start3A_342 = tpu.memref_squeeze %dma_start3A_341 : memref<1x1x80x16xf32, #tpu.memory_space<hbm>> -> memref<80x16xf32, #tpu.memory_space<hbm>>
      %dma_start3A_343 = arith.constant 0 : i32
      %dma_start3A_344 = arith.constant 0 : i32
      %dma_start3A_345 = tpu.memref_slice %arg4[%add3A, %add3A_333, %dma_start3A_343, %dma_start3A_344] : memref<32x128x80x16xf32, #tpu.memory_space<hbm>> -> memref<1x1x80x16xf32, #tpu.memory_space<hbm>>
      %dma_start3A_346 = tpu.memref_squeeze %dma_start3A_345 : memref<1x1x80x16xf32, #tpu.memory_space<hbm>> -> memref<80x16xf32, #tpu.memory_space<hbm>>
      %dma_start3A_347 = arith.constant 0 : i32
      %dma_start3A_348 = arith.constant 0 : i32
      %dma_start3A_349 = tpu.memref_slice %arg6[%dma_start3A_334, %dma_start3A_347, %dma_start3A_348] : memref<8x80x16xf32, #tpu.memory_space<vmem>> -> memref<1x80x16xf32, #tpu.memory_space<vmem>>
      %dma_start3A_350 = tpu.memref_squeeze %dma_start3A_349 : memref<1x80x16xf32, #tpu.memory_space<vmem>> -> memref<80x16xf32, #tpu.memory_space<vmem>>
      tpu.enqueue_dma source(%dma_start3A_350 : memref<80x16xf32, #tpu.memory_space<vmem>>) target(%dma_start3A_346 : memref<80x16xf32, #tpu.memory_space<hbm>>) target_semaphore(%arg8 : memref<!tpu.dma_semaphore, #tpu.memory_space<semaphore_mem>>)
      %dma_wait3A_351 = arith.constant 0 : i32
      %dma_wait3A_352 = arith.constant 0 : i32
      %dma_wait3A_353 = arith.constant 0 : i32
      %dma_wait3A_354 = tpu.memref_slice %arg6[%dma_wait3A_351, %dma_wait3A_352, %dma_wait3A_353] : memref<8x80x16xf32, #tpu.memory_space<vmem>> -> memref<1x80x16xf32, #tpu.memory_space<vmem>>
      %dma_wait3A_355 = tpu.memref_squeeze %dma_wait3A_354 : memref<1x80x16xf32, #tpu.memory_space<vmem>> -> memref<80x16xf32, #tpu.memory_space<vmem>>
      %dma_wait3A_356 = arith.constant 0 : i32
      %dma_wait3A_357 = arith.constant 0 : i32
      %dma_wait3A_358 = tpu.memref_slice %arg4[%add3A, %add3A_200, %dma_wait3A_356, %dma_wait3A_357] : memref<32x128x80x16xf32, #tpu.memory_space<hbm>> -> memref<1x1x80x16xf32, #tpu.memory_space<hbm>>
      %dma_wait3A_359 = tpu.memref_squeeze %dma_wait3A_358 : memref<1x1x80x16xf32, #tpu.memory_space<hbm>> -> memref<80x16xf32, #tpu.memory_space<hbm>>
      %dma_wait3A_360 = arith.constant 0 : i32
      %dma_wait3A_361 = arith.constant 0 : i32
      %dma_wait3A_362 = tpu.memref_slice %arg4[%add3A, %add3A_200, %dma_wait3A_360, %dma_wait3A_361] : memref<32x128x80x16xf32, #tpu.memory_space<hbm>> -> memref<1x1x80x16xf32, #tpu.memory_space<hbm>>
      %dma_wait3A_363 = tpu.memref_squeeze %dma_wait3A_362 : memref<1x1x80x16xf32, #tpu.memory_space<hbm>> -> memref<80x16xf32, #tpu.memory_space<hbm>>
      %dma_wait3A_364 = arith.constant 0 : i32
      %dma_wait3A_365 = arith.constant 0 : i32
      %dma_wait3A_366 = tpu.memref_slice %arg6[%dma_wait3A_351, %dma_wait3A_364, %dma_wait3A_365] : memref<8x80x16xf32, #tpu.memory_space<vmem>> -> memref<1x80x16xf32, #tpu.memory_space<vmem>>
      %dma_wait3A_367 = tpu.memref_squeeze %dma_wait3A_366 : memref<1x80x16xf32, #tpu.memory_space<vmem>> -> memref<80x16xf32, #tpu.memory_space<vmem>>
      tpu.wait_dma2 semaphore(%arg8 : memref<!tpu.dma_semaphore, #tpu.memory_space<semaphore_mem>>) src(%dma_wait3A_367 : memref<80x16xf32, #tpu.memory_space<vmem>>) dst(%dma_wait3A_363 : memref<80x16xf32, #tpu.memory_space<hbm>>)
      %dma_wait3A_368 = arith.constant 1 : i32
      %dma_wait3A_369 = arith.constant 0 : i32
      %dma_wait3A_370 = arith.constant 0 : i32
      %dma_wait3A_371 = tpu.memref_slice %arg6[%dma_wait3A_368, %dma_wait3A_369, %dma_wait3A_370] : memref<8x80x16xf32, #tpu.memory_space<vmem>> -> memref<1x80x16xf32, #tpu.memory_space<vmem>>
      %dma_wait3A_372 = tpu.memref_squeeze %dma_wait3A_371 : memref<1x80x16xf32, #tpu.memory_space<vmem>> -> memref<80x16xf32, #tpu.memory_space<vmem>>
      %dma_wait3A_373 = arith.constant 0 : i32
      %dma_wait3A_374 = arith.constant 0 : i32
      %dma_wait3A_375 = tpu.memref_slice %arg4[%add3A, %add3A_219, %dma_wait3A_373, %dma_wait3A_374] : memref<32x128x80x16xf32, #tpu.memory_space<hbm>> -> memref<1x1x80x16xf32, #tpu.memory_space<hbm>>
      %dma_wait3A_376 = tpu.memref_squeeze %dma_wait3A_375 : memref<1x1x80x16xf32, #tpu.memory_space<hbm>> -> memref<80x16xf32, #tpu.memory_space<hbm>>
      %dma_wait3A_377 = arith.constant 0 : i32
      %dma_wait3A_378 = arith.constant 0 : i32
      %dma_wait3A_379 = tpu.memref_slice %arg4[%add3A, %add3A_219, %dma_wait3A_377, %dma_wait3A_378] : memref<32x128x80x16xf32, #tpu.memory_space<hbm>> -> memref<1x1x80x16xf32, #tpu.memory_space<hbm>>
      %dma_wait3A_380 = tpu.memref_squeeze %dma_wait3A_379 : memref<1x1x80x16xf32, #tpu.memory_space<hbm>> -> memref<80x16xf32, #tpu.memory_space<hbm>>
      %dma_wait3A_381 = arith.constant 0 : i32
      %dma_wait3A_382 = arith.constant 0 : i32
      %dma_wait3A_383 = tpu.memref_slice %arg6[%dma_wait3A_368, %dma_wait3A_381, %dma_wait3A_382] : memref<8x80x16xf32, #tpu.memory_space<vmem>> -> memref<1x80x16xf32, #tpu.memory_space<vmem>>
      %dma_wait3A_384 = tpu.memref_squeeze %dma_wait3A_383 : memref<1x80x16xf32, #tpu.memory_space<vmem>> -> memref<80x16xf32, #tpu.memory_space<vmem>>
      tpu.wait_dma2 semaphore(%arg8 : memref<!tpu.dma_semaphore, #tpu.memory_space<semaphore_mem>>) src(%dma_wait3A_384 : memref<80x16xf32, #tpu.memory_space<vmem>>) dst(%dma_wait3A_380 : memref<80x16xf32, #tpu.memory_space<hbm>>)
      %dma_wait3A_385 = arith.constant 2 : i32
      %dma_wait3A_386 = arith.constant 0 : i32
      %dma_wait3A_387 = arith.constant 0 : i32
      %dma_wait3A_388 = tpu.memref_slice %arg6[%dma_wait3A_385, %dma_wait3A_386, %dma_wait3A_387] : memref<8x80x16xf32, #tpu.memory_space<vmem>> -> memref<1x80x16xf32, #tpu.memory_space<vmem>>
      %dma_wait3A_389 = tpu.memref_squeeze %dma_wait3A_388 : memref<1x80x16xf32, #tpu.memory_space<vmem>> -> memref<80x16xf32, #tpu.memory_space<vmem>>
      %dma_wait3A_390 = arith.constant 0 : i32
      %dma_wait3A_391 = arith.constant 0 : i32
      %dma_wait3A_392 = tpu.memref_slice %arg4[%add3A, %add3A_238, %dma_wait3A_390, %dma_wait3A_391] : memref<32x128x80x16xf32, #tpu.memory_space<hbm>> -> memref<1x1x80x16xf32, #tpu.memory_space<hbm>>
      %dma_wait3A_393 = tpu.memref_squeeze %dma_wait3A_392 : memref<1x1x80x16xf32, #tpu.memory_space<hbm>> -> memref<80x16xf32, #tpu.memory_space<hbm>>
      %dma_wait3A_394 = arith.constant 0 : i32
      %dma_wait3A_395 = arith.constant 0 : i32
      %dma_wait3A_396 = tpu.memref_slice %arg4[%add3A, %add3A_238, %dma_wait3A_394, %dma_wait3A_395] : memref<32x128x80x16xf32, #tpu.memory_space<hbm>> -> memref<1x1x80x16xf32, #tpu.memory_space<hbm>>
      %dma_wait3A_397 = tpu.memref_squeeze %dma_wait3A_396 : memref<1x1x80x16xf32, #tpu.memory_space<hbm>> -> memref<80x16xf32, #tpu.memory_space<hbm>>
      %dma_wait3A_398 = arith.constant 0 : i32
      %dma_wait3A_399 = arith.constant 0 : i32
      %dma_wait3A_400 = tpu.memref_slice %arg6[%dma_wait3A_385, %dma_wait3A_398, %dma_wait3A_399] : memref<8x80x16xf32, #tpu.memory_space<vmem>> -> memref<1x80x16xf32, #tpu.memory_space<vmem>>
      %dma_wait3A_401 = tpu.memref_squeeze %dma_wait3A_400 : memref<1x80x16xf32, #tpu.memory_space<vmem>> -> memref<80x16xf32, #tpu.memory_space<vmem>>
      tpu.wait_dma2 semaphore(%arg8 : memref<!tpu.dma_semaphore, #tpu.memory_space<semaphore_mem>>) src(%dma_wait3A_401 : memref<80x16xf32, #tpu.memory_space<vmem>>) dst(%dma_wait3A_397 : memref<80x16xf32, #tpu.memory_space<hbm>>)
      %dma_wait3A_402 = arith.constant 3 : i32
      %dma_wait3A_403 = arith.constant 0 : i32
      %dma_wait3A_404 = arith.constant 0 : i32
      %dma_wait3A_405 = tpu.memref_slice %arg6[%dma_wait3A_402, %dma_wait3A_403, %dma_wait3A_404] : memref<8x80x16xf32, #tpu.memory_space<vmem>> -> memref<1x80x16xf32, #tpu.memory_space<vmem>>
      %dma_wait3A_406 = tpu.memref_squeeze %dma_wait3A_405 : memref<1x80x16xf32, #tpu.memory_space<vmem>> -> memref<80x16xf32, #tpu.memory_space<vmem>>
      %dma_wait3A_407 = arith.constant 0 : i32
      %dma_wait3A_408 = arith.constant 0 : i32
      %dma_wait3A_409 = tpu.memref_slice %arg4[%add3A, %add3A_257, %dma_wait3A_407, %dma_wait3A_408] : memref<32x128x80x16xf32, #tpu.memory_space<hbm>> -> memref<1x1x80x16xf32, #tpu.memory_space<hbm>>
      %dma_wait3A_410 = tpu.memref_squeeze %dma_wait3A_409 : memref<1x1x80x16xf32, #tpu.memory_space<hbm>> -> memref<80x16xf32, #tpu.memory_space<hbm>>
      %dma_wait3A_411 = arith.constant 0 : i32
      %dma_wait3A_412 = arith.constant 0 : i32
      %dma_wait3A_413 = tpu.memref_slice %arg4[%add3A, %add3A_257, %dma_wait3A_411, %dma_wait3A_412] : memref<32x128x80x16xf32, #tpu.memory_space<hbm>> -> memref<1x1x80x16xf32, #tpu.memory_space<hbm>>
      %dma_wait3A_414 = tpu.memref_squeeze %dma_wait3A_413 : memref<1x1x80x16xf32, #tpu.memory_space<hbm>> -> memref<80x16xf32, #tpu.memory_space<hbm>>
      %dma_wait3A_415 = arith.constant 0 : i32
      %dma_wait3A_416 = arith.constant 0 : i32
      %dma_wait3A_417 = tpu.memref_slice %arg6[%dma_wait3A_402, %dma_wait3A_415, %dma_wait3A_416] : memref<8x80x16xf32, #tpu.memory_space<vmem>> -> memref<1x80x16xf32, #tpu.memory_space<vmem>>
      %dma_wait3A_418 = tpu.memref_squeeze %dma_wait3A_417 : memref<1x80x16xf32, #tpu.memory_space<vmem>> -> memref<80x16xf32, #tpu.memory_space<vmem>>
      tpu.wait_dma2 semaphore(%arg8 : memref<!tpu.dma_semaphore, #tpu.memory_space<semaphore_mem>>) src(%dma_wait3A_418 : memref<80x16xf32, #tpu.memory_space<vmem>>) dst(%dma_wait3A_414 : memref<80x16xf32, #tpu.memory_space<hbm>>)
      %dma_wait3A_419 = arith.constant 4 : i32
      %dma_wait3A_420 = arith.constant 0 : i32
      %dma_wait3A_421 = arith.constant 0 : i32
      %dma_wait3A_422 = tpu.memref_slice %arg6[%dma_wait3A_419, %dma_wait3A_420, %dma_wait3A_421] : memref<8x80x16xf32, #tpu.memory_space<vmem>> -> memref<1x80x16xf32, #tpu.memory_space<vmem>>
      %dma_wait3A_423 = tpu.memref_squeeze %dma_wait3A_422 : memref<1x80x16xf32, #tpu.memory_space<vmem>> -> memref<80x16xf32, #tpu.memory_space<vmem>>
      %dma_wait3A_424 = arith.constant 0 : i32
      %dma_wait3A_425 = arith.constant 0 : i32
      %dma_wait3A_426 = tpu.memref_slice %arg4[%add3A, %add3A_276, %dma_wait3A_424, %dma_wait3A_425] : memref<32x128x80x16xf32, #tpu.memory_space<hbm>> -> memref<1x1x80x16xf32, #tpu.memory_space<hbm>>
      %dma_wait3A_427 = tpu.memref_squeeze %dma_wait3A_426 : memref<1x1x80x16xf32, #tpu.memory_space<hbm>> -> memref<80x16xf32, #tpu.memory_space<hbm>>
      %dma_wait3A_428 = arith.constant 0 : i32
      %dma_wait3A_429 = arith.constant 0 : i32
      %dma_wait3A_430 = tpu.memref_slice %arg4[%add3A, %add3A_276, %dma_wait3A_428, %dma_wait3A_429] : memref<32x128x80x16xf32, #tpu.memory_space<hbm>> -> memref<1x1x80x16xf32, #tpu.memory_space<hbm>>
      %dma_wait3A_431 = tpu.memref_squeeze %dma_wait3A_430 : memref<1x1x80x16xf32, #tpu.memory_space<hbm>> -> memref<80x16xf32, #tpu.memory_space<hbm>>
      %dma_wait3A_432 = arith.constant 0 : i32
      %dma_wait3A_433 = arith.constant 0 : i32
      %dma_wait3A_434 = tpu.memref_slice %arg6[%dma_wait3A_419, %dma_wait3A_432, %dma_wait3A_433] : memref<8x80x16xf32, #tpu.memory_space<vmem>> -> memref<1x80x16xf32, #tpu.memory_space<vmem>>
      %dma_wait3A_435 = tpu.memref_squeeze %dma_wait3A_434 : memref<1x80x16xf32, #tpu.memory_space<vmem>> -> memref<80x16xf32, #tpu.memory_space<vmem>>
      tpu.wait_dma2 semaphore(%arg8 : memref<!tpu.dma_semaphore, #tpu.memory_space<semaphore_mem>>) src(%dma_wait3A_435 : memref<80x16xf32, #tpu.memory_space<vmem>>) dst(%dma_wait3A_431 : memref<80x16xf32, #tpu.memory_space<hbm>>)
      %dma_wait3A_436 = arith.constant 5 : i32
      %dma_wait3A_437 = arith.constant 0 : i32
      %dma_wait3A_438 = arith.constant 0 : i32
      %dma_wait3A_439 = tpu.memref_slice %arg6[%dma_wait3A_436, %dma_wait3A_437, %dma_wait3A_438] : memref<8x80x16xf32, #tpu.memory_space<vmem>> -> memref<1x80x16xf32, #tpu.memory_space<vmem>>
      %dma_wait3A_440 = tpu.memref_squeeze %dma_wait3A_439 : memref<1x80x16xf32, #tpu.memory_space<vmem>> -> memref<80x16xf32, #tpu.memory_space<vmem>>
      %dma_wait3A_441 = arith.constant 0 : i32
      %dma_wait3A_442 = arith.constant 0 : i32
      %dma_wait3A_443 = tpu.memref_slice %arg4[%add3A, %add3A_295, %dma_wait3A_441, %dma_wait3A_442] : memref<32x128x80x16xf32, #tpu.memory_space<hbm>> -> memref<1x1x80x16xf32, #tpu.memory_space<hbm>>
      %dma_wait3A_444 = tpu.memref_squeeze %dma_wait3A_443 : memref<1x1x80x16xf32, #tpu.memory_space<hbm>> -> memref<80x16xf32, #tpu.memory_space<hbm>>
      %dma_wait3A_445 = arith.constant 0 : i32
      %dma_wait3A_446 = arith.constant 0 : i32
      %dma_wait3A_447 = tpu.memref_slice %arg4[%add3A, %add3A_295, %dma_wait3A_445, %dma_wait3A_446] : memref<32x128x80x16xf32, #tpu.memory_space<hbm>> -> memref<1x1x80x16xf32, #tpu.memory_space<hbm>>
      %dma_wait3A_448 = tpu.memref_squeeze %dma_wait3A_447 : memref<1x1x80x16xf32, #tpu.memory_space<hbm>> -> memref<80x16xf32, #tpu.memory_space<hbm>>
      %dma_wait3A_449 = arith.constant 0 : i32
      %dma_wait3A_450 = arith.constant 0 : i32
      %dma_wait3A_451 = tpu.memref_slice %arg6[%dma_wait3A_436, %dma_wait3A_449, %dma_wait3A_450] : memref<8x80x16xf32, #tpu.memory_space<vmem>> -> memref<1x80x16xf32, #tpu.memory_space<vmem>>
      %dma_wait3A_452 = tpu.memref_squeeze %dma_wait3A_451 : memref<1x80x16xf32, #tpu.memory_space<vmem>> -> memref<80x16xf32, #tpu.memory_space<vmem>>
      tpu.wait_dma2 semaphore(%arg8 : memref<!tpu.dma_semaphore, #tpu.memory_space<semaphore_mem>>) src(%dma_wait3A_452 : memref<80x16xf32, #tpu.memory_space<vmem>>) dst(%dma_wait3A_448 : memref<80x16xf32, #tpu.memory_space<hbm>>)
      %dma_wait3A_453 = arith.constant 6 : i32
      %dma_wait3A_454 = arith.constant 0 : i32
      %dma_wait3A_455 = arith.constant 0 : i32
      %dma_wait3A_456 = tpu.memref_slice %arg6[%dma_wait3A_453, %dma_wait3A_454, %dma_wait3A_455] : memref<8x80x16xf32, #tpu.memory_space<vmem>> -> memref<1x80x16xf32, #tpu.memory_space<vmem>>
      %dma_wait3A_457 = tpu.memref_squeeze %dma_wait3A_456 : memref<1x80x16xf32, #tpu.memory_space<vmem>> -> memref<80x16xf32, #tpu.memory_space<vmem>>
      %dma_wait3A_458 = arith.constant 0 : i32
      %dma_wait3A_459 = arith.constant 0 : i32
      %dma_wait3A_460 = tpu.memref_slice %arg4[%add3A, %add3A_314, %dma_wait3A_458, %dma_wait3A_459] : memref<32x128x80x16xf32, #tpu.memory_space<hbm>> -> memref<1x1x80x16xf32, #tpu.memory_space<hbm>>
      %dma_wait3A_461 = tpu.memref_squeeze %dma_wait3A_460 : memref<1x1x80x16xf32, #tpu.memory_space<hbm>> -> memref<80x16xf32, #tpu.memory_space<hbm>>
      %dma_wait3A_462 = arith.constant 0 : i32
      %dma_wait3A_463 = arith.constant 0 : i32
      %dma_wait3A_464 = tpu.memref_slice %arg4[%add3A, %add3A_314, %dma_wait3A_462, %dma_wait3A_463] : memref<32x128x80x16xf32, #tpu.memory_space<hbm>> -> memref<1x1x80x16xf32, #tpu.memory_space<hbm>>
      %dma_wait3A_465 = tpu.memref_squeeze %dma_wait3A_464 : memref<1x1x80x16xf32, #tpu.memory_space<hbm>> -> memref<80x16xf32, #tpu.memory_space<hbm>>
      %dma_wait3A_466 = arith.constant 0 : i32
      %dma_wait3A_467 = arith.constant 0 : i32
      %dma_wait3A_468 = tpu.memref_slice %arg6[%dma_wait3A_453, %dma_wait3A_466, %dma_wait3A_467] : memref<8x80x16xf32, #tpu.memory_space<vmem>> -> memref<1x80x16xf32, #tpu.memory_space<vmem>>
      %dma_wait3A_469 = tpu.memref_squeeze %dma_wait3A_468 : memref<1x80x16xf32, #tpu.memory_space<vmem>> -> memref<80x16xf32, #tpu.memory_space<vmem>>
      tpu.wait_dma2 semaphore(%arg8 : memref<!tpu.dma_semaphore, #tpu.memory_space<semaphore_mem>>) src(%dma_wait3A_469 : memref<80x16xf32, #tpu.memory_space<vmem>>) dst(%dma_wait3A_465 : memref<80x16xf32, #tpu.memory_space<hbm>>)
      %dma_wait3A_470 = arith.constant 7 : i32
      %dma_wait3A_471 = arith.constant 0 : i32
      %dma_wait3A_472 = arith.constant 0 : i32
      %dma_wait3A_473 = tpu.memref_slice %arg6[%dma_wait3A_470, %dma_wait3A_471, %dma_wait3A_472] : memref<8x80x16xf32, #tpu.memory_space<vmem>> -> memref<1x80x16xf32, #tpu.memory_space<vmem>>
      %dma_wait3A_474 = tpu.memref_squeeze %dma_wait3A_473 : memref<1x80x16xf32, #tpu.memory_space<vmem>> -> memref<80x16xf32, #tpu.memory_space<vmem>>
      %dma_wait3A_475 = arith.constant 0 : i32
      %dma_wait3A_476 = arith.constant 0 : i32
      %dma_wait3A_477 = tpu.memref_slice %arg4[%add3A, %add3A_333, %dma_wait3A_475, %dma_wait3A_476] : memref<32x128x80x16xf32, #tpu.memory_space<hbm>> -> memref<1x1x80x16xf32, #tpu.memory_space<hbm>>
      %dma_wait3A_478 = tpu.memref_squeeze %dma_wait3A_477 : memref<1x1x80x16xf32, #tpu.memory_space<hbm>> -> memref<80x16xf32, #tpu.memory_space<hbm>>
      %dma_wait3A_479 = arith.constant 0 : i32
      %dma_wait3A_480 = arith.constant 0 : i32
      %dma_wait3A_481 = tpu.memref_slice %arg4[%add3A, %add3A_333, %dma_wait3A_479, %dma_wait3A_480] : memref<32x128x80x16xf32, #tpu.memory_space<hbm>> -> memref<1x1x80x16xf32, #tpu.memory_space<hbm>>
      %dma_wait3A_482 = tpu.memref_squeeze %dma_wait3A_481 : memref<1x1x80x16xf32, #tpu.memory_space<hbm>> -> memref<80x16xf32, #tpu.memory_space<hbm>>
      %dma_wait3A_483 = arith.constant 0 : i32
      %dma_wait3A_484 = arith.constant 0 : i32
      %dma_wait3A_485 = tpu.memref_slice %arg6[%dma_wait3A_470, %dma_wait3A_483, %dma_wait3A_484] : memref<8x80x16xf32, #tpu.memory_space<vmem>> -> memref<1x80x16xf32, #tpu.memory_space<vmem>>
      %dma_wait3A_486 = tpu.memref_squeeze %dma_wait3A_485 : memref<1x80x16xf32, #tpu.memory_space<vmem>> -> memref<80x16xf32, #tpu.memory_space<vmem>>
      tpu.wait_dma2 semaphore(%arg8 : memref<!tpu.dma_semaphore, #tpu.memory_space<semaphore_mem>>) src(%dma_wait3A_486 : memref<80x16xf32, #tpu.memory_space<vmem>>) dst(%dma_wait3A_482 : memref<80x16xf32, #tpu.memory_space<hbm>>)
    }
    %scan3A_5 = arith.constant 16 : i32
    return
  }
}

#map = affine_map<(d0, d1) -> (0, 0, 0, 0)>
#map1 = affine_map<(d0, d1) -> (0, 0, 0)>
#map2 = affine_map<(d0, d1) -> (0, 0)>
module attributes {stable_mosaic.version = 14 : i64} {
  func.func @_scatter_body(%arg0: i32, %arg1: i32, %arg2: memref<32x128x80x16xf32, #tpu.memory_space<hbm>>, %arg3: memref<32x128x80xi32, #tpu.memory_space<hbm>>, %arg4: memref<10016x16xf32, #tpu.memory_space<hbm>>, %arg5: memref<2x10016x16xf32, #tpu.memory_space<hbm>>, %arg6: memref<128x80xi32, #tpu.memory_space<vmem>>, %arg7: memref<8x80x16xf32, #tpu.memory_space<vmem>>, %arg8: memref<10016x16xf32, #tpu.memory_space<vmem_shared>>, %arg9: memref<!tpu.dma_semaphore, #tpu.memory_space<semaphore_mem>>, %arg10: memref<!tpu.dma_semaphore, #tpu.memory_space<semaphore_mem>>) attributes {dimension_semantics = [#tpu.dimension_semantics<core_parallel>, #tpu.dimension_semantics<subcore_parallel>], iteration_bounds = array<i64: 2, 16>, scalar_prefetch = 0 : i64, scratch_operands = 5 : i64, tpu.core_type = #tpu.core_type<sc_vector_subcore>, window_params = [{transform_indices = #map}, {transform_indices = #map1}, {transform_indices = #map2}, {transform_indices = #map1}]} {
    %mul3A = arith.constant 2 : i32
    %mul3A_0 = arith.muli %arg1, %mul3A : i32
    %add3A = arith.addi %mul3A_0, %arg0 : i32
    %mul3A_1 = arith.constant 626 : i32
    %mul3A_2 = arith.muli %arg1, %mul3A_1 : i32
    %mul3A_3 = arith.constant 626 : i32
    %mul3A_4 = arith.muli %arg1, %mul3A_3 : i32
    "tpu.region"() ({
      %run_scoped3A = tpu.sem_alloc : memref<!tpu.dma_semaphore, #tpu.memory_space<semaphore_mem>>
      %dma_start3A = arith.constant 0 : i32
      %dma_start3A_15 = tpu.memref_slice %arg8[%mul3A_4, %dma_start3A] : memref<10016x16xf32, #tpu.memory_space<vmem_shared>> -> memref<626x16xf32, #tpu.memory_space<vmem_shared>>
      %dma_start3A_16 = arith.constant 0 : i32
      %dma_start3A_17 = tpu.memref_slice %arg4[%mul3A_2, %dma_start3A_16] : memref<10016x16xf32, #tpu.memory_space<hbm>> -> memref<626x16xf32, #tpu.memory_space<hbm>>
      tpu.enqueue_dma source(%dma_start3A_17 : memref<626x16xf32, #tpu.memory_space<hbm>>) target(%dma_start3A_15 : memref<626x16xf32, #tpu.memory_space<vmem_shared>>) target_semaphore(%run_scoped3A : memref<!tpu.dma_semaphore, #tpu.memory_space<semaphore_mem>>)
      %dma_wait3A = arith.constant 0 : i32
      %dma_wait3A_18 = tpu.memref_slice %arg8[%mul3A_4, %dma_wait3A] : memref<10016x16xf32, #tpu.memory_space<vmem_shared>> -> memref<626x16xf32, #tpu.memory_space<vmem_shared>>
      %dma_wait3A_19 = arith.constant 0 : i32
      %dma_wait3A_20 = tpu.memref_slice %arg4[%mul3A_2, %dma_wait3A_19] : memref<10016x16xf32, #tpu.memory_space<hbm>> -> memref<626x16xf32, #tpu.memory_space<hbm>>
      tpu.wait_dma2 semaphore(%run_scoped3A : memref<!tpu.dma_semaphore, #tpu.memory_space<semaphore_mem>>) src(%dma_wait3A_20 : memref<626x16xf32, #tpu.memory_space<hbm>>) dst(%dma_wait3A_18 : memref<626x16xf32, #tpu.memory_space<vmem_shared>>)
      tpu.yield
    }) : () -> ()
    %barrier3A = arith.constant 0 : index
    tpu.barrier barrier_id(%barrier3A)
    "tpu.region"() ({
      %run_scoped3A = tpu.sem_alloc : memref<!tpu.dma_semaphore, #tpu.memory_space<semaphore_mem>>
      %dma_start3A = arith.constant 0 : i32
      %dma_start3A_15 = arith.constant 0 : i32
      %dma_start3A_16 = tpu.memref_slice %arg3[%add3A, %dma_start3A, %dma_start3A_15] : memref<32x128x80xi32, #tpu.memory_space<hbm>> -> memref<1x128x80xi32, #tpu.memory_space<hbm>>
      %dma_start3A_17 = tpu.memref_squeeze %dma_start3A_16 : memref<1x128x80xi32, #tpu.memory_space<hbm>> -> memref<128x80xi32, #tpu.memory_space<hbm>>
      %dma_start3A_18 = arith.constant 0 : i32
      %dma_start3A_19 = arith.constant 0 : i32
      %dma_start3A_20 = tpu.memref_slice %arg3[%add3A, %dma_start3A_18, %dma_start3A_19] : memref<32x128x80xi32, #tpu.memory_space<hbm>> -> memref<1x128x80xi32, #tpu.memory_space<hbm>>
      %dma_start3A_21 = tpu.memref_squeeze %dma_start3A_20 : memref<1x128x80xi32, #tpu.memory_space<hbm>> -> memref<128x80xi32, #tpu.memory_space<hbm>>
      tpu.enqueue_dma source(%dma_start3A_21 : memref<128x80xi32, #tpu.memory_space<hbm>>) target(%arg6 : memref<128x80xi32, #tpu.memory_space<vmem>>) target_semaphore(%run_scoped3A : memref<!tpu.dma_semaphore, #tpu.memory_space<semaphore_mem>>)
      %dma_wait3A = arith.constant 0 : i32
      %dma_wait3A_22 = arith.constant 0 : i32
      %dma_wait3A_23 = tpu.memref_slice %arg3[%add3A, %dma_wait3A, %dma_wait3A_22] : memref<32x128x80xi32, #tpu.memory_space<hbm>> -> memref<1x128x80xi32, #tpu.memory_space<hbm>>
      %dma_wait3A_24 = tpu.memref_squeeze %dma_wait3A_23 : memref<1x128x80xi32, #tpu.memory_space<hbm>> -> memref<128x80xi32, #tpu.memory_space<hbm>>
      %dma_wait3A_25 = arith.constant 0 : i32
      %dma_wait3A_26 = arith.constant 0 : i32
      %dma_wait3A_27 = tpu.memref_slice %arg3[%add3A, %dma_wait3A_25, %dma_wait3A_26] : memref<32x128x80xi32, #tpu.memory_space<hbm>> -> memref<1x128x80xi32, #tpu.memory_space<hbm>>
      %dma_wait3A_28 = tpu.memref_squeeze %dma_wait3A_27 : memref<1x128x80xi32, #tpu.memory_space<hbm>> -> memref<128x80xi32, #tpu.memory_space<hbm>>
      tpu.wait_dma2 semaphore(%run_scoped3A : memref<!tpu.dma_semaphore, #tpu.memory_space<semaphore_mem>>) src(%dma_wait3A_28 : memref<128x80xi32, #tpu.memory_space<hbm>>) dst(%arg6 : memref<128x80xi32, #tpu.memory_space<vmem>>)
      tpu.yield
    }) : () -> ()
    %scan3A = arith.constant 0 : i32
    %scan3A_5 = arith.constant 0 : i32
    %scan3A_6 = arith.constant 16 : i32
    %scan3A_7 = arith.addi %scan3A_5, %scan3A_6 : i32
    %scan3A_8 = arith.constant 1 : i32
    scf.for %scan3A_15 = %scan3A_5 to %scan3A_7 step %scan3A_8  : i32 {
      %mul3A_16 = arith.constant 8 : i32
      %mul3A_17 = arith.muli %scan3A_15, %mul3A_16 : i32
      %add3A_18 = arith.constant 0 : i32
      %add3A_19 = arith.addi %mul3A_17, %add3A_18 : i32
      %dma_start3A = arith.constant 0 : i32
      %dma_start3A_20 = arith.constant 0 : i32
      %dma_start3A_21 = arith.constant 0 : i32
      %dma_start3A_22 = tpu.memref_slice %arg7[%dma_start3A, %dma_start3A_20, %dma_start3A_21] : memref<8x80x16xf32, #tpu.memory_space<vmem>> -> memref<1x80x16xf32, #tpu.memory_space<vmem>>
      %dma_start3A_23 = tpu.memref_squeeze %dma_start3A_22 : memref<1x80x16xf32, #tpu.memory_space<vmem>> -> memref<80x16xf32, #tpu.memory_space<vmem>>
      %dma_start3A_24 = arith.constant 0 : i32
      %dma_start3A_25 = arith.constant 0 : i32
      %dma_start3A_26 = tpu.memref_slice %arg2[%add3A, %add3A_19, %dma_start3A_24, %dma_start3A_25] : memref<32x128x80x16xf32, #tpu.memory_space<hbm>> -> memref<1x1x80x16xf32, #tpu.memory_space<hbm>>
      %dma_start3A_27 = tpu.memref_squeeze %dma_start3A_26 : memref<1x1x80x16xf32, #tpu.memory_space<hbm>> -> memref<80x16xf32, #tpu.memory_space<hbm>>
      %dma_start3A_28 = arith.constant 0 : i32
      %dma_start3A_29 = arith.constant 0 : i32
      %dma_start3A_30 = tpu.memref_slice %arg7[%dma_start3A, %dma_start3A_28, %dma_start3A_29] : memref<8x80x16xf32, #tpu.memory_space<vmem>> -> memref<1x80x16xf32, #tpu.memory_space<vmem>>
      %dma_start3A_31 = tpu.memref_squeeze %dma_start3A_30 : memref<1x80x16xf32, #tpu.memory_space<vmem>> -> memref<80x16xf32, #tpu.memory_space<vmem>>
      %dma_start3A_32 = arith.constant 0 : i32
      %dma_start3A_33 = arith.constant 0 : i32
      %dma_start3A_34 = tpu.memref_slice %arg2[%add3A, %add3A_19, %dma_start3A_32, %dma_start3A_33] : memref<32x128x80x16xf32, #tpu.memory_space<hbm>> -> memref<1x1x80x16xf32, #tpu.memory_space<hbm>>
      %dma_start3A_35 = tpu.memref_squeeze %dma_start3A_34 : memref<1x1x80x16xf32, #tpu.memory_space<hbm>> -> memref<80x16xf32, #tpu.memory_space<hbm>>
      tpu.enqueue_dma source(%dma_start3A_35 : memref<80x16xf32, #tpu.memory_space<hbm>>) target(%dma_start3A_31 : memref<80x16xf32, #tpu.memory_space<vmem>>) target_semaphore(%arg9 : memref<!tpu.dma_semaphore, #tpu.memory_space<semaphore_mem>>)
      %add3A_36 = arith.constant 1 : i32
      %add3A_37 = arith.addi %mul3A_17, %add3A_36 : i32
      %dma_start3A_38 = arith.constant 1 : i32
      %dma_start3A_39 = arith.constant 0 : i32
      %dma_start3A_40 = arith.constant 0 : i32
      %dma_start3A_41 = tpu.memref_slice %arg7[%dma_start3A_38, %dma_start3A_39, %dma_start3A_40] : memref<8x80x16xf32, #tpu.memory_space<vmem>> -> memref<1x80x16xf32, #tpu.memory_space<vmem>>
      %dma_start3A_42 = tpu.memref_squeeze %dma_start3A_41 : memref<1x80x16xf32, #tpu.memory_space<vmem>> -> memref<80x16xf32, #tpu.memory_space<vmem>>
      %dma_start3A_43 = arith.constant 0 : i32
      %dma_start3A_44 = arith.constant 0 : i32
      %dma_start3A_45 = tpu.memref_slice %arg2[%add3A, %add3A_37, %dma_start3A_43, %dma_start3A_44] : memref<32x128x80x16xf32, #tpu.memory_space<hbm>> -> memref<1x1x80x16xf32, #tpu.memory_space<hbm>>
      %dma_start3A_46 = tpu.memref_squeeze %dma_start3A_45 : memref<1x1x80x16xf32, #tpu.memory_space<hbm>> -> memref<80x16xf32, #tpu.memory_space<hbm>>
      %dma_start3A_47 = arith.constant 0 : i32
      %dma_start3A_48 = arith.constant 0 : i32
      %dma_start3A_49 = tpu.memref_slice %arg7[%dma_start3A_38, %dma_start3A_47, %dma_start3A_48] : memref<8x80x16xf32, #tpu.memory_space<vmem>> -> memref<1x80x16xf32, #tpu.memory_space<vmem>>
      %dma_start3A_50 = tpu.memref_squeeze %dma_start3A_49 : memref<1x80x16xf32, #tpu.memory_space<vmem>> -> memref<80x16xf32, #tpu.memory_space<vmem>>
      %dma_start3A_51 = arith.constant 0 : i32
      %dma_start3A_52 = arith.constant 0 : i32
      %dma_start3A_53 = tpu.memref_slice %arg2[%add3A, %add3A_37, %dma_start3A_51, %dma_start3A_52] : memref<32x128x80x16xf32, #tpu.memory_space<hbm>> -> memref<1x1x80x16xf32, #tpu.memory_space<hbm>>
      %dma_start3A_54 = tpu.memref_squeeze %dma_start3A_53 : memref<1x1x80x16xf32, #tpu.memory_space<hbm>> -> memref<80x16xf32, #tpu.memory_space<hbm>>
      tpu.enqueue_dma source(%dma_start3A_54 : memref<80x16xf32, #tpu.memory_space<hbm>>) target(%dma_start3A_50 : memref<80x16xf32, #tpu.memory_space<vmem>>) target_semaphore(%arg9 : memref<!tpu.dma_semaphore, #tpu.memory_space<semaphore_mem>>)
      %add3A_55 = arith.constant 2 : i32
      %add3A_56 = arith.addi %mul3A_17, %add3A_55 : i32
      %dma_start3A_57 = arith.constant 2 : i32
      %dma_start3A_58 = arith.constant 0 : i32
      %dma_start3A_59 = arith.constant 0 : i32
      %dma_start3A_60 = tpu.memref_slice %arg7[%dma_start3A_57, %dma_start3A_58, %dma_start3A_59] : memref<8x80x16xf32, #tpu.memory_space<vmem>> -> memref<1x80x16xf32, #tpu.memory_space<vmem>>
      %dma_start3A_61 = tpu.memref_squeeze %dma_start3A_60 : memref<1x80x16xf32, #tpu.memory_space<vmem>> -> memref<80x16xf32, #tpu.memory_space<vmem>>
      %dma_start3A_62 = arith.constant 0 : i32
      %dma_start3A_63 = arith.constant 0 : i32
      %dma_start3A_64 = tpu.memref_slice %arg2[%add3A, %add3A_56, %dma_start3A_62, %dma_start3A_63] : memref<32x128x80x16xf32, #tpu.memory_space<hbm>> -> memref<1x1x80x16xf32, #tpu.memory_space<hbm>>
      %dma_start3A_65 = tpu.memref_squeeze %dma_start3A_64 : memref<1x1x80x16xf32, #tpu.memory_space<hbm>> -> memref<80x16xf32, #tpu.memory_space<hbm>>
      %dma_start3A_66 = arith.constant 0 : i32
      %dma_start3A_67 = arith.constant 0 : i32
      %dma_start3A_68 = tpu.memref_slice %arg7[%dma_start3A_57, %dma_start3A_66, %dma_start3A_67] : memref<8x80x16xf32, #tpu.memory_space<vmem>> -> memref<1x80x16xf32, #tpu.memory_space<vmem>>
      %dma_start3A_69 = tpu.memref_squeeze %dma_start3A_68 : memref<1x80x16xf32, #tpu.memory_space<vmem>> -> memref<80x16xf32, #tpu.memory_space<vmem>>
      %dma_start3A_70 = arith.constant 0 : i32
      %dma_start3A_71 = arith.constant 0 : i32
      %dma_start3A_72 = tpu.memref_slice %arg2[%add3A, %add3A_56, %dma_start3A_70, %dma_start3A_71] : memref<32x128x80x16xf32, #tpu.memory_space<hbm>> -> memref<1x1x80x16xf32, #tpu.memory_space<hbm>>
      %dma_start3A_73 = tpu.memref_squeeze %dma_start3A_72 : memref<1x1x80x16xf32, #tpu.memory_space<hbm>> -> memref<80x16xf32, #tpu.memory_space<hbm>>
      tpu.enqueue_dma source(%dma_start3A_73 : memref<80x16xf32, #tpu.memory_space<hbm>>) target(%dma_start3A_69 : memref<80x16xf32, #tpu.memory_space<vmem>>) target_semaphore(%arg9 : memref<!tpu.dma_semaphore, #tpu.memory_space<semaphore_mem>>)
      %add3A_74 = arith.constant 3 : i32
      %add3A_75 = arith.addi %mul3A_17, %add3A_74 : i32
      %dma_start3A_76 = arith.constant 3 : i32
      %dma_start3A_77 = arith.constant 0 : i32
      %dma_start3A_78 = arith.constant 0 : i32
      %dma_start3A_79 = tpu.memref_slice %arg7[%dma_start3A_76, %dma_start3A_77, %dma_start3A_78] : memref<8x80x16xf32, #tpu.memory_space<vmem>> -> memref<1x80x16xf32, #tpu.memory_space<vmem>>
      %dma_start3A_80 = tpu.memref_squeeze %dma_start3A_79 : memref<1x80x16xf32, #tpu.memory_space<vmem>> -> memref<80x16xf32, #tpu.memory_space<vmem>>
      %dma_start3A_81 = arith.constant 0 : i32
      %dma_start3A_82 = arith.constant 0 : i32
      %dma_start3A_83 = tpu.memref_slice %arg2[%add3A, %add3A_75, %dma_start3A_81, %dma_start3A_82] : memref<32x128x80x16xf32, #tpu.memory_space<hbm>> -> memref<1x1x80x16xf32, #tpu.memory_space<hbm>>
      %dma_start3A_84 = tpu.memref_squeeze %dma_start3A_83 : memref<1x1x80x16xf32, #tpu.memory_space<hbm>> -> memref<80x16xf32, #tpu.memory_space<hbm>>
      %dma_start3A_85 = arith.constant 0 : i32
      %dma_start3A_86 = arith.constant 0 : i32
      %dma_start3A_87 = tpu.memref_slice %arg7[%dma_start3A_76, %dma_start3A_85, %dma_start3A_86] : memref<8x80x16xf32, #tpu.memory_space<vmem>> -> memref<1x80x16xf32, #tpu.memory_space<vmem>>
      %dma_start3A_88 = tpu.memref_squeeze %dma_start3A_87 : memref<1x80x16xf32, #tpu.memory_space<vmem>> -> memref<80x16xf32, #tpu.memory_space<vmem>>
      %dma_start3A_89 = arith.constant 0 : i32
      %dma_start3A_90 = arith.constant 0 : i32
      %dma_start3A_91 = tpu.memref_slice %arg2[%add3A, %add3A_75, %dma_start3A_89, %dma_start3A_90] : memref<32x128x80x16xf32, #tpu.memory_space<hbm>> -> memref<1x1x80x16xf32, #tpu.memory_space<hbm>>
      %dma_start3A_92 = tpu.memref_squeeze %dma_start3A_91 : memref<1x1x80x16xf32, #tpu.memory_space<hbm>> -> memref<80x16xf32, #tpu.memory_space<hbm>>
      tpu.enqueue_dma source(%dma_start3A_92 : memref<80x16xf32, #tpu.memory_space<hbm>>) target(%dma_start3A_88 : memref<80x16xf32, #tpu.memory_space<vmem>>) target_semaphore(%arg9 : memref<!tpu.dma_semaphore, #tpu.memory_space<semaphore_mem>>)
      %add3A_93 = arith.constant 4 : i32
      %add3A_94 = arith.addi %mul3A_17, %add3A_93 : i32
      %dma_start3A_95 = arith.constant 4 : i32
      %dma_start3A_96 = arith.constant 0 : i32
      %dma_start3A_97 = arith.constant 0 : i32
      %dma_start3A_98 = tpu.memref_slice %arg7[%dma_start3A_95, %dma_start3A_96, %dma_start3A_97] : memref<8x80x16xf32, #tpu.memory_space<vmem>> -> memref<1x80x16xf32, #tpu.memory_space<vmem>>
      %dma_start3A_99 = tpu.memref_squeeze %dma_start3A_98 : memref<1x80x16xf32, #tpu.memory_space<vmem>> -> memref<80x16xf32, #tpu.memory_space<vmem>>
      %dma_start3A_100 = arith.constant 0 : i32
      %dma_start3A_101 = arith.constant 0 : i32
      %dma_start3A_102 = tpu.memref_slice %arg2[%add3A, %add3A_94, %dma_start3A_100, %dma_start3A_101] : memref<32x128x80x16xf32, #tpu.memory_space<hbm>> -> memref<1x1x80x16xf32, #tpu.memory_space<hbm>>
      %dma_start3A_103 = tpu.memref_squeeze %dma_start3A_102 : memref<1x1x80x16xf32, #tpu.memory_space<hbm>> -> memref<80x16xf32, #tpu.memory_space<hbm>>
      %dma_start3A_104 = arith.constant 0 : i32
      %dma_start3A_105 = arith.constant 0 : i32
      %dma_start3A_106 = tpu.memref_slice %arg7[%dma_start3A_95, %dma_start3A_104, %dma_start3A_105] : memref<8x80x16xf32, #tpu.memory_space<vmem>> -> memref<1x80x16xf32, #tpu.memory_space<vmem>>
      %dma_start3A_107 = tpu.memref_squeeze %dma_start3A_106 : memref<1x80x16xf32, #tpu.memory_space<vmem>> -> memref<80x16xf32, #tpu.memory_space<vmem>>
      %dma_start3A_108 = arith.constant 0 : i32
      %dma_start3A_109 = arith.constant 0 : i32
      %dma_start3A_110 = tpu.memref_slice %arg2[%add3A, %add3A_94, %dma_start3A_108, %dma_start3A_109] : memref<32x128x80x16xf32, #tpu.memory_space<hbm>> -> memref<1x1x80x16xf32, #tpu.memory_space<hbm>>
      %dma_start3A_111 = tpu.memref_squeeze %dma_start3A_110 : memref<1x1x80x16xf32, #tpu.memory_space<hbm>> -> memref<80x16xf32, #tpu.memory_space<hbm>>
      tpu.enqueue_dma source(%dma_start3A_111 : memref<80x16xf32, #tpu.memory_space<hbm>>) target(%dma_start3A_107 : memref<80x16xf32, #tpu.memory_space<vmem>>) target_semaphore(%arg9 : memref<!tpu.dma_semaphore, #tpu.memory_space<semaphore_mem>>)
      %add3A_112 = arith.constant 5 : i32
      %add3A_113 = arith.addi %mul3A_17, %add3A_112 : i32
      %dma_start3A_114 = arith.constant 5 : i32
      %dma_start3A_115 = arith.constant 0 : i32
      %dma_start3A_116 = arith.constant 0 : i32
      %dma_start3A_117 = tpu.memref_slice %arg7[%dma_start3A_114, %dma_start3A_115, %dma_start3A_116] : memref<8x80x16xf32, #tpu.memory_space<vmem>> -> memref<1x80x16xf32, #tpu.memory_space<vmem>>
      %dma_start3A_118 = tpu.memref_squeeze %dma_start3A_117 : memref<1x80x16xf32, #tpu.memory_space<vmem>> -> memref<80x16xf32, #tpu.memory_space<vmem>>
      %dma_start3A_119 = arith.constant 0 : i32
      %dma_start3A_120 = arith.constant 0 : i32
      %dma_start3A_121 = tpu.memref_slice %arg2[%add3A, %add3A_113, %dma_start3A_119, %dma_start3A_120] : memref<32x128x80x16xf32, #tpu.memory_space<hbm>> -> memref<1x1x80x16xf32, #tpu.memory_space<hbm>>
      %dma_start3A_122 = tpu.memref_squeeze %dma_start3A_121 : memref<1x1x80x16xf32, #tpu.memory_space<hbm>> -> memref<80x16xf32, #tpu.memory_space<hbm>>
      %dma_start3A_123 = arith.constant 0 : i32
      %dma_start3A_124 = arith.constant 0 : i32
      %dma_start3A_125 = tpu.memref_slice %arg7[%dma_start3A_114, %dma_start3A_123, %dma_start3A_124] : memref<8x80x16xf32, #tpu.memory_space<vmem>> -> memref<1x80x16xf32, #tpu.memory_space<vmem>>
      %dma_start3A_126 = tpu.memref_squeeze %dma_start3A_125 : memref<1x80x16xf32, #tpu.memory_space<vmem>> -> memref<80x16xf32, #tpu.memory_space<vmem>>
      %dma_start3A_127 = arith.constant 0 : i32
      %dma_start3A_128 = arith.constant 0 : i32
      %dma_start3A_129 = tpu.memref_slice %arg2[%add3A, %add3A_113, %dma_start3A_127, %dma_start3A_128] : memref<32x128x80x16xf32, #tpu.memory_space<hbm>> -> memref<1x1x80x16xf32, #tpu.memory_space<hbm>>
      %dma_start3A_130 = tpu.memref_squeeze %dma_start3A_129 : memref<1x1x80x16xf32, #tpu.memory_space<hbm>> -> memref<80x16xf32, #tpu.memory_space<hbm>>
      tpu.enqueue_dma source(%dma_start3A_130 : memref<80x16xf32, #tpu.memory_space<hbm>>) target(%dma_start3A_126 : memref<80x16xf32, #tpu.memory_space<vmem>>) target_semaphore(%arg9 : memref<!tpu.dma_semaphore, #tpu.memory_space<semaphore_mem>>)
      %add3A_131 = arith.constant 6 : i32
      %add3A_132 = arith.addi %mul3A_17, %add3A_131 : i32
      %dma_start3A_133 = arith.constant 6 : i32
      %dma_start3A_134 = arith.constant 0 : i32
      %dma_start3A_135 = arith.constant 0 : i32
      %dma_start3A_136 = tpu.memref_slice %arg7[%dma_start3A_133, %dma_start3A_134, %dma_start3A_135] : memref<8x80x16xf32, #tpu.memory_space<vmem>> -> memref<1x80x16xf32, #tpu.memory_space<vmem>>
      %dma_start3A_137 = tpu.memref_squeeze %dma_start3A_136 : memref<1x80x16xf32, #tpu.memory_space<vmem>> -> memref<80x16xf32, #tpu.memory_space<vmem>>
      %dma_start3A_138 = arith.constant 0 : i32
      %dma_start3A_139 = arith.constant 0 : i32
      %dma_start3A_140 = tpu.memref_slice %arg2[%add3A, %add3A_132, %dma_start3A_138, %dma_start3A_139] : memref<32x128x80x16xf32, #tpu.memory_space<hbm>> -> memref<1x1x80x16xf32, #tpu.memory_space<hbm>>
      %dma_start3A_141 = tpu.memref_squeeze %dma_start3A_140 : memref<1x1x80x16xf32, #tpu.memory_space<hbm>> -> memref<80x16xf32, #tpu.memory_space<hbm>>
      %dma_start3A_142 = arith.constant 0 : i32
      %dma_start3A_143 = arith.constant 0 : i32
      %dma_start3A_144 = tpu.memref_slice %arg7[%dma_start3A_133, %dma_start3A_142, %dma_start3A_143] : memref<8x80x16xf32, #tpu.memory_space<vmem>> -> memref<1x80x16xf32, #tpu.memory_space<vmem>>
      %dma_start3A_145 = tpu.memref_squeeze %dma_start3A_144 : memref<1x80x16xf32, #tpu.memory_space<vmem>> -> memref<80x16xf32, #tpu.memory_space<vmem>>
      %dma_start3A_146 = arith.constant 0 : i32
      %dma_start3A_147 = arith.constant 0 : i32
      %dma_start3A_148 = tpu.memref_slice %arg2[%add3A, %add3A_132, %dma_start3A_146, %dma_start3A_147] : memref<32x128x80x16xf32, #tpu.memory_space<hbm>> -> memref<1x1x80x16xf32, #tpu.memory_space<hbm>>
      %dma_start3A_149 = tpu.memref_squeeze %dma_start3A_148 : memref<1x1x80x16xf32, #tpu.memory_space<hbm>> -> memref<80x16xf32, #tpu.memory_space<hbm>>
      tpu.enqueue_dma source(%dma_start3A_149 : memref<80x16xf32, #tpu.memory_space<hbm>>) target(%dma_start3A_145 : memref<80x16xf32, #tpu.memory_space<vmem>>) target_semaphore(%arg9 : memref<!tpu.dma_semaphore, #tpu.memory_space<semaphore_mem>>)
      %add3A_150 = arith.constant 7 : i32
      %add3A_151 = arith.addi %mul3A_17, %add3A_150 : i32
      %dma_start3A_152 = arith.constant 7 : i32
      %dma_start3A_153 = arith.constant 0 : i32
      %dma_start3A_154 = arith.constant 0 : i32
      %dma_start3A_155 = tpu.memref_slice %arg7[%dma_start3A_152, %dma_start3A_153, %dma_start3A_154] : memref<8x80x16xf32, #tpu.memory_space<vmem>> -> memref<1x80x16xf32, #tpu.memory_space<vmem>>
      %dma_start3A_156 = tpu.memref_squeeze %dma_start3A_155 : memref<1x80x16xf32, #tpu.memory_space<vmem>> -> memref<80x16xf32, #tpu.memory_space<vmem>>
      %dma_start3A_157 = arith.constant 0 : i32
      %dma_start3A_158 = arith.constant 0 : i32
      %dma_start3A_159 = tpu.memref_slice %arg2[%add3A, %add3A_151, %dma_start3A_157, %dma_start3A_158] : memref<32x128x80x16xf32, #tpu.memory_space<hbm>> -> memref<1x1x80x16xf32, #tpu.memory_space<hbm>>
      %dma_start3A_160 = tpu.memref_squeeze %dma_start3A_159 : memref<1x1x80x16xf32, #tpu.memory_space<hbm>> -> memref<80x16xf32, #tpu.memory_space<hbm>>
      %dma_start3A_161 = arith.constant 0 : i32
      %dma_start3A_162 = arith.constant 0 : i32
      %dma_start3A_163 = tpu.memref_slice %arg7[%dma_start3A_152, %dma_start3A_161, %dma_start3A_162] : memref<8x80x16xf32, #tpu.memory_space<vmem>> -> memref<1x80x16xf32, #tpu.memory_space<vmem>>
      %dma_start3A_164 = tpu.memref_squeeze %dma_start3A_163 : memref<1x80x16xf32, #tpu.memory_space<vmem>> -> memref<80x16xf32, #tpu.memory_space<vmem>>
      %dma_start3A_165 = arith.constant 0 : i32
      %dma_start3A_166 = arith.constant 0 : i32
      %dma_start3A_167 = tpu.memref_slice %arg2[%add3A, %add3A_151, %dma_start3A_165, %dma_start3A_166] : memref<32x128x80x16xf32, #tpu.memory_space<hbm>> -> memref<1x1x80x16xf32, #tpu.memory_space<hbm>>
      %dma_start3A_168 = tpu.memref_squeeze %dma_start3A_167 : memref<1x1x80x16xf32, #tpu.memory_space<hbm>> -> memref<80x16xf32, #tpu.memory_space<hbm>>
      tpu.enqueue_dma source(%dma_start3A_168 : memref<80x16xf32, #tpu.memory_space<hbm>>) target(%dma_start3A_164 : memref<80x16xf32, #tpu.memory_space<vmem>>) target_semaphore(%arg9 : memref<!tpu.dma_semaphore, #tpu.memory_space<semaphore_mem>>)
      %dma_wait3A = arith.constant 0 : i32
      %dma_wait3A_169 = arith.constant 0 : i32
      %dma_wait3A_170 = arith.constant 0 : i32
      %dma_wait3A_171 = tpu.memref_slice %arg7[%dma_wait3A, %dma_wait3A_169, %dma_wait3A_170] : memref<8x80x16xf32, #tpu.memory_space<vmem>> -> memref<1x80x16xf32, #tpu.memory_space<vmem>>
      %dma_wait3A_172 = tpu.memref_squeeze %dma_wait3A_171 : memref<1x80x16xf32, #tpu.memory_space<vmem>> -> memref<80x16xf32, #tpu.memory_space<vmem>>
      %dma_wait3A_173 = arith.constant 0 : i32
      %dma_wait3A_174 = arith.constant 0 : i32
      %dma_wait3A_175 = tpu.memref_slice %arg2[%add3A, %add3A_19, %dma_wait3A_173, %dma_wait3A_174] : memref<32x128x80x16xf32, #tpu.memory_space<hbm>> -> memref<1x1x80x16xf32, #tpu.memory_space<hbm>>
      %dma_wait3A_176 = tpu.memref_squeeze %dma_wait3A_175 : memref<1x1x80x16xf32, #tpu.memory_space<hbm>> -> memref<80x16xf32, #tpu.memory_space<hbm>>
      %dma_wait3A_177 = arith.constant 0 : i32
      %dma_wait3A_178 = arith.constant 0 : i32
      %dma_wait3A_179 = tpu.memref_slice %arg7[%dma_wait3A, %dma_wait3A_177, %dma_wait3A_178] : memref<8x80x16xf32, #tpu.memory_space<vmem>> -> memref<1x80x16xf32, #tpu.memory_space<vmem>>
      %dma_wait3A_180 = tpu.memref_squeeze %dma_wait3A_179 : memref<1x80x16xf32, #tpu.memory_space<vmem>> -> memref<80x16xf32, #tpu.memory_space<vmem>>
      %dma_wait3A_181 = arith.constant 0 : i32
      %dma_wait3A_182 = arith.constant 0 : i32
      %dma_wait3A_183 = tpu.memref_slice %arg2[%add3A, %add3A_19, %dma_wait3A_181, %dma_wait3A_182] : memref<32x128x80x16xf32, #tpu.memory_space<hbm>> -> memref<1x1x80x16xf32, #tpu.memory_space<hbm>>
      %dma_wait3A_184 = tpu.memref_squeeze %dma_wait3A_183 : memref<1x1x80x16xf32, #tpu.memory_space<hbm>> -> memref<80x16xf32, #tpu.memory_space<hbm>>
      tpu.wait_dma2 semaphore(%arg9 : memref<!tpu.dma_semaphore, #tpu.memory_space<semaphore_mem>>) src(%dma_wait3A_184 : memref<80x16xf32, #tpu.memory_space<hbm>>) dst(%dma_wait3A_180 : memref<80x16xf32, #tpu.memory_space<vmem>>)
      %dma_wait3A_185 = arith.constant 1 : i32
      %dma_wait3A_186 = arith.constant 0 : i32
      %dma_wait3A_187 = arith.constant 0 : i32
      %dma_wait3A_188 = tpu.memref_slice %arg7[%dma_wait3A_185, %dma_wait3A_186, %dma_wait3A_187] : memref<8x80x16xf32, #tpu.memory_space<vmem>> -> memref<1x80x16xf32, #tpu.memory_space<vmem>>
      %dma_wait3A_189 = tpu.memref_squeeze %dma_wait3A_188 : memref<1x80x16xf32, #tpu.memory_space<vmem>> -> memref<80x16xf32, #tpu.memory_space<vmem>>
      %dma_wait3A_190 = arith.constant 0 : i32
      %dma_wait3A_191 = arith.constant 0 : i32
      %dma_wait3A_192 = tpu.memref_slice %arg2[%add3A, %add3A_37, %dma_wait3A_190, %dma_wait3A_191] : memref<32x128x80x16xf32, #tpu.memory_space<hbm>> -> memref<1x1x80x16xf32, #tpu.memory_space<hbm>>
      %dma_wait3A_193 = tpu.memref_squeeze %dma_wait3A_192 : memref<1x1x80x16xf32, #tpu.memory_space<hbm>> -> memref<80x16xf32, #tpu.memory_space<hbm>>
      %dma_wait3A_194 = arith.constant 0 : i32
      %dma_wait3A_195 = arith.constant 0 : i32
      %dma_wait3A_196 = tpu.memref_slice %arg7[%dma_wait3A_185, %dma_wait3A_194, %dma_wait3A_195] : memref<8x80x16xf32, #tpu.memory_space<vmem>> -> memref<1x80x16xf32, #tpu.memory_space<vmem>>
      %dma_wait3A_197 = tpu.memref_squeeze %dma_wait3A_196 : memref<1x80x16xf32, #tpu.memory_space<vmem>> -> memref<80x16xf32, #tpu.memory_space<vmem>>
      %dma_wait3A_198 = arith.constant 0 : i32
      %dma_wait3A_199 = arith.constant 0 : i32
      %dma_wait3A_200 = tpu.memref_slice %arg2[%add3A, %add3A_37, %dma_wait3A_198, %dma_wait3A_199] : memref<32x128x80x16xf32, #tpu.memory_space<hbm>> -> memref<1x1x80x16xf32, #tpu.memory_space<hbm>>
      %dma_wait3A_201 = tpu.memref_squeeze %dma_wait3A_200 : memref<1x1x80x16xf32, #tpu.memory_space<hbm>> -> memref<80x16xf32, #tpu.memory_space<hbm>>
      tpu.wait_dma2 semaphore(%arg9 : memref<!tpu.dma_semaphore, #tpu.memory_space<semaphore_mem>>) src(%dma_wait3A_201 : memref<80x16xf32, #tpu.memory_space<hbm>>) dst(%dma_wait3A_197 : memref<80x16xf32, #tpu.memory_space<vmem>>)
      %dma_wait3A_202 = arith.constant 2 : i32
      %dma_wait3A_203 = arith.constant 0 : i32
      %dma_wait3A_204 = arith.constant 0 : i32
      %dma_wait3A_205 = tpu.memref_slice %arg7[%dma_wait3A_202, %dma_wait3A_203, %dma_wait3A_204] : memref<8x80x16xf32, #tpu.memory_space<vmem>> -> memref<1x80x16xf32, #tpu.memory_space<vmem>>
      %dma_wait3A_206 = tpu.memref_squeeze %dma_wait3A_205 : memref<1x80x16xf32, #tpu.memory_space<vmem>> -> memref<80x16xf32, #tpu.memory_space<vmem>>
      %dma_wait3A_207 = arith.constant 0 : i32
      %dma_wait3A_208 = arith.constant 0 : i32
      %dma_wait3A_209 = tpu.memref_slice %arg2[%add3A, %add3A_56, %dma_wait3A_207, %dma_wait3A_208] : memref<32x128x80x16xf32, #tpu.memory_space<hbm>> -> memref<1x1x80x16xf32, #tpu.memory_space<hbm>>
      %dma_wait3A_210 = tpu.memref_squeeze %dma_wait3A_209 : memref<1x1x80x16xf32, #tpu.memory_space<hbm>> -> memref<80x16xf32, #tpu.memory_space<hbm>>
      %dma_wait3A_211 = arith.constant 0 : i32
      %dma_wait3A_212 = arith.constant 0 : i32
      %dma_wait3A_213 = tpu.memref_slice %arg7[%dma_wait3A_202, %dma_wait3A_211, %dma_wait3A_212] : memref<8x80x16xf32, #tpu.memory_space<vmem>> -> memref<1x80x16xf32, #tpu.memory_space<vmem>>
      %dma_wait3A_214 = tpu.memref_squeeze %dma_wait3A_213 : memref<1x80x16xf32, #tpu.memory_space<vmem>> -> memref<80x16xf32, #tpu.memory_space<vmem>>
      %dma_wait3A_215 = arith.constant 0 : i32
      %dma_wait3A_216 = arith.constant 0 : i32
      %dma_wait3A_217 = tpu.memref_slice %arg2[%add3A, %add3A_56, %dma_wait3A_215, %dma_wait3A_216] : memref<32x128x80x16xf32, #tpu.memory_space<hbm>> -> memref<1x1x80x16xf32, #tpu.memory_space<hbm>>
      %dma_wait3A_218 = tpu.memref_squeeze %dma_wait3A_217 : memref<1x1x80x16xf32, #tpu.memory_space<hbm>> -> memref<80x16xf32, #tpu.memory_space<hbm>>
      tpu.wait_dma2 semaphore(%arg9 : memref<!tpu.dma_semaphore, #tpu.memory_space<semaphore_mem>>) src(%dma_wait3A_218 : memref<80x16xf32, #tpu.memory_space<hbm>>) dst(%dma_wait3A_214 : memref<80x16xf32, #tpu.memory_space<vmem>>)
      %dma_wait3A_219 = arith.constant 3 : i32
      %dma_wait3A_220 = arith.constant 0 : i32
      %dma_wait3A_221 = arith.constant 0 : i32
      %dma_wait3A_222 = tpu.memref_slice %arg7[%dma_wait3A_219, %dma_wait3A_220, %dma_wait3A_221] : memref<8x80x16xf32, #tpu.memory_space<vmem>> -> memref<1x80x16xf32, #tpu.memory_space<vmem>>
      %dma_wait3A_223 = tpu.memref_squeeze %dma_wait3A_222 : memref<1x80x16xf32, #tpu.memory_space<vmem>> -> memref<80x16xf32, #tpu.memory_space<vmem>>
      %dma_wait3A_224 = arith.constant 0 : i32
      %dma_wait3A_225 = arith.constant 0 : i32
      %dma_wait3A_226 = tpu.memref_slice %arg2[%add3A, %add3A_75, %dma_wait3A_224, %dma_wait3A_225] : memref<32x128x80x16xf32, #tpu.memory_space<hbm>> -> memref<1x1x80x16xf32, #tpu.memory_space<hbm>>
      %dma_wait3A_227 = tpu.memref_squeeze %dma_wait3A_226 : memref<1x1x80x16xf32, #tpu.memory_space<hbm>> -> memref<80x16xf32, #tpu.memory_space<hbm>>
      %dma_wait3A_228 = arith.constant 0 : i32
      %dma_wait3A_229 = arith.constant 0 : i32
      %dma_wait3A_230 = tpu.memref_slice %arg7[%dma_wait3A_219, %dma_wait3A_228, %dma_wait3A_229] : memref<8x80x16xf32, #tpu.memory_space<vmem>> -> memref<1x80x16xf32, #tpu.memory_space<vmem>>
      %dma_wait3A_231 = tpu.memref_squeeze %dma_wait3A_230 : memref<1x80x16xf32, #tpu.memory_space<vmem>> -> memref<80x16xf32, #tpu.memory_space<vmem>>
      %dma_wait3A_232 = arith.constant 0 : i32
      %dma_wait3A_233 = arith.constant 0 : i32
      %dma_wait3A_234 = tpu.memref_slice %arg2[%add3A, %add3A_75, %dma_wait3A_232, %dma_wait3A_233] : memref<32x128x80x16xf32, #tpu.memory_space<hbm>> -> memref<1x1x80x16xf32, #tpu.memory_space<hbm>>
      %dma_wait3A_235 = tpu.memref_squeeze %dma_wait3A_234 : memref<1x1x80x16xf32, #tpu.memory_space<hbm>> -> memref<80x16xf32, #tpu.memory_space<hbm>>
      tpu.wait_dma2 semaphore(%arg9 : memref<!tpu.dma_semaphore, #tpu.memory_space<semaphore_mem>>) src(%dma_wait3A_235 : memref<80x16xf32, #tpu.memory_space<hbm>>) dst(%dma_wait3A_231 : memref<80x16xf32, #tpu.memory_space<vmem>>)
      %dma_wait3A_236 = arith.constant 4 : i32
      %dma_wait3A_237 = arith.constant 0 : i32
      %dma_wait3A_238 = arith.constant 0 : i32
      %dma_wait3A_239 = tpu.memref_slice %arg7[%dma_wait3A_236, %dma_wait3A_237, %dma_wait3A_238] : memref<8x80x16xf32, #tpu.memory_space<vmem>> -> memref<1x80x16xf32, #tpu.memory_space<vmem>>
      %dma_wait3A_240 = tpu.memref_squeeze %dma_wait3A_239 : memref<1x80x16xf32, #tpu.memory_space<vmem>> -> memref<80x16xf32, #tpu.memory_space<vmem>>
      %dma_wait3A_241 = arith.constant 0 : i32
      %dma_wait3A_242 = arith.constant 0 : i32
      %dma_wait3A_243 = tpu.memref_slice %arg2[%add3A, %add3A_94, %dma_wait3A_241, %dma_wait3A_242] : memref<32x128x80x16xf32, #tpu.memory_space<hbm>> -> memref<1x1x80x16xf32, #tpu.memory_space<hbm>>
      %dma_wait3A_244 = tpu.memref_squeeze %dma_wait3A_243 : memref<1x1x80x16xf32, #tpu.memory_space<hbm>> -> memref<80x16xf32, #tpu.memory_space<hbm>>
      %dma_wait3A_245 = arith.constant 0 : i32
      %dma_wait3A_246 = arith.constant 0 : i32
      %dma_wait3A_247 = tpu.memref_slice %arg7[%dma_wait3A_236, %dma_wait3A_245, %dma_wait3A_246] : memref<8x80x16xf32, #tpu.memory_space<vmem>> -> memref<1x80x16xf32, #tpu.memory_space<vmem>>
      %dma_wait3A_248 = tpu.memref_squeeze %dma_wait3A_247 : memref<1x80x16xf32, #tpu.memory_space<vmem>> -> memref<80x16xf32, #tpu.memory_space<vmem>>
      %dma_wait3A_249 = arith.constant 0 : i32
      %dma_wait3A_250 = arith.constant 0 : i32
      %dma_wait3A_251 = tpu.memref_slice %arg2[%add3A, %add3A_94, %dma_wait3A_249, %dma_wait3A_250] : memref<32x128x80x16xf32, #tpu.memory_space<hbm>> -> memref<1x1x80x16xf32, #tpu.memory_space<hbm>>
      %dma_wait3A_252 = tpu.memref_squeeze %dma_wait3A_251 : memref<1x1x80x16xf32, #tpu.memory_space<hbm>> -> memref<80x16xf32, #tpu.memory_space<hbm>>
      tpu.wait_dma2 semaphore(%arg9 : memref<!tpu.dma_semaphore, #tpu.memory_space<semaphore_mem>>) src(%dma_wait3A_252 : memref<80x16xf32, #tpu.memory_space<hbm>>) dst(%dma_wait3A_248 : memref<80x16xf32, #tpu.memory_space<vmem>>)
      %dma_wait3A_253 = arith.constant 5 : i32
      %dma_wait3A_254 = arith.constant 0 : i32
      %dma_wait3A_255 = arith.constant 0 : i32
      %dma_wait3A_256 = tpu.memref_slice %arg7[%dma_wait3A_253, %dma_wait3A_254, %dma_wait3A_255] : memref<8x80x16xf32, #tpu.memory_space<vmem>> -> memref<1x80x16xf32, #tpu.memory_space<vmem>>
      %dma_wait3A_257 = tpu.memref_squeeze %dma_wait3A_256 : memref<1x80x16xf32, #tpu.memory_space<vmem>> -> memref<80x16xf32, #tpu.memory_space<vmem>>
      %dma_wait3A_258 = arith.constant 0 : i32
      %dma_wait3A_259 = arith.constant 0 : i32
      %dma_wait3A_260 = tpu.memref_slice %arg2[%add3A, %add3A_113, %dma_wait3A_258, %dma_wait3A_259] : memref<32x128x80x16xf32, #tpu.memory_space<hbm>> -> memref<1x1x80x16xf32, #tpu.memory_space<hbm>>
      %dma_wait3A_261 = tpu.memref_squeeze %dma_wait3A_260 : memref<1x1x80x16xf32, #tpu.memory_space<hbm>> -> memref<80x16xf32, #tpu.memory_space<hbm>>
      %dma_wait3A_262 = arith.constant 0 : i32
      %dma_wait3A_263 = arith.constant 0 : i32
      %dma_wait3A_264 = tpu.memref_slice %arg7[%dma_wait3A_253, %dma_wait3A_262, %dma_wait3A_263] : memref<8x80x16xf32, #tpu.memory_space<vmem>> -> memref<1x80x16xf32, #tpu.memory_space<vmem>>
      %dma_wait3A_265 = tpu.memref_squeeze %dma_wait3A_264 : memref<1x80x16xf32, #tpu.memory_space<vmem>> -> memref<80x16xf32, #tpu.memory_space<vmem>>
      %dma_wait3A_266 = arith.constant 0 : i32
      %dma_wait3A_267 = arith.constant 0 : i32
      %dma_wait3A_268 = tpu.memref_slice %arg2[%add3A, %add3A_113, %dma_wait3A_266, %dma_wait3A_267] : memref<32x128x80x16xf32, #tpu.memory_space<hbm>> -> memref<1x1x80x16xf32, #tpu.memory_space<hbm>>
      %dma_wait3A_269 = tpu.memref_squeeze %dma_wait3A_268 : memref<1x1x80x16xf32, #tpu.memory_space<hbm>> -> memref<80x16xf32, #tpu.memory_space<hbm>>
      tpu.wait_dma2 semaphore(%arg9 : memref<!tpu.dma_semaphore, #tpu.memory_space<semaphore_mem>>) src(%dma_wait3A_269 : memref<80x16xf32, #tpu.memory_space<hbm>>) dst(%dma_wait3A_265 : memref<80x16xf32, #tpu.memory_space<vmem>>)
      %dma_wait3A_270 = arith.constant 6 : i32
      %dma_wait3A_271 = arith.constant 0 : i32
      %dma_wait3A_272 = arith.constant 0 : i32
      %dma_wait3A_273 = tpu.memref_slice %arg7[%dma_wait3A_270, %dma_wait3A_271, %dma_wait3A_272] : memref<8x80x16xf32, #tpu.memory_space<vmem>> -> memref<1x80x16xf32, #tpu.memory_space<vmem>>
      %dma_wait3A_274 = tpu.memref_squeeze %dma_wait3A_273 : memref<1x80x16xf32, #tpu.memory_space<vmem>> -> memref<80x16xf32, #tpu.memory_space<vmem>>
      %dma_wait3A_275 = arith.constant 0 : i32
      %dma_wait3A_276 = arith.constant 0 : i32
      %dma_wait3A_277 = tpu.memref_slice %arg2[%add3A, %add3A_132, %dma_wait3A_275, %dma_wait3A_276] : memref<32x128x80x16xf32, #tpu.memory_space<hbm>> -> memref<1x1x80x16xf32, #tpu.memory_space<hbm>>
      %dma_wait3A_278 = tpu.memref_squeeze %dma_wait3A_277 : memref<1x1x80x16xf32, #tpu.memory_space<hbm>> -> memref<80x16xf32, #tpu.memory_space<hbm>>
      %dma_wait3A_279 = arith.constant 0 : i32
      %dma_wait3A_280 = arith.constant 0 : i32
      %dma_wait3A_281 = tpu.memref_slice %arg7[%dma_wait3A_270, %dma_wait3A_279, %dma_wait3A_280] : memref<8x80x16xf32, #tpu.memory_space<vmem>> -> memref<1x80x16xf32, #tpu.memory_space<vmem>>
      %dma_wait3A_282 = tpu.memref_squeeze %dma_wait3A_281 : memref<1x80x16xf32, #tpu.memory_space<vmem>> -> memref<80x16xf32, #tpu.memory_space<vmem>>
      %dma_wait3A_283 = arith.constant 0 : i32
      %dma_wait3A_284 = arith.constant 0 : i32
      %dma_wait3A_285 = tpu.memref_slice %arg2[%add3A, %add3A_132, %dma_wait3A_283, %dma_wait3A_284] : memref<32x128x80x16xf32, #tpu.memory_space<hbm>> -> memref<1x1x80x16xf32, #tpu.memory_space<hbm>>
      %dma_wait3A_286 = tpu.memref_squeeze %dma_wait3A_285 : memref<1x1x80x16xf32, #tpu.memory_space<hbm>> -> memref<80x16xf32, #tpu.memory_space<hbm>>
      tpu.wait_dma2 semaphore(%arg9 : memref<!tpu.dma_semaphore, #tpu.memory_space<semaphore_mem>>) src(%dma_wait3A_286 : memref<80x16xf32, #tpu.memory_space<hbm>>) dst(%dma_wait3A_282 : memref<80x16xf32, #tpu.memory_space<vmem>>)
      %dma_wait3A_287 = arith.constant 7 : i32
      %dma_wait3A_288 = arith.constant 0 : i32
      %dma_wait3A_289 = arith.constant 0 : i32
      %dma_wait3A_290 = tpu.memref_slice %arg7[%dma_wait3A_287, %dma_wait3A_288, %dma_wait3A_289] : memref<8x80x16xf32, #tpu.memory_space<vmem>> -> memref<1x80x16xf32, #tpu.memory_space<vmem>>
      %dma_wait3A_291 = tpu.memref_squeeze %dma_wait3A_290 : memref<1x80x16xf32, #tpu.memory_space<vmem>> -> memref<80x16xf32, #tpu.memory_space<vmem>>
      %dma_wait3A_292 = arith.constant 0 : i32
      %dma_wait3A_293 = arith.constant 0 : i32
      %dma_wait3A_294 = tpu.memref_slice %arg2[%add3A, %add3A_151, %dma_wait3A_292, %dma_wait3A_293] : memref<32x128x80x16xf32, #tpu.memory_space<hbm>> -> memref<1x1x80x16xf32, #tpu.memory_space<hbm>>
      %dma_wait3A_295 = tpu.memref_squeeze %dma_wait3A_294 : memref<1x1x80x16xf32, #tpu.memory_space<hbm>> -> memref<80x16xf32, #tpu.memory_space<hbm>>
      %dma_wait3A_296 = arith.constant 0 : i32
      %dma_wait3A_297 = arith.constant 0 : i32
      %dma_wait3A_298 = tpu.memref_slice %arg7[%dma_wait3A_287, %dma_wait3A_296, %dma_wait3A_297] : memref<8x80x16xf32, #tpu.memory_space<vmem>> -> memref<1x80x16xf32, #tpu.memory_space<vmem>>
      %dma_wait3A_299 = tpu.memref_squeeze %dma_wait3A_298 : memref<1x80x16xf32, #tpu.memory_space<vmem>> -> memref<80x16xf32, #tpu.memory_space<vmem>>
      %dma_wait3A_300 = arith.constant 0 : i32
      %dma_wait3A_301 = arith.constant 0 : i32
      %dma_wait3A_302 = tpu.memref_slice %arg2[%add3A, %add3A_151, %dma_wait3A_300, %dma_wait3A_301] : memref<32x128x80x16xf32, #tpu.memory_space<hbm>> -> memref<1x1x80x16xf32, #tpu.memory_space<hbm>>
      %dma_wait3A_303 = tpu.memref_squeeze %dma_wait3A_302 : memref<1x1x80x16xf32, #tpu.memory_space<hbm>> -> memref<80x16xf32, #tpu.memory_space<hbm>>
      tpu.wait_dma2 semaphore(%arg9 : memref<!tpu.dma_semaphore, #tpu.memory_space<semaphore_mem>>) src(%dma_wait3A_303 : memref<80x16xf32, #tpu.memory_space<hbm>>) dst(%dma_wait3A_299 : memref<80x16xf32, #tpu.memory_space<vmem>>)
      %add3A_304 = arith.constant 0 : i32
      %add3A_305 = arith.addi %mul3A_17, %add3A_304 : i32
      %dma_start3A_306 = arith.constant 0 : i32
      %dma_start3A_307 = arith.constant 0 : i32
      %dma_start3A_308 = arith.constant 0 : i32
      %dma_start3A_309 = tpu.memref_slice %arg7[%dma_start3A_306, %dma_start3A_307, %dma_start3A_308] : memref<8x80x16xf32, #tpu.memory_space<vmem>> -> memref<1x80x16xf32, #tpu.memory_space<vmem>>
      %dma_start3A_310 = tpu.memref_squeeze %dma_start3A_309 : memref<1x80x16xf32, #tpu.memory_space<vmem>> -> memref<80x16xf32, #tpu.memory_space<vmem>>
      %dma_start3A_311 = arith.constant 0 : i32
      %dma_start3A_312 = tpu.memref_slice %arg6[%add3A_305, %dma_start3A_311] : memref<128x80xi32, #tpu.memory_space<vmem>> -> memref<1x80xi32, #tpu.memory_space<vmem>>
      %dma_start3A_313 = tpu.memref_squeeze %dma_start3A_312 : memref<1x80xi32, #tpu.memory_space<vmem>> -> memref<80xi32, #tpu.memory_space<vmem>>
      %dma_start3A_314 = arith.constant 0 : i32
      %dma_start3A_315 = arith.constant 0 : i32
      %dma_start3A_316 = tpu.memref_slice %arg8[%dma_start3A_314, %dma_start3A_315] : memref<10016x16xf32, #tpu.memory_space<vmem_shared>> -> memref<10016x16xf32, #tpu.memory_space<vmem_shared>>
      tpu.enqueue_indirect_dma source(%dma_start3A_310 : memref<80x16xf32, #tpu.memory_space<vmem>>) target(%dma_start3A_316 : memref<10016x16xf32, #tpu.memory_space<vmem_shared>>) offsets(%dma_start3A_313 : memref<80xi32, #tpu.memory_space<vmem>>) semaphore(%arg10 : memref<!tpu.dma_semaphore, #tpu.memory_space<semaphore_mem>>) {add = true}
      %add3A_317 = arith.constant 1 : i32
      %add3A_318 = arith.addi %mul3A_17, %add3A_317 : i32
      %dma_start3A_319 = arith.constant 1 : i32
      %dma_start3A_320 = arith.constant 0 : i32
      %dma_start3A_321 = arith.constant 0 : i32
      %dma_start3A_322 = tpu.memref_slice %arg7[%dma_start3A_319, %dma_start3A_320, %dma_start3A_321] : memref<8x80x16xf32, #tpu.memory_space<vmem>> -> memref<1x80x16xf32, #tpu.memory_space<vmem>>
      %dma_start3A_323 = tpu.memref_squeeze %dma_start3A_322 : memref<1x80x16xf32, #tpu.memory_space<vmem>> -> memref<80x16xf32, #tpu.memory_space<vmem>>
      %dma_start3A_324 = arith.constant 0 : i32
      %dma_start3A_325 = tpu.memref_slice %arg6[%add3A_318, %dma_start3A_324] : memref<128x80xi32, #tpu.memory_space<vmem>> -> memref<1x80xi32, #tpu.memory_space<vmem>>
      %dma_start3A_326 = tpu.memref_squeeze %dma_start3A_325 : memref<1x80xi32, #tpu.memory_space<vmem>> -> memref<80xi32, #tpu.memory_space<vmem>>
      %dma_start3A_327 = arith.constant 0 : i32
      %dma_start3A_328 = arith.constant 0 : i32
      %dma_start3A_329 = tpu.memref_slice %arg8[%dma_start3A_327, %dma_start3A_328] : memref<10016x16xf32, #tpu.memory_space<vmem_shared>> -> memref<10016x16xf32, #tpu.memory_space<vmem_shared>>
      tpu.enqueue_indirect_dma source(%dma_start3A_323 : memref<80x16xf32, #tpu.memory_space<vmem>>) target(%dma_start3A_329 : memref<10016x16xf32, #tpu.memory_space<vmem_shared>>) offsets(%dma_start3A_326 : memref<80xi32, #tpu.memory_space<vmem>>) semaphore(%arg10 : memref<!tpu.dma_semaphore, #tpu.memory_space<semaphore_mem>>) {add = true}
      %add3A_330 = arith.constant 2 : i32
      %add3A_331 = arith.addi %mul3A_17, %add3A_330 : i32
      %dma_start3A_332 = arith.constant 2 : i32
      %dma_start3A_333 = arith.constant 0 : i32
      %dma_start3A_334 = arith.constant 0 : i32
      %dma_start3A_335 = tpu.memref_slice %arg7[%dma_start3A_332, %dma_start3A_333, %dma_start3A_334] : memref<8x80x16xf32, #tpu.memory_space<vmem>> -> memref<1x80x16xf32, #tpu.memory_space<vmem>>
      %dma_start3A_336 = tpu.memref_squeeze %dma_start3A_335 : memref<1x80x16xf32, #tpu.memory_space<vmem>> -> memref<80x16xf32, #tpu.memory_space<vmem>>
      %dma_start3A_337 = arith.constant 0 : i32
      %dma_start3A_338 = tpu.memref_slice %arg6[%add3A_331, %dma_start3A_337] : memref<128x80xi32, #tpu.memory_space<vmem>> -> memref<1x80xi32, #tpu.memory_space<vmem>>
      %dma_start3A_339 = tpu.memref_squeeze %dma_start3A_338 : memref<1x80xi32, #tpu.memory_space<vmem>> -> memref<80xi32, #tpu.memory_space<vmem>>
      %dma_start3A_340 = arith.constant 0 : i32
      %dma_start3A_341 = arith.constant 0 : i32
      %dma_start3A_342 = tpu.memref_slice %arg8[%dma_start3A_340, %dma_start3A_341] : memref<10016x16xf32, #tpu.memory_space<vmem_shared>> -> memref<10016x16xf32, #tpu.memory_space<vmem_shared>>
      tpu.enqueue_indirect_dma source(%dma_start3A_336 : memref<80x16xf32, #tpu.memory_space<vmem>>) target(%dma_start3A_342 : memref<10016x16xf32, #tpu.memory_space<vmem_shared>>) offsets(%dma_start3A_339 : memref<80xi32, #tpu.memory_space<vmem>>) semaphore(%arg10 : memref<!tpu.dma_semaphore, #tpu.memory_space<semaphore_mem>>) {add = true}
      %add3A_343 = arith.constant 3 : i32
      %add3A_344 = arith.addi %mul3A_17, %add3A_343 : i32
      %dma_start3A_345 = arith.constant 3 : i32
      %dma_start3A_346 = arith.constant 0 : i32
      %dma_start3A_347 = arith.constant 0 : i32
      %dma_start3A_348 = tpu.memref_slice %arg7[%dma_start3A_345, %dma_start3A_346, %dma_start3A_347] : memref<8x80x16xf32, #tpu.memory_space<vmem>> -> memref<1x80x16xf32, #tpu.memory_space<vmem>>
      %dma_start3A_349 = tpu.memref_squeeze %dma_start3A_348 : memref<1x80x16xf32, #tpu.memory_space<vmem>> -> memref<80x16xf32, #tpu.memory_space<vmem>>
      %dma_start3A_350 = arith.constant 0 : i32
      %dma_start3A_351 = tpu.memref_slice %arg6[%add3A_344, %dma_start3A_350] : memref<128x80xi32, #tpu.memory_space<vmem>> -> memref<1x80xi32, #tpu.memory_space<vmem>>
      %dma_start3A_352 = tpu.memref_squeeze %dma_start3A_351 : memref<1x80xi32, #tpu.memory_space<vmem>> -> memref<80xi32, #tpu.memory_space<vmem>>
      %dma_start3A_353 = arith.constant 0 : i32
      %dma_start3A_354 = arith.constant 0 : i32
      %dma_start3A_355 = tpu.memref_slice %arg8[%dma_start3A_353, %dma_start3A_354] : memref<10016x16xf32, #tpu.memory_space<vmem_shared>> -> memref<10016x16xf32, #tpu.memory_space<vmem_shared>>
      tpu.enqueue_indirect_dma source(%dma_start3A_349 : memref<80x16xf32, #tpu.memory_space<vmem>>) target(%dma_start3A_355 : memref<10016x16xf32, #tpu.memory_space<vmem_shared>>) offsets(%dma_start3A_352 : memref<80xi32, #tpu.memory_space<vmem>>) semaphore(%arg10 : memref<!tpu.dma_semaphore, #tpu.memory_space<semaphore_mem>>) {add = true}
      %add3A_356 = arith.constant 4 : i32
      %add3A_357 = arith.addi %mul3A_17, %add3A_356 : i32
      %dma_start3A_358 = arith.constant 4 : i32
      %dma_start3A_359 = arith.constant 0 : i32
      %dma_start3A_360 = arith.constant 0 : i32
      %dma_start3A_361 = tpu.memref_slice %arg7[%dma_start3A_358, %dma_start3A_359, %dma_start3A_360] : memref<8x80x16xf32, #tpu.memory_space<vmem>> -> memref<1x80x16xf32, #tpu.memory_space<vmem>>
      %dma_start3A_362 = tpu.memref_squeeze %dma_start3A_361 : memref<1x80x16xf32, #tpu.memory_space<vmem>> -> memref<80x16xf32, #tpu.memory_space<vmem>>
      %dma_start3A_363 = arith.constant 0 : i32
      %dma_start3A_364 = tpu.memref_slice %arg6[%add3A_357, %dma_start3A_363] : memref<128x80xi32, #tpu.memory_space<vmem>> -> memref<1x80xi32, #tpu.memory_space<vmem>>
      %dma_start3A_365 = tpu.memref_squeeze %dma_start3A_364 : memref<1x80xi32, #tpu.memory_space<vmem>> -> memref<80xi32, #tpu.memory_space<vmem>>
      %dma_start3A_366 = arith.constant 0 : i32
      %dma_start3A_367 = arith.constant 0 : i32
      %dma_start3A_368 = tpu.memref_slice %arg8[%dma_start3A_366, %dma_start3A_367] : memref<10016x16xf32, #tpu.memory_space<vmem_shared>> -> memref<10016x16xf32, #tpu.memory_space<vmem_shared>>
      tpu.enqueue_indirect_dma source(%dma_start3A_362 : memref<80x16xf32, #tpu.memory_space<vmem>>) target(%dma_start3A_368 : memref<10016x16xf32, #tpu.memory_space<vmem_shared>>) offsets(%dma_start3A_365 : memref<80xi32, #tpu.memory_space<vmem>>) semaphore(%arg10 : memref<!tpu.dma_semaphore, #tpu.memory_space<semaphore_mem>>) {add = true}
      %add3A_369 = arith.constant 5 : i32
      %add3A_370 = arith.addi %mul3A_17, %add3A_369 : i32
      %dma_start3A_371 = arith.constant 5 : i32
      %dma_start3A_372 = arith.constant 0 : i32
      %dma_start3A_373 = arith.constant 0 : i32
      %dma_start3A_374 = tpu.memref_slice %arg7[%dma_start3A_371, %dma_start3A_372, %dma_start3A_373] : memref<8x80x16xf32, #tpu.memory_space<vmem>> -> memref<1x80x16xf32, #tpu.memory_space<vmem>>
      %dma_start3A_375 = tpu.memref_squeeze %dma_start3A_374 : memref<1x80x16xf32, #tpu.memory_space<vmem>> -> memref<80x16xf32, #tpu.memory_space<vmem>>
      %dma_start3A_376 = arith.constant 0 : i32
      %dma_start3A_377 = tpu.memref_slice %arg6[%add3A_370, %dma_start3A_376] : memref<128x80xi32, #tpu.memory_space<vmem>> -> memref<1x80xi32, #tpu.memory_space<vmem>>
      %dma_start3A_378 = tpu.memref_squeeze %dma_start3A_377 : memref<1x80xi32, #tpu.memory_space<vmem>> -> memref<80xi32, #tpu.memory_space<vmem>>
      %dma_start3A_379 = arith.constant 0 : i32
      %dma_start3A_380 = arith.constant 0 : i32
      %dma_start3A_381 = tpu.memref_slice %arg8[%dma_start3A_379, %dma_start3A_380] : memref<10016x16xf32, #tpu.memory_space<vmem_shared>> -> memref<10016x16xf32, #tpu.memory_space<vmem_shared>>
      tpu.enqueue_indirect_dma source(%dma_start3A_375 : memref<80x16xf32, #tpu.memory_space<vmem>>) target(%dma_start3A_381 : memref<10016x16xf32, #tpu.memory_space<vmem_shared>>) offsets(%dma_start3A_378 : memref<80xi32, #tpu.memory_space<vmem>>) semaphore(%arg10 : memref<!tpu.dma_semaphore, #tpu.memory_space<semaphore_mem>>) {add = true}
      %add3A_382 = arith.constant 6 : i32
      %add3A_383 = arith.addi %mul3A_17, %add3A_382 : i32
      %dma_start3A_384 = arith.constant 6 : i32
      %dma_start3A_385 = arith.constant 0 : i32
      %dma_start3A_386 = arith.constant 0 : i32
      %dma_start3A_387 = tpu.memref_slice %arg7[%dma_start3A_384, %dma_start3A_385, %dma_start3A_386] : memref<8x80x16xf32, #tpu.memory_space<vmem>> -> memref<1x80x16xf32, #tpu.memory_space<vmem>>
      %dma_start3A_388 = tpu.memref_squeeze %dma_start3A_387 : memref<1x80x16xf32, #tpu.memory_space<vmem>> -> memref<80x16xf32, #tpu.memory_space<vmem>>
      %dma_start3A_389 = arith.constant 0 : i32
      %dma_start3A_390 = tpu.memref_slice %arg6[%add3A_383, %dma_start3A_389] : memref<128x80xi32, #tpu.memory_space<vmem>> -> memref<1x80xi32, #tpu.memory_space<vmem>>
      %dma_start3A_391 = tpu.memref_squeeze %dma_start3A_390 : memref<1x80xi32, #tpu.memory_space<vmem>> -> memref<80xi32, #tpu.memory_space<vmem>>
      %dma_start3A_392 = arith.constant 0 : i32
      %dma_start3A_393 = arith.constant 0 : i32
      %dma_start3A_394 = tpu.memref_slice %arg8[%dma_start3A_392, %dma_start3A_393] : memref<10016x16xf32, #tpu.memory_space<vmem_shared>> -> memref<10016x16xf32, #tpu.memory_space<vmem_shared>>
      tpu.enqueue_indirect_dma source(%dma_start3A_388 : memref<80x16xf32, #tpu.memory_space<vmem>>) target(%dma_start3A_394 : memref<10016x16xf32, #tpu.memory_space<vmem_shared>>) offsets(%dma_start3A_391 : memref<80xi32, #tpu.memory_space<vmem>>) semaphore(%arg10 : memref<!tpu.dma_semaphore, #tpu.memory_space<semaphore_mem>>) {add = true}
      %add3A_395 = arith.constant 7 : i32
      %add3A_396 = arith.addi %mul3A_17, %add3A_395 : i32
      %dma_start3A_397 = arith.constant 7 : i32
      %dma_start3A_398 = arith.constant 0 : i32
      %dma_start3A_399 = arith.constant 0 : i32
      %dma_start3A_400 = tpu.memref_slice %arg7[%dma_start3A_397, %dma_start3A_398, %dma_start3A_399] : memref<8x80x16xf32, #tpu.memory_space<vmem>> -> memref<1x80x16xf32, #tpu.memory_space<vmem>>
      %dma_start3A_401 = tpu.memref_squeeze %dma_start3A_400 : memref<1x80x16xf32, #tpu.memory_space<vmem>> -> memref<80x16xf32, #tpu.memory_space<vmem>>
      %dma_start3A_402 = arith.constant 0 : i32
      %dma_start3A_403 = tpu.memref_slice %arg6[%add3A_396, %dma_start3A_402] : memref<128x80xi32, #tpu.memory_space<vmem>> -> memref<1x80xi32, #tpu.memory_space<vmem>>
      %dma_start3A_404 = tpu.memref_squeeze %dma_start3A_403 : memref<1x80xi32, #tpu.memory_space<vmem>> -> memref<80xi32, #tpu.memory_space<vmem>>
      %dma_start3A_405 = arith.constant 0 : i32
      %dma_start3A_406 = arith.constant 0 : i32
      %dma_start3A_407 = tpu.memref_slice %arg8[%dma_start3A_405, %dma_start3A_406] : memref<10016x16xf32, #tpu.memory_space<vmem_shared>> -> memref<10016x16xf32, #tpu.memory_space<vmem_shared>>
      tpu.enqueue_indirect_dma source(%dma_start3A_401 : memref<80x16xf32, #tpu.memory_space<vmem>>) target(%dma_start3A_407 : memref<10016x16xf32, #tpu.memory_space<vmem_shared>>) offsets(%dma_start3A_404 : memref<80xi32, #tpu.memory_space<vmem>>) semaphore(%arg10 : memref<!tpu.dma_semaphore, #tpu.memory_space<semaphore_mem>>) {add = true}
      %dma_wait3A_408 = arith.constant 0 : i32
      %dma_wait3A_409 = arith.constant 0 : i32
      %dma_wait3A_410 = arith.constant 0 : i32
      %dma_wait3A_411 = tpu.memref_slice %arg7[%dma_wait3A_408, %dma_wait3A_409, %dma_wait3A_410] : memref<8x80x16xf32, #tpu.memory_space<vmem>> -> memref<1x80x16xf32, #tpu.memory_space<vmem>>
      %dma_wait3A_412 = tpu.memref_squeeze %dma_wait3A_411 : memref<1x80x16xf32, #tpu.memory_space<vmem>> -> memref<80x16xf32, #tpu.memory_space<vmem>>
      %dma_wait3A_413 = arith.constant 0 : i32
      %dma_wait3A_414 = tpu.memref_slice %arg6[%add3A_305, %dma_wait3A_413] : memref<128x80xi32, #tpu.memory_space<vmem>> -> memref<1x80xi32, #tpu.memory_space<vmem>>
      %dma_wait3A_415 = tpu.memref_squeeze %dma_wait3A_414 : memref<1x80xi32, #tpu.memory_space<vmem>> -> memref<80xi32, #tpu.memory_space<vmem>>
      %dma_wait3A_416 = arith.constant 0 : i32
      %dma_wait3A_417 = arith.constant 0 : i32
      %dma_wait3A_418 = tpu.memref_slice %arg8[%dma_wait3A_416, %dma_wait3A_417] : memref<10016x16xf32, #tpu.memory_space<vmem_shared>> -> memref<10016x16xf32, #tpu.memory_space<vmem_shared>>
      tpu.wait_indirect_dma semaphore(%arg10 : memref<!tpu.dma_semaphore, #tpu.memory_space<semaphore_mem>>) src(%dma_wait3A_412 : memref<80x16xf32, #tpu.memory_space<vmem>>) dst(%dma_wait3A_418 : memref<10016x16xf32, #tpu.memory_space<vmem_shared>>)
      %dma_wait3A_419 = arith.constant 1 : i32
      %dma_wait3A_420 = arith.constant 0 : i32
      %dma_wait3A_421 = arith.constant 0 : i32
      %dma_wait3A_422 = tpu.memref_slice %arg7[%dma_wait3A_419, %dma_wait3A_420, %dma_wait3A_421] : memref<8x80x16xf32, #tpu.memory_space<vmem>> -> memref<1x80x16xf32, #tpu.memory_space<vmem>>
      %dma_wait3A_423 = tpu.memref_squeeze %dma_wait3A_422 : memref<1x80x16xf32, #tpu.memory_space<vmem>> -> memref<80x16xf32, #tpu.memory_space<vmem>>
      %dma_wait3A_424 = arith.constant 0 : i32
      %dma_wait3A_425 = tpu.memref_slice %arg6[%add3A_318, %dma_wait3A_424] : memref<128x80xi32, #tpu.memory_space<vmem>> -> memref<1x80xi32, #tpu.memory_space<vmem>>
      %dma_wait3A_426 = tpu.memref_squeeze %dma_wait3A_425 : memref<1x80xi32, #tpu.memory_space<vmem>> -> memref<80xi32, #tpu.memory_space<vmem>>
      %dma_wait3A_427 = arith.constant 0 : i32
      %dma_wait3A_428 = arith.constant 0 : i32
      %dma_wait3A_429 = tpu.memref_slice %arg8[%dma_wait3A_427, %dma_wait3A_428] : memref<10016x16xf32, #tpu.memory_space<vmem_shared>> -> memref<10016x16xf32, #tpu.memory_space<vmem_shared>>
      tpu.wait_indirect_dma semaphore(%arg10 : memref<!tpu.dma_semaphore, #tpu.memory_space<semaphore_mem>>) src(%dma_wait3A_423 : memref<80x16xf32, #tpu.memory_space<vmem>>) dst(%dma_wait3A_429 : memref<10016x16xf32, #tpu.memory_space<vmem_shared>>)
      %dma_wait3A_430 = arith.constant 2 : i32
      %dma_wait3A_431 = arith.constant 0 : i32
      %dma_wait3A_432 = arith.constant 0 : i32
      %dma_wait3A_433 = tpu.memref_slice %arg7[%dma_wait3A_430, %dma_wait3A_431, %dma_wait3A_432] : memref<8x80x16xf32, #tpu.memory_space<vmem>> -> memref<1x80x16xf32, #tpu.memory_space<vmem>>
      %dma_wait3A_434 = tpu.memref_squeeze %dma_wait3A_433 : memref<1x80x16xf32, #tpu.memory_space<vmem>> -> memref<80x16xf32, #tpu.memory_space<vmem>>
      %dma_wait3A_435 = arith.constant 0 : i32
      %dma_wait3A_436 = tpu.memref_slice %arg6[%add3A_331, %dma_wait3A_435] : memref<128x80xi32, #tpu.memory_space<vmem>> -> memref<1x80xi32, #tpu.memory_space<vmem>>
      %dma_wait3A_437 = tpu.memref_squeeze %dma_wait3A_436 : memref<1x80xi32, #tpu.memory_space<vmem>> -> memref<80xi32, #tpu.memory_space<vmem>>
      %dma_wait3A_438 = arith.constant 0 : i32
      %dma_wait3A_439 = arith.constant 0 : i32
      %dma_wait3A_440 = tpu.memref_slice %arg8[%dma_wait3A_438, %dma_wait3A_439] : memref<10016x16xf32, #tpu.memory_space<vmem_shared>> -> memref<10016x16xf32, #tpu.memory_space<vmem_shared>>
      tpu.wait_indirect_dma semaphore(%arg10 : memref<!tpu.dma_semaphore, #tpu.memory_space<semaphore_mem>>) src(%dma_wait3A_434 : memref<80x16xf32, #tpu.memory_space<vmem>>) dst(%dma_wait3A_440 : memref<10016x16xf32, #tpu.memory_space<vmem_shared>>)
      %dma_wait3A_441 = arith.constant 3 : i32
      %dma_wait3A_442 = arith.constant 0 : i32
      %dma_wait3A_443 = arith.constant 0 : i32
      %dma_wait3A_444 = tpu.memref_slice %arg7[%dma_wait3A_441, %dma_wait3A_442, %dma_wait3A_443] : memref<8x80x16xf32, #tpu.memory_space<vmem>> -> memref<1x80x16xf32, #tpu.memory_space<vmem>>
      %dma_wait3A_445 = tpu.memref_squeeze %dma_wait3A_444 : memref<1x80x16xf32, #tpu.memory_space<vmem>> -> memref<80x16xf32, #tpu.memory_space<vmem>>
      %dma_wait3A_446 = arith.constant 0 : i32
      %dma_wait3A_447 = tpu.memref_slice %arg6[%add3A_344, %dma_wait3A_446] : memref<128x80xi32, #tpu.memory_space<vmem>> -> memref<1x80xi32, #tpu.memory_space<vmem>>
      %dma_wait3A_448 = tpu.memref_squeeze %dma_wait3A_447 : memref<1x80xi32, #tpu.memory_space<vmem>> -> memref<80xi32, #tpu.memory_space<vmem>>
      %dma_wait3A_449 = arith.constant 0 : i32
      %dma_wait3A_450 = arith.constant 0 : i32
      %dma_wait3A_451 = tpu.memref_slice %arg8[%dma_wait3A_449, %dma_wait3A_450] : memref<10016x16xf32, #tpu.memory_space<vmem_shared>> -> memref<10016x16xf32, #tpu.memory_space<vmem_shared>>
      tpu.wait_indirect_dma semaphore(%arg10 : memref<!tpu.dma_semaphore, #tpu.memory_space<semaphore_mem>>) src(%dma_wait3A_445 : memref<80x16xf32, #tpu.memory_space<vmem>>) dst(%dma_wait3A_451 : memref<10016x16xf32, #tpu.memory_space<vmem_shared>>)
      %dma_wait3A_452 = arith.constant 4 : i32
      %dma_wait3A_453 = arith.constant 0 : i32
      %dma_wait3A_454 = arith.constant 0 : i32
      %dma_wait3A_455 = tpu.memref_slice %arg7[%dma_wait3A_452, %dma_wait3A_453, %dma_wait3A_454] : memref<8x80x16xf32, #tpu.memory_space<vmem>> -> memref<1x80x16xf32, #tpu.memory_space<vmem>>
      %dma_wait3A_456 = tpu.memref_squeeze %dma_wait3A_455 : memref<1x80x16xf32, #tpu.memory_space<vmem>> -> memref<80x16xf32, #tpu.memory_space<vmem>>
      %dma_wait3A_457 = arith.constant 0 : i32
      %dma_wait3A_458 = tpu.memref_slice %arg6[%add3A_357, %dma_wait3A_457] : memref<128x80xi32, #tpu.memory_space<vmem>> -> memref<1x80xi32, #tpu.memory_space<vmem>>
      %dma_wait3A_459 = tpu.memref_squeeze %dma_wait3A_458 : memref<1x80xi32, #tpu.memory_space<vmem>> -> memref<80xi32, #tpu.memory_space<vmem>>
      %dma_wait3A_460 = arith.constant 0 : i32
      %dma_wait3A_461 = arith.constant 0 : i32
      %dma_wait3A_462 = tpu.memref_slice %arg8[%dma_wait3A_460, %dma_wait3A_461] : memref<10016x16xf32, #tpu.memory_space<vmem_shared>> -> memref<10016x16xf32, #tpu.memory_space<vmem_shared>>
      tpu.wait_indirect_dma semaphore(%arg10 : memref<!tpu.dma_semaphore, #tpu.memory_space<semaphore_mem>>) src(%dma_wait3A_456 : memref<80x16xf32, #tpu.memory_space<vmem>>) dst(%dma_wait3A_462 : memref<10016x16xf32, #tpu.memory_space<vmem_shared>>)
      %dma_wait3A_463 = arith.constant 5 : i32
      %dma_wait3A_464 = arith.constant 0 : i32
      %dma_wait3A_465 = arith.constant 0 : i32
      %dma_wait3A_466 = tpu.memref_slice %arg7[%dma_wait3A_463, %dma_wait3A_464, %dma_wait3A_465] : memref<8x80x16xf32, #tpu.memory_space<vmem>> -> memref<1x80x16xf32, #tpu.memory_space<vmem>>
      %dma_wait3A_467 = tpu.memref_squeeze %dma_wait3A_466 : memref<1x80x16xf32, #tpu.memory_space<vmem>> -> memref<80x16xf32, #tpu.memory_space<vmem>>
      %dma_wait3A_468 = arith.constant 0 : i32
      %dma_wait3A_469 = tpu.memref_slice %arg6[%add3A_370, %dma_wait3A_468] : memref<128x80xi32, #tpu.memory_space<vmem>> -> memref<1x80xi32, #tpu.memory_space<vmem>>
      %dma_wait3A_470 = tpu.memref_squeeze %dma_wait3A_469 : memref<1x80xi32, #tpu.memory_space<vmem>> -> memref<80xi32, #tpu.memory_space<vmem>>
      %dma_wait3A_471 = arith.constant 0 : i32
      %dma_wait3A_472 = arith.constant 0 : i32
      %dma_wait3A_473 = tpu.memref_slice %arg8[%dma_wait3A_471, %dma_wait3A_472] : memref<10016x16xf32, #tpu.memory_space<vmem_shared>> -> memref<10016x16xf32, #tpu.memory_space<vmem_shared>>
      tpu.wait_indirect_dma semaphore(%arg10 : memref<!tpu.dma_semaphore, #tpu.memory_space<semaphore_mem>>) src(%dma_wait3A_467 : memref<80x16xf32, #tpu.memory_space<vmem>>) dst(%dma_wait3A_473 : memref<10016x16xf32, #tpu.memory_space<vmem_shared>>)
      %dma_wait3A_474 = arith.constant 6 : i32
      %dma_wait3A_475 = arith.constant 0 : i32
      %dma_wait3A_476 = arith.constant 0 : i32
      %dma_wait3A_477 = tpu.memref_slice %arg7[%dma_wait3A_474, %dma_wait3A_475, %dma_wait3A_476] : memref<8x80x16xf32, #tpu.memory_space<vmem>> -> memref<1x80x16xf32, #tpu.memory_space<vmem>>
      %dma_wait3A_478 = tpu.memref_squeeze %dma_wait3A_477 : memref<1x80x16xf32, #tpu.memory_space<vmem>> -> memref<80x16xf32, #tpu.memory_space<vmem>>
      %dma_wait3A_479 = arith.constant 0 : i32
      %dma_wait3A_480 = tpu.memref_slice %arg6[%add3A_383, %dma_wait3A_479] : memref<128x80xi32, #tpu.memory_space<vmem>> -> memref<1x80xi32, #tpu.memory_space<vmem>>
      %dma_wait3A_481 = tpu.memref_squeeze %dma_wait3A_480 : memref<1x80xi32, #tpu.memory_space<vmem>> -> memref<80xi32, #tpu.memory_space<vmem>>
      %dma_wait3A_482 = arith.constant 0 : i32
      %dma_wait3A_483 = arith.constant 0 : i32
      %dma_wait3A_484 = tpu.memref_slice %arg8[%dma_wait3A_482, %dma_wait3A_483] : memref<10016x16xf32, #tpu.memory_space<vmem_shared>> -> memref<10016x16xf32, #tpu.memory_space<vmem_shared>>
      tpu.wait_indirect_dma semaphore(%arg10 : memref<!tpu.dma_semaphore, #tpu.memory_space<semaphore_mem>>) src(%dma_wait3A_478 : memref<80x16xf32, #tpu.memory_space<vmem>>) dst(%dma_wait3A_484 : memref<10016x16xf32, #tpu.memory_space<vmem_shared>>)
      %dma_wait3A_485 = arith.constant 7 : i32
      %dma_wait3A_486 = arith.constant 0 : i32
      %dma_wait3A_487 = arith.constant 0 : i32
      %dma_wait3A_488 = tpu.memref_slice %arg7[%dma_wait3A_485, %dma_wait3A_486, %dma_wait3A_487] : memref<8x80x16xf32, #tpu.memory_space<vmem>> -> memref<1x80x16xf32, #tpu.memory_space<vmem>>
      %dma_wait3A_489 = tpu.memref_squeeze %dma_wait3A_488 : memref<1x80x16xf32, #tpu.memory_space<vmem>> -> memref<80x16xf32, #tpu.memory_space<vmem>>
      %dma_wait3A_490 = arith.constant 0 : i32
      %dma_wait3A_491 = tpu.memref_slice %arg6[%add3A_396, %dma_wait3A_490] : memref<128x80xi32, #tpu.memory_space<vmem>> -> memref<1x80xi32, #tpu.memory_space<vmem>>
      %dma_wait3A_492 = tpu.memref_squeeze %dma_wait3A_491 : memref<1x80xi32, #tpu.memory_space<vmem>> -> memref<80xi32, #tpu.memory_space<vmem>>
      %dma_wait3A_493 = arith.constant 0 : i32
      %dma_wait3A_494 = arith.constant 0 : i32
      %dma_wait3A_495 = tpu.memref_slice %arg8[%dma_wait3A_493, %dma_wait3A_494] : memref<10016x16xf32, #tpu.memory_space<vmem_shared>> -> memref<10016x16xf32, #tpu.memory_space<vmem_shared>>
      tpu.wait_indirect_dma semaphore(%arg10 : memref<!tpu.dma_semaphore, #tpu.memory_space<semaphore_mem>>) src(%dma_wait3A_489 : memref<80x16xf32, #tpu.memory_space<vmem>>) dst(%dma_wait3A_495 : memref<10016x16xf32, #tpu.memory_space<vmem_shared>>)
    }
    %scan3A_9 = arith.constant 16 : i32
    %barrier3A_10 = arith.constant 0 : index
    tpu.barrier barrier_id(%barrier3A_10)
    %mul3A_11 = arith.constant 626 : i32
    %mul3A_12 = arith.muli %arg1, %mul3A_11 : i32
    %mul3A_13 = arith.constant 626 : i32
    %mul3A_14 = arith.muli %arg1, %mul3A_13 : i32
    "tpu.region"() ({
      %run_scoped3A = tpu.sem_alloc : memref<!tpu.dma_semaphore, #tpu.memory_space<semaphore_mem>>
      %dma_start3A = arith.constant 0 : i32
      %dma_start3A_15 = tpu.memref_slice %arg5[%arg0, %mul3A_14, %dma_start3A] : memref<2x10016x16xf32, #tpu.memory_space<hbm>> -> memref<1x626x16xf32, #tpu.memory_space<hbm>>
      %dma_start3A_16 = tpu.memref_squeeze %dma_start3A_15 : memref<1x626x16xf32, #tpu.memory_space<hbm>> -> memref<626x16xf32, #tpu.memory_space<hbm>>
      %dma_start3A_17 = arith.constant 0 : i32
      %dma_start3A_18 = tpu.memref_slice %arg8[%mul3A_12, %dma_start3A_17] : memref<10016x16xf32, #tpu.memory_space<vmem_shared>> -> memref<626x16xf32, #tpu.memory_space<vmem_shared>>
      tpu.enqueue_dma source(%dma_start3A_18 : memref<626x16xf32, #tpu.memory_space<vmem_shared>>) target(%dma_start3A_16 : memref<626x16xf32, #tpu.memory_space<hbm>>) target_semaphore(%run_scoped3A : memref<!tpu.dma_semaphore, #tpu.memory_space<semaphore_mem>>)
      %dma_wait3A = arith.constant 0 : i32
      %dma_wait3A_19 = tpu.memref_slice %arg5[%arg0, %mul3A_14, %dma_wait3A] : memref<2x10016x16xf32, #tpu.memory_space<hbm>> -> memref<1x626x16xf32, #tpu.memory_space<hbm>>
      %dma_wait3A_20 = tpu.memref_squeeze %dma_wait3A_19 : memref<1x626x16xf32, #tpu.memory_space<hbm>> -> memref<626x16xf32, #tpu.memory_space<hbm>>
      %dma_wait3A_21 = arith.constant 0 : i32
      %dma_wait3A_22 = tpu.memref_slice %arg8[%mul3A_12, %dma_wait3A_21] : memref<10016x16xf32, #tpu.memory_space<vmem_shared>> -> memref<626x16xf32, #tpu.memory_space<vmem_shared>>
      tpu.wait_dma2 semaphore(%run_scoped3A : memref<!tpu.dma_semaphore, #tpu.memory_space<semaphore_mem>>) src(%dma_wait3A_22 : memref<626x16xf32, #tpu.memory_space<vmem_shared>>) dst(%dma_wait3A_20 : memref<626x16xf32, #tpu.memory_space<hbm>>)
      tpu.yield
    }) : () -> ()
    return
  }
}

module attributes {stable_mosaic.version = 14 : i64} {
  func.func @_node_mlp_body(%arg0: i32, %arg1: memref<10000x128xf32, #tpu.memory_space<vmem>>, %arg2: memref<128x128xf32, #tpu.memory_space<vmem>>, %arg3: memref<1x128xf32, #tpu.memory_space<vmem>>, %arg4: memref<128x16xf32, #tpu.memory_space<vmem>>, %arg5: memref<1x16xf32, #tpu.memory_space<vmem>>, %arg6: memref<1250x128xf32, #tpu.memory_space<vmem>>) attributes {dimension_semantics = [#tpu.dimension_semantics<arbitrary>], iteration_bounds = array<i64: 1>, scalar_prefetch = 0 : i64, scratch_operands = 0 : i64, tpu.core_type = #tpu.core_type<tc>, window_params = [{pipeline_mode = #tpu.pipeline_mode<synchronous>, transform_indices = @transform_0, window_bounds = array<i64: 10000, 128>}, {pipeline_mode = #tpu.pipeline_mode<synchronous>, transform_indices = @transform_1, window_bounds = array<i64: 128, 128>}, {pipeline_mode = #tpu.pipeline_mode<synchronous>, transform_indices = @transform_2, window_bounds = array<i64: 1, 128>}, {pipeline_mode = #tpu.pipeline_mode<synchronous>, transform_indices = @transform_3, window_bounds = array<i64: 128, 16>}, {pipeline_mode = #tpu.pipeline_mode<synchronous>, transform_indices = @transform_4, window_bounds = array<i64: 1, 16>}, {pipeline_mode = #tpu.pipeline_mode<synchronous>, transform_indices = @transform_5, window_bounds = array<i64: 1250, 128>}]} {
    %get3A = arith.constant 0 : index
    %get3A_0 = arith.constant 0 : index
    %get3A_1 = vector.load %arg1[%get3A, %get3A_0] : memref<10000x128xf32, #tpu.memory_space<vmem>>, vector<10000x128xf32>
    %get3A_2 = arith.constant 0 : index
    %get3A_3 = arith.constant 0 : index
    %get3A_4 = vector.load %arg2[%get3A_2, %get3A_3] : memref<128x128xf32, #tpu.memory_space<vmem>>, vector<128x128xf32>
    %dot_general3A = arith.constant dense<0.000000e+00> : vector<10000x128xf32>
    %dot_general3A_5 = tpu.matmul %get3A_1, %get3A_4, %dot_general3A {dimension_numbers = #tpu.dot_dimension_numbers<[1], [0], [0], [1], [0, 0, 1, 1], [], []>, transpose_lhs_hint = false} : vector<10000x128xf32>, vector<128x128xf32>, vector<10000x128xf32> -> vector<10000x128xf32>
    %get3A_6 = arith.constant 0 : index
    %get3A_7 = arith.constant 0 : index
    %get3A_8 = vector.load %arg3[%get3A_6, %get3A_7] : memref<1x128xf32, #tpu.memory_space<vmem>>, vector<1x128xf32>
    %add3A = vector.broadcast %get3A_8 : vector<1x128xf32> to vector<10000x128xf32>
    %add3A_9 = arith.addf %dot_general3A_5, %add3A : vector<10000x128xf32>
    %logistic3A = arith.negf %add3A_9 : vector<10000x128xf32>
    %logistic3A_10 = math.exp %logistic3A : vector<10000x128xf32>
    %logistic3A_11 = arith.constant 1.000000e+00 : f32
    %logistic3A_12 = vector.broadcast %logistic3A_11 : f32 to vector<10000x128xf32>
    %logistic3A_13 = arith.addf %logistic3A_12, %logistic3A_10 : vector<10000x128xf32>
    %logistic3A_14 = arith.divf %logistic3A_12, %logistic3A_13 : vector<10000x128xf32>
    %mul3A = arith.mulf %add3A_9, %logistic3A_14 : vector<10000x128xf32>
    %get3A_15 = arith.constant 0 : index
    %get3A_16 = arith.constant 0 : index
    %get3A_17 = vector.load %arg4[%get3A_15, %get3A_16] : memref<128x16xf32, #tpu.memory_space<vmem>>, vector<128x16xf32>
    %dot_general3A_18 = arith.constant dense<0.000000e+00> : vector<10000x16xf32>
    %dot_general3A_19 = tpu.matmul %mul3A, %get3A_17, %dot_general3A_18 {dimension_numbers = #tpu.dot_dimension_numbers<[1], [0], [0], [1], [0, 0, 1, 1], [], []>, transpose_lhs_hint = false} : vector<10000x128xf32>, vector<128x16xf32>, vector<10000x16xf32> -> vector<10000x16xf32>
    %get3A_20 = arith.constant 0 : index
    %get3A_21 = arith.constant 0 : index
    %get3A_22 = vector.load %arg5[%get3A_20, %get3A_21] : memref<1x16xf32, #tpu.memory_space<vmem>>, vector<1x16xf32>
    %add3A_23 = vector.broadcast %get3A_22 : vector<1x16xf32> to vector<10000x16xf32>
    %add3A_24 = arith.addf %dot_general3A_19, %add3A_23 : vector<10000x16xf32>
    %slice3A = vector.extract_strided_slice %add3A_24 {offsets = [0, 0], sizes = [1250, 16], strides = [1, 1]} : vector<10000x16xf32> to vector<1250x16xf32>
    %slice3A_25 = vector.extract_strided_slice %add3A_24 {offsets = [1250, 0], sizes = [1250, 16], strides = [1, 1]} : vector<10000x16xf32> to vector<1250x16xf32>
    %slice3A_26 = vector.extract_strided_slice %add3A_24 {offsets = [2500, 0], sizes = [1250, 16], strides = [1, 1]} : vector<10000x16xf32> to vector<1250x16xf32>
    %slice3A_27 = vector.extract_strided_slice %add3A_24 {offsets = [3750, 0], sizes = [1250, 16], strides = [1, 1]} : vector<10000x16xf32> to vector<1250x16xf32>
    %slice3A_28 = vector.extract_strided_slice %add3A_24 {offsets = [5000, 0], sizes = [1250, 16], strides = [1, 1]} : vector<10000x16xf32> to vector<1250x16xf32>
    %slice3A_29 = vector.extract_strided_slice %add3A_24 {offsets = [6250, 0], sizes = [1250, 16], strides = [1, 1]} : vector<10000x16xf32> to vector<1250x16xf32>
    %slice3A_30 = vector.extract_strided_slice %add3A_24 {offsets = [7500, 0], sizes = [1250, 16], strides = [1, 1]} : vector<10000x16xf32> to vector<1250x16xf32>
    %slice3A_31 = vector.extract_strided_slice %add3A_24 {offsets = [8750, 0], sizes = [1250, 16], strides = [1, 1]} : vector<10000x16xf32> to vector<1250x16xf32>
    %concatenate3A = tpu.concatenate %slice3A, %slice3A_25, %slice3A_26, %slice3A_27, %slice3A_28, %slice3A_29, %slice3A_30, %slice3A_31 in 1 : vector<1250x16xf32>, vector<1250x16xf32>, vector<1250x16xf32>, vector<1250x16xf32>, vector<1250x16xf32>, vector<1250x16xf32>, vector<1250x16xf32>, vector<1250x16xf32> -> vector<1250x128xf32>
    %swap3A = arith.constant 0 : index
    %swap3A_32 = arith.constant 0 : index
    %swap3A_33 = vector.load %arg6[%swap3A, %swap3A_32] : memref<1250x128xf32, #tpu.memory_space<vmem>>, vector<1250x128xf32>
    tpu.vector_store %arg6[%swap3A, %swap3A_32], %concatenate3A {strides = array<i32>} : memref<1250x128xf32, #tpu.memory_space<vmem>>, vector<1250x128xf32>,
    return
  }
  func.func @transform_0(%arg0: i32) -> (i32, i32) {
    %c0_i32 = arith.constant 0 : i32
    %c0_i32_0 = arith.constant 0 : i32
    %c0_i32_1 = arith.constant 0 : i32
    return %c0_i32, %c0_i32_0 : i32, i32
  }
  func.func @transform_1(%arg0: i32) -> (i32, i32) {
    %c0_i32 = arith.constant 0 : i32
    %c0_i32_0 = arith.constant 0 : i32
    %c0_i32_1 = arith.constant 0 : i32
    return %c0_i32, %c0_i32_0 : i32, i32
  }
  func.func @transform_2(%arg0: i32) -> (i32, i32) {
    %c0_i32 = arith.constant 0 : i32
    %c0_i32_0 = arith.constant 0 : i32
    %c0_i32_1 = arith.constant 0 : i32
    return %c0_i32, %c0_i32_0 : i32, i32
  }
  func.func @transform_3(%arg0: i32) -> (i32, i32) {
    %c0_i32 = arith.constant 0 : i32
    %c0_i32_0 = arith.constant 0 : i32
    %c0_i32_1 = arith.constant 0 : i32
    return %c0_i32, %c0_i32_0 : i32, i32
  }
  func.func @transform_4(%arg0: i32) -> (i32, i32) {
    %c0_i32 = arith.constant 0 : i32
    %c0_i32_0 = arith.constant 0 : i32
    %c0_i32_1 = arith.constant 0 : i32
    return %c0_i32, %c0_i32_0 : i32, i32
  }
  func.func @transform_5(%arg0: i32) -> (i32, i32) {
    %c0_i32 = arith.constant 0 : i32
    %c0_i32_0 = arith.constant 0 : i32
    %c0_i32_1 = arith.constant 0 : i32
    return %c0_i32, %c0_i32_0 : i32, i32
  }
}

module attributes {stable_mosaic.version = 14 : i64} {
  func.func @_edge_body(%arg0: i32, %arg1: memref<1024x128xf32, #tpu.memory_space<vmem>>, %arg2: memref<24x1024xf32, #tpu.memory_space<vmem>>, %arg3: memref<72x1024xf32, #tpu.memory_space<vmem>>, %arg4: memref<128x160xf32, #tpu.memory_space<vmem>>, %arg5: memref<128x1xf32, #tpu.memory_space<vmem>>, %arg6: memref<128x128xf32, #tpu.memory_space<vmem>>, %arg7: memref<128x128xf32, #tpu.memory_space<vmem>>, %arg8: memref<128x128xf32, #tpu.memory_space<vmem>>, %arg9: memref<128x128xf32, #tpu.memory_space<vmem>>, %arg10: memref<1024x128xf32, #tpu.memory_space<vmem>>) attributes {dimension_semantics = [#tpu.dimension_semantics<arbitrary>], iteration_bounds = array<i64: 40>, scalar_prefetch = 0 : i64, scratch_operands = 0 : i64, tpu.core_type = #tpu.core_type<tc>, window_params = [{transform_indices = @transform_0, window_bounds = array<i64: 1024, 128>}, {transform_indices = @transform_1, window_bounds = array<i64: 24, 1024>}, {transform_indices = @transform_2, window_bounds = array<i64: 72, 1024>}, {pipeline_mode = #tpu.pipeline_mode<synchronous>, transform_indices = @transform_3, window_bounds = array<i64: 128, 160>}, {pipeline_mode = #tpu.pipeline_mode<synchronous>, transform_indices = @transform_4, window_bounds = array<i64: 128, 1>}, {pipeline_mode = #tpu.pipeline_mode<synchronous>, transform_indices = @transform_5, window_bounds = array<i64: 128, 128>}, {pipeline_mode = #tpu.pipeline_mode<synchronous>, transform_indices = @transform_6, window_bounds = array<i64: 128, 128>}, {pipeline_mode = #tpu.pipeline_mode<synchronous>, transform_indices = @transform_7, window_bounds = array<i64: 128, 128>}, {pipeline_mode = #tpu.pipeline_mode<synchronous>, transform_indices = @transform_8, window_bounds = array<i64: 128, 128>}, {transform_indices = @transform_9, window_bounds = array<i64: 1024, 128>}]} {
    %get3A = arith.constant 0 : index
    %get3A_0 = arith.constant 0 : index
    %get3A_1 = vector.load %arg2[%get3A, %get3A_0] : memref<24x1024xf32, #tpu.memory_space<vmem>>, vector<24x1024xf32>
    %slice3A = vector.extract_strided_slice %get3A_1 {offsets = [0, 0], sizes = [8, 1024], strides = [1, 1]} : vector<24x1024xf32> to vector<8x1024xf32>
    %slice3A_2 = vector.extract_strided_slice %get3A_1 {offsets = [8, 0], sizes = [8, 1024], strides = [1, 1]} : vector<24x1024xf32> to vector<8x1024xf32>
    %slice3A_3 = vector.extract_strided_slice %get3A_1 {offsets = [16, 0], sizes = [8, 1024], strides = [1, 1]} : vector<24x1024xf32> to vector<8x1024xf32>
    %mul3A = arith.mulf %slice3A, %slice3A : vector<8x1024xf32>
    %mul3A_4 = arith.mulf %slice3A_2, %slice3A_2 : vector<8x1024xf32>
    %add3A = arith.addf %mul3A, %mul3A_4 : vector<8x1024xf32>
    %mul3A_5 = arith.mulf %slice3A_3, %slice3A_3 : vector<8x1024xf32>
    %add3A_6 = arith.addf %add3A, %mul3A_5 : vector<8x1024xf32>
    %sqrt3A = math.sqrt %add3A_6 : vector<8x1024xf32>
    %concatenate3A = tpu.concatenate %sqrt3A, %sqrt3A, %sqrt3A in 0 : vector<8x1024xf32>, vector<8x1024xf32>, vector<8x1024xf32> -> vector<24x1024xf32>
    %concatenate3A_7 = tpu.concatenate %add3A_6, %add3A_6, %add3A_6 in 0 : vector<8x1024xf32>, vector<8x1024xf32>, vector<8x1024xf32> -> vector<24x1024xf32>
    %eq3A = arith.constant 0.000000e+00 : f32
    %eq3A_8 = vector.broadcast %eq3A : f32 to vector<24x1024xf32>
    %eq3A_9 = arith.cmpf oeq, %concatenate3A_7, %eq3A_8 : vector<24x1024xf32>
    %div3A = arith.divf %get3A_1, %concatenate3A : vector<24x1024xf32>
    %jit3A = arith.constant 0.000000e+00 : f32
    %broadcast_in_dim3A = vector.broadcast %jit3A : f32 to vector<24x1024xf32>
    %select_n3A = arith.select %eq3A_9, %broadcast_in_dim3A, %div3A : vector<24x1024xi1>, vector<24x1024xf32>
    %eq3A_10 = arith.constant 0.000000e+00 : f32
    %eq3A_11 = vector.broadcast %eq3A_10 : f32 to vector<8x1024xf32>
    %eq3A_12 = arith.cmpf oeq, %add3A_6, %eq3A_11 : vector<8x1024xf32>
    %div3A_13 = arith.constant 1.000000e+00 : f32
    %div3A_14 = vector.broadcast %div3A_13 : f32 to vector<8x1024xf32>
    %div3A_15 = arith.divf %div3A_14, %sqrt3A : vector<8x1024xf32>
    %jit3A_16 = arith.constant 0.000000e+00 : f32
    %broadcast_in_dim3A_17 = vector.broadcast %jit3A_16 : f32 to vector<8x1024xf32>
    %select_n3A_18 = arith.select %eq3A_12, %broadcast_in_dim3A_17, %div3A_15 : vector<8x1024xi1>, vector<8x1024xf32>
    %mul3A_19 = arith.constant 0.628318548 : f32
    %mul3A_20 = vector.broadcast %mul3A_19 : f32 to vector<8x1024xf32>
    %mul3A_21 = arith.mulf %sqrt3A, %mul3A_20 : vector<8x1024xf32>
    %sin3A = math.sin %mul3A_21 : vector<8x1024xf32>
    %cos3A = math.cos %mul3A_21 : vector<8x1024xf32>
    %add3A_22 = arith.addf %cos3A, %cos3A : vector<8x1024xf32>
    %mul3A_23 = arith.mulf %add3A_22, %sin3A : vector<8x1024xf32>
    %mul3A_24 = arith.mulf %add3A_22, %mul3A_23 : vector<8x1024xf32>
    %sub3A = arith.subf %mul3A_24, %sin3A : vector<8x1024xf32>
    %mul3A_25 = arith.mulf %add3A_22, %sub3A : vector<8x1024xf32>
    %sub3A_26 = arith.subf %mul3A_25, %mul3A_23 : vector<8x1024xf32>
    %mul3A_27 = arith.mulf %add3A_22, %sub3A_26 : vector<8x1024xf32>
    %sub3A_28 = arith.subf %mul3A_27, %sub3A : vector<8x1024xf32>
    %mul3A_29 = arith.mulf %add3A_22, %sub3A_28 : vector<8x1024xf32>
    %sub3A_30 = arith.subf %mul3A_29, %sub3A_26 : vector<8x1024xf32>
    %mul3A_31 = arith.mulf %add3A_22, %sub3A_30 : vector<8x1024xf32>
    %sub3A_32 = arith.subf %mul3A_31, %sub3A_28 : vector<8x1024xf32>
    %mul3A_33 = arith.mulf %add3A_22, %sub3A_32 : vector<8x1024xf32>
    %sub3A_34 = arith.subf %mul3A_33, %sub3A_30 : vector<8x1024xf32>
    %mul3A_35 = arith.mulf %add3A_22, %sub3A_34 : vector<8x1024xf32>
    %sub3A_36 = arith.subf %mul3A_35, %sub3A_32 : vector<8x1024xf32>
    %mul3A_37 = arith.mulf %add3A_22, %sub3A_36 : vector<8x1024xf32>
    %sub3A_38 = arith.subf %mul3A_37, %sub3A_34 : vector<8x1024xf32>
    %mul3A_39 = arith.mulf %add3A_22, %sub3A_38 : vector<8x1024xf32>
    %sub3A_40 = arith.subf %mul3A_39, %sub3A_36 : vector<8x1024xf32>
    %mul3A_41 = arith.mulf %add3A_22, %sub3A_40 : vector<8x1024xf32>
    %sub3A_42 = arith.subf %mul3A_41, %sub3A_38 : vector<8x1024xf32>
    %mul3A_43 = arith.mulf %add3A_22, %sub3A_42 : vector<8x1024xf32>
    %sub3A_44 = arith.subf %mul3A_43, %sub3A_40 : vector<8x1024xf32>
    %mul3A_45 = arith.mulf %add3A_22, %sub3A_44 : vector<8x1024xf32>
    %sub3A_46 = arith.subf %mul3A_45, %sub3A_42 : vector<8x1024xf32>
    %mul3A_47 = arith.mulf %add3A_22, %sub3A_46 : vector<8x1024xf32>
    %sub3A_48 = arith.subf %mul3A_47, %sub3A_44 : vector<8x1024xf32>
    %mul3A_49 = arith.mulf %add3A_22, %sub3A_48 : vector<8x1024xf32>
    %sub3A_50 = arith.subf %mul3A_49, %sub3A_46 : vector<8x1024xf32>
    %mul3A_51 = arith.mulf %add3A_22, %sub3A_50 : vector<8x1024xf32>
    %sub3A_52 = arith.subf %mul3A_51, %sub3A_48 : vector<8x1024xf32>
    %mul3A_53 = arith.mulf %add3A_22, %sub3A_52 : vector<8x1024xf32>
    %sub3A_54 = arith.subf %mul3A_53, %sub3A_50 : vector<8x1024xf32>
    %mul3A_55 = arith.mulf %add3A_22, %sub3A_54 : vector<8x1024xf32>
    %sub3A_56 = arith.subf %mul3A_55, %sub3A_52 : vector<8x1024xf32>
    %mul3A_57 = arith.mulf %add3A_22, %sub3A_56 : vector<8x1024xf32>
    %sub3A_58 = arith.subf %mul3A_57, %sub3A_54 : vector<8x1024xf32>
    %mul3A_59 = arith.mulf %sin3A, %select_n3A_18 : vector<8x1024xf32>
    %mul3A_60 = arith.mulf %mul3A_23, %select_n3A_18 : vector<8x1024xf32>
    %mul3A_61 = arith.mulf %sub3A, %select_n3A_18 : vector<8x1024xf32>
    %mul3A_62 = arith.mulf %sub3A_26, %select_n3A_18 : vector<8x1024xf32>
    %mul3A_63 = arith.mulf %sub3A_28, %select_n3A_18 : vector<8x1024xf32>
    %mul3A_64 = arith.mulf %sub3A_30, %select_n3A_18 : vector<8x1024xf32>
    %mul3A_65 = arith.mulf %sub3A_32, %select_n3A_18 : vector<8x1024xf32>
    %mul3A_66 = arith.mulf %sub3A_34, %select_n3A_18 : vector<8x1024xf32>
    %mul3A_67 = arith.mulf %sub3A_36, %select_n3A_18 : vector<8x1024xf32>
    %mul3A_68 = arith.mulf %sub3A_38, %select_n3A_18 : vector<8x1024xf32>
    %mul3A_69 = arith.mulf %sub3A_40, %select_n3A_18 : vector<8x1024xf32>
    %mul3A_70 = arith.mulf %sub3A_42, %select_n3A_18 : vector<8x1024xf32>
    %mul3A_71 = arith.mulf %sub3A_44, %select_n3A_18 : vector<8x1024xf32>
    %mul3A_72 = arith.mulf %sub3A_46, %select_n3A_18 : vector<8x1024xf32>
    %mul3A_73 = arith.mulf %sub3A_48, %select_n3A_18 : vector<8x1024xf32>
    %mul3A_74 = arith.mulf %sub3A_50, %select_n3A_18 : vector<8x1024xf32>
    %mul3A_75 = arith.mulf %sub3A_52, %select_n3A_18 : vector<8x1024xf32>
    %mul3A_76 = arith.mulf %sub3A_54, %select_n3A_18 : vector<8x1024xf32>
    %mul3A_77 = arith.mulf %sub3A_56, %select_n3A_18 : vector<8x1024xf32>
    %mul3A_78 = arith.mulf %sub3A_58, %select_n3A_18 : vector<8x1024xf32>
    %concatenate3A_79 = tpu.concatenate %mul3A_59, %mul3A_60, %mul3A_61, %mul3A_62, %mul3A_63, %mul3A_64, %mul3A_65, %mul3A_66, %mul3A_67, %mul3A_68, %mul3A_69, %mul3A_70, %mul3A_71, %mul3A_72, %mul3A_73, %mul3A_74, %mul3A_75, %mul3A_76, %mul3A_77, %mul3A_78 in 0 : vector<8x1024xf32>, vector<8x1024xf32>, vector<8x1024xf32>, vector<8x1024xf32>, vector<8x1024xf32>, vector<8x1024xf32>, vector<8x1024xf32>, vector<8x1024xf32>, vector<8x1024xf32>, vector<8x1024xf32>, vector<8x1024xf32>, vector<8x1024xf32>, vector<8x1024xf32>, vector<8x1024xf32>, vector<8x1024xf32>, vector<8x1024xf32>, vector<8x1024xf32>, vector<8x1024xf32>, vector<8x1024xf32>, vector<8x1024xf32> -> vector<160x1024xf32>
    %get3A_80 = arith.constant 0 : index
    %get3A_81 = arith.constant 0 : index
    %get3A_82 = vector.load %arg4[%get3A_80, %get3A_81] : memref<128x160xf32, #tpu.memory_space<vmem>>, vector<128x160xf32>
    %dot_general3A = arith.constant dense<0.000000e+00> : vector<128x1024xf32>
    %dot_general3A_83 = tpu.matmul %get3A_82, %concatenate3A_79, %dot_general3A {dimension_numbers = #tpu.dot_dimension_numbers<[1], [0], [0], [1], [0, 0, 1, 1], [], []>, transpose_lhs_hint = false} : vector<128x160xf32>, vector<160x1024xf32>, vector<128x1024xf32> -> vector<128x1024xf32>
    %get3A_84 = arith.constant 0 : index
    %get3A_85 = arith.constant 0 : index
    %get3A_86 = vector.load %arg5[%get3A_84, %get3A_85] : memref<128x1xf32, #tpu.memory_space<vmem>>, vector<128x1xf32>
    %add3A_87 = vector.broadcast %get3A_86 : vector<128x1xf32> to vector<128x1024xf32>
    %add3A_88 = arith.addf %dot_general3A_83, %add3A_87 : vector<128x1024xf32>
    %get3A_89 = arith.constant 0 : index
    %get3A_90 = arith.constant 0 : index
    %get3A_91 = vector.load %arg8[%get3A_89, %get3A_90] : memref<128x128xf32, #tpu.memory_space<vmem>>, vector<128x128xf32>
    %get3A_92 = arith.constant 0 : index
    %get3A_93 = arith.constant 0 : index
    %get3A_94 = vector.load %arg1[%get3A_92, %get3A_93] : memref<1024x128xf32, #tpu.memory_space<vmem>>, vector<1024x128xf32>
    %transpose3A = tpu.transpose %get3A_94, [1, 0] : vector<1024x128xf32> -> vector<128x1024xf32>
    %dot_general3A_95 = arith.constant dense<0.000000e+00> : vector<128x1024xf32>
    %dot_general3A_96 = tpu.matmul %get3A_91, %transpose3A, %dot_general3A_95 {dimension_numbers = #tpu.dot_dimension_numbers<[1], [0], [0], [1], [0, 0, 1, 1], [], []>, transpose_lhs_hint = false} : vector<128x128xf32>, vector<128x1024xf32>, vector<128x1024xf32> -> vector<128x1024xf32>
    %mul3A_97 = arith.mulf %dot_general3A_96, %add3A_88 : vector<128x1024xf32>
    %slice3A_98 = vector.extract_strided_slice %select_n3A {offsets = [0, 0], sizes = [8, 1024], strides = [1, 1]} : vector<24x1024xf32> to vector<8x1024xf32>
    %slice3A_99 = vector.extract_strided_slice %select_n3A {offsets = [8, 0], sizes = [8, 1024], strides = [1, 1]} : vector<24x1024xf32> to vector<8x1024xf32>
    %slice3A_100 = vector.extract_strided_slice %select_n3A {offsets = [16, 0], sizes = [8, 1024], strides = [1, 1]} : vector<24x1024xf32> to vector<8x1024xf32>
    %slice3A_101 = vector.extract_strided_slice %select_n3A {offsets = [0, 0], sizes = [8, 1024], strides = [1, 1]} : vector<24x1024xf32> to vector<8x1024xf32>
    %slice3A_102 = vector.extract_strided_slice %select_n3A {offsets = [8, 0], sizes = [8, 1024], strides = [1, 1]} : vector<24x1024xf32> to vector<8x1024xf32>
    %slice3A_103 = vector.extract_strided_slice %select_n3A {offsets = [16, 0], sizes = [8, 1024], strides = [1, 1]} : vector<24x1024xf32> to vector<8x1024xf32>
    %slice3A_104 = vector.extract_strided_slice %select_n3A {offsets = [0, 0], sizes = [8, 1024], strides = [1, 1]} : vector<24x1024xf32> to vector<8x1024xf32>
    %slice3A_105 = vector.extract_strided_slice %select_n3A {offsets = [8, 0], sizes = [8, 1024], strides = [1, 1]} : vector<24x1024xf32> to vector<8x1024xf32>
    %slice3A_106 = vector.extract_strided_slice %select_n3A {offsets = [16, 0], sizes = [8, 1024], strides = [1, 1]} : vector<24x1024xf32> to vector<8x1024xf32>
    %broadcast_in_dim3A_107 = arith.constant 1.000000e+00 : f32
    %broadcast_in_dim3A_108 = vector.broadcast %broadcast_in_dim3A_107 : f32 to vector<24x1024xf32>
    %broadcast_in_dim3A_109 = arith.constant 0.000000e+00 : f32
    %broadcast_in_dim3A_110 = vector.broadcast %broadcast_in_dim3A_109 : f32 to vector<32x1024xf32>
    %concatenate3A_111 = tpu.concatenate %slice3A_98, %slice3A_99, %slice3A_100, %slice3A_101, %slice3A_102, %slice3A_103, %slice3A_104, %slice3A_105, %slice3A_106, %broadcast_in_dim3A_108, %broadcast_in_dim3A_110 in 0 : vector<8x1024xf32>, vector<8x1024xf32>, vector<8x1024xf32>, vector<8x1024xf32>, vector<8x1024xf32>, vector<8x1024xf32>, vector<8x1024xf32>, vector<8x1024xf32>, vector<8x1024xf32>, vector<24x1024xf32>, vector<32x1024xf32> -> vector<128x1024xf32>
    %get3A_112 = arith.constant 0 : index
    %get3A_113 = arith.constant 0 : index
    %get3A_114 = vector.load %arg3[%get3A_112, %get3A_113] : memref<72x1024xf32, #tpu.memory_space<vmem>>, vector<72x1024xf32>
    %broadcast_in_dim3A_115 = arith.constant 0.000000e+00 : f32
    %broadcast_in_dim3A_116 = vector.broadcast %broadcast_in_dim3A_115 : f32 to vector<56x1024xf32>
    %concatenate3A_117 = tpu.concatenate %get3A_114, %broadcast_in_dim3A_116 in 0 : vector<72x1024xf32>, vector<56x1024xf32> -> vector<128x1024xf32>
    %get3A_118 = arith.constant 0 : index
    %get3A_119 = arith.constant 0 : index
    %get3A_120 = vector.load %arg6[%get3A_118, %get3A_119] : memref<128x128xf32, #tpu.memory_space<vmem>>, vector<128x128xf32>
    %dot_general3A_121 = arith.constant dense<0.000000e+00> : vector<128x1024xf32>
    %dot_general3A_122 = tpu.matmul %get3A_120, %mul3A_97, %dot_general3A_121 {dimension_numbers = #tpu.dot_dimension_numbers<[1], [0], [0], [1], [0, 0, 1, 1], [], []>, transpose_lhs_hint = false} : vector<128x128xf32>, vector<128x1024xf32>, vector<128x1024xf32> -> vector<128x1024xf32>
    %mul3A_123 = arith.mulf %dot_general3A_122, %concatenate3A_111 : vector<128x1024xf32>
    %get3A_124 = arith.constant 0 : index
    %get3A_125 = arith.constant 0 : index
    %get3A_126 = vector.load %arg7[%get3A_124, %get3A_125] : memref<128x128xf32, #tpu.memory_space<vmem>>, vector<128x128xf32>
    %dot_general3A_127 = arith.constant dense<0.000000e+00> : vector<128x1024xf32>
    %dot_general3A_128 = tpu.matmul %get3A_126, %mul3A_97, %dot_general3A_127 {dimension_numbers = #tpu.dot_dimension_numbers<[1], [0], [0], [1], [0, 0, 1, 1], [], []>, transpose_lhs_hint = false} : vector<128x128xf32>, vector<128x1024xf32>, vector<128x1024xf32> -> vector<128x1024xf32>
    %mul3A_129 = arith.mulf %dot_general3A_128, %concatenate3A_117 : vector<128x1024xf32>
    %add3A_130 = arith.addf %mul3A_123, %mul3A_129 : vector<128x1024xf32>
    %get3A_131 = arith.constant 0 : index
    %get3A_132 = arith.constant 0 : index
    %get3A_133 = vector.load %arg9[%get3A_131, %get3A_132] : memref<128x128xf32, #tpu.memory_space<vmem>>, vector<128x128xf32>
    %dot_general3A_134 = arith.constant dense<0.000000e+00> : vector<128x1024xf32>
    %dot_general3A_135 = tpu.matmul %get3A_133, %add3A_130, %dot_general3A_134 {dimension_numbers = #tpu.dot_dimension_numbers<[1], [0], [0], [1], [0, 0, 1, 1], [], []>, transpose_lhs_hint = false} : vector<128x128xf32>, vector<128x1024xf32>, vector<128x1024xf32> -> vector<128x1024xf32>
    %transpose3A_136 = tpu.transpose %dot_general3A_135, [1, 0] : vector<128x1024xf32> -> vector<1024x128xf32>
    %swap3A = arith.constant 0 : index
    %swap3A_137 = arith.constant 0 : index
    %swap3A_138 = vector.load %arg10[%swap3A, %swap3A_137] : memref<1024x128xf32, #tpu.memory_space<vmem>>, vector<1024x128xf32>
    tpu.vector_store %arg10[%swap3A, %swap3A_137], %transpose3A_136 {strides = array<i32>} : memref<1024x128xf32, #tpu.memory_space<vmem>>, vector<1024x128xf32>,
    return
  }
  func.func @transform_0(%arg0: i32) -> (i32, i32) {
    %c0_i32 = arith.constant 0 : i32
    %c0_i32_0 = arith.constant 0 : i32
    return %arg0, %c0_i32 : i32, i32
  }
  func.func @transform_1(%arg0: i32) -> (i32, i32) {
    %c0_i32 = arith.constant 0 : i32
    %c0_i32_0 = arith.constant 0 : i32
    return %c0_i32, %arg0 : i32, i32
  }
  func.func @transform_2(%arg0: i32) -> (i32, i32) {
    %c0_i32 = arith.constant 0 : i32
    %c0_i32_0 = arith.constant 0 : i32
    return %c0_i32, %arg0 : i32, i32
  }
  func.func @transform_3(%arg0: i32) -> (i32, i32) {
    %c0_i32 = arith.constant 0 : i32
    %c0_i32_0 = arith.constant 0 : i32
    %c0_i32_1 = arith.constant 0 : i32
    return %c0_i32, %c0_i32_0 : i32, i32
  }
  func.func @transform_4(%arg0: i32) -> (i32, i32) {
    %c0_i32 = arith.constant 0 : i32
    %c0_i32_0 = arith.constant 0 : i32
    %c0_i32_1 = arith.constant 0 : i32
    return %c0_i32, %c0_i32_0 : i32, i32
  }
  func.func @transform_5(%arg0: i32) -> (i32, i32) {
    %c0_i32 = arith.constant 0 : i32
    %c0_i32_0 = arith.constant 0 : i32
    %c0_i32_1 = arith.constant 0 : i32
    return %c0_i32, %c0_i32_0 : i32, i32
  }
  func.func @transform_6(%arg0: i32) -> (i32, i32) {
    %c0_i32 = arith.constant 0 : i32
    %c0_i32_0 = arith.constant 0 : i32
    %c0_i32_1 = arith.constant 0 : i32
    return %c0_i32, %c0_i32_0 : i32, i32
  }
  func.func @transform_7(%arg0: i32) -> (i32, i32) {
    %c0_i32 = arith.constant 0 : i32
    %c0_i32_0 = arith.constant 0 : i32
    %c0_i32_1 = arith.constant 0 : i32
    return %c0_i32, %c0_i32_0 : i32, i32
  }
  func.func @transform_8(%arg0: i32) -> (i32, i32) {
    %c0_i32 = arith.constant 0 : i32
    %c0_i32_0 = arith.constant 0 : i32
    %c0_i32_1 = arith.constant 0 : i32
    return %c0_i32, %c0_i32_0 : i32, i32
  }
  func.func @transform_9(%arg0: i32) -> (i32, i32) {
    %c0_i32 = arith.constant 0 : i32
    %c0_i32_0 = arith.constant 0 : i32
    return %arg0, %c0_i32 : i32, i32
  }
}

module attributes {stable_mosaic.version = 14 : i64} {
  func.func @_combine_body(%arg0: memref<2x10016x16xf32, #tpu.memory_space<vmem>>, %arg1: memref<10000x3xf32, #tpu.memory_space<vmem>>, %arg2: memref<10000x9xf32, #tpu.memory_space<vmem>>) attributes {dimension_semantics = [], scalar_prefetch = 0 : i64, scratch_operands = 0 : i64, tpu.core_type = #tpu.core_type<tc>} {
    %get3A = arith.constant 0 : index
    %get3A_0 = arith.constant 0 : index
    %get3A_1 = arith.constant 0 : index
    %get3A_2 = vector.load %arg0[%get3A, %get3A_0, %get3A_1] : memref<2x10016x16xf32, #tpu.memory_space<vmem>>, vector<1x10016x16xf32>
    %get3A_3 = vector.shape_cast %get3A_2 : vector<1x10016x16xf32> to vector<10016x16xf32>
    %get3A_4 = arith.constant 1 : index
    %get3A_5 = arith.constant 0 : index
    %get3A_6 = arith.constant 0 : index
    %get3A_7 = vector.load %arg0[%get3A_4, %get3A_5, %get3A_6] : memref<2x10016x16xf32, #tpu.memory_space<vmem>>, vector<1x10016x16xf32>
    %get3A_8 = vector.shape_cast %get3A_7 : vector<1x10016x16xf32> to vector<10016x16xf32>
    %add3A = arith.addf %get3A_3, %get3A_8 : vector<10016x16xf32>
    %slice3A = vector.extract_strided_slice %add3A {offsets = [0, 9], sizes = [10000, 3], strides = [1, 1]} : vector<10016x16xf32> to vector<10000x3xf32>
    %swap3A = arith.constant 0 : index
    %swap3A_9 = arith.constant 0 : index
    %swap3A_10 = vector.load %arg1[%swap3A, %swap3A_9] : memref<10000x3xf32, #tpu.memory_space<vmem>>, vector<10000x3xf32>
    tpu.vector_store %arg1[%swap3A, %swap3A_9], %slice3A {strides = array<i32>} : memref<10000x3xf32, #tpu.memory_space<vmem>>, vector<10000x3xf32>,
    %slice3A_11 = vector.extract_strided_slice %add3A {offsets = [0, 0], sizes = [10000, 9], strides = [1, 1]} : vector<10016x16xf32> to vector<10000x9xf32>
    %swap3A_12 = arith.constant 0 : index
    %swap3A_13 = arith.constant 0 : index
    %swap3A_14 = vector.load %arg2[%swap3A_12, %swap3A_13] : memref<10000x9xf32, #tpu.memory_space<vmem>>, vector<10000x9xf32>
    tpu.vector_store %arg2[%swap3A_12, %swap3A_13], %slice3A_11 {strides = array<i32>} : memref<10000x9xf32, #tpu.memory_space<vmem>>, vector<10000x9xf32>,
    return
  }
}

</mosaic_0001>

<sc_bundles>
// kernel: gather_offload_async_start.1
scs
__scs_entry_jumppad:
0x0: {  	(pc) =	sbr.rel $0x88, $3  }
0x1: {  	(tag) =	ssettag $0x0;
	lr =	simm.s32 $0x1  }
0x2: {  	[smem:$0x3F97] =	sst lr;
	_ =	strace $0xD0000000  }
0x3: {  	_ = 	snop  }
0x4: {  	_ = 	snop  }
0x5: {  	_ = 	snop  }
0x6: {  	_ = 	snop  }
0x7: {  	_ = 	snop  }
__scs_overlays_trampoline_lowered:
0x8: {  	[smem:$0x3FA6] =	sst s0  }
0x9: {  	[smem:$0x3FA7] =	sst s1  }
0xa: {  	[smem:$0x3FA8] =	sst s2  }
0xb: {  	[smem:$0x3FA9] =	sst s3  }
0xc: {  	[smem:$0x3FAA] =	sst s4  }
0xd: {  	[smem:$0x3FAB] =	sst s5  }
0xe: {  	[smem:$0x3FAC] =	sst s6  }
0xf: {  	[smem:$0x3FAD] =	sst s7  }
0x10: {  	[smem:$0x3FAE] =	sst s8  }
0x11: {  	[smem:$0x3FAF] =	sst s9;
	s0 =	simm.s32 @!p0 $0x0  }
0x12: {  	s1 =	sld [smem:$0x3F95];
	s0 =	simm.s32 @p0 $0x1  }
0x13: {  	[smem:$0x3FB0] =	sst s0;
	s0 =	simm.s32 @!p1 $0x0  }
0x14: {  	s2 =	sld [smem:$0x3F94];
	s0 =	simm.s32 @p1 $0x1  }
0x15: {  	[smem:$0x3FB1] =	sst s0;
	s0 =	simm.s32 @!p2 $0x0  }
0x16: {  	s3 =	sld [smem:$0x3FDB];
	s0 =	simm.s32 @p2 $0x1  }
0x17: {  	s4 =	simm.s32 $0x1BF5;
	[smem:$0x3FB3] =	sst s0  }
0x18: {  	s0 =	sld [smem:$0x3F96];
	_ =	swait.ge [sflag:s4], $0x0  }
0x19: {  	s7 =	sld [smem:$0x3F97]  }
0x1a: {  	s8 =	sadd.s32 $0xFFFFE003, lr  }
0x1b: {  	s9 =	sadd.s32 $0xFFFFFEF7, lr;
	s5 =	simm.s32 $0xFFFFFFFF;
	p2 =	slt.u32 s8, $0xFFFFF086  }
0x1c: {  	p1 =	slt.u32 s9, $0xF7A;
	s5 =	simm.s32 @!p2 $0x0  }
0x1d: {  	s5 =	simm.s32 @p1 $0x1;
	p0 =	seq.s32 s7, s2  }
0x1e: {  	s7 =	smul.u32 @!p0 $0xF7A, s2;
	p2 =	seq.s32 @!p0 s5, $0x0  }
0x1f: {  	s9 =	smul.u32 $0xF7A, s1;
	s8 =	simm.s32 @!p0 $0x1BF5;
	p2 =	por !p2, p0  }
0x20: {  	[sflag:s8] =	ssyncset.s32 @!p0 $0xFFFFF086;
	s6 =	sadd.s32 @!p0 s3, s7;
	s7 =	simm.s32 @!p0 $0x108  }
0x21: {  	s3 =	sadd.s32 s3, s9;
	s6 =	sadd.s32 @!p0 $0x88, s6;
	s7 =	simm.s32 @p2 $0x1082  }
0x22: {  	[simem:s7], [sflag:s8] =	dma.local @!p0 [hbm:s6], $0xF7A  }
0x23: {  	s9 =	sor.u32 $0xD0000000, s2;
	s6 =	simm.s32 $0x108;
	_ =	swait.ge @!p0 [sflag:s8], $0x0  }
0x24: {  	s3 =	sadd.s32 $0x88, s3;
	s6 =	simm.s32 @!p1 $0x1082;
	[sflag:s4] =	ssyncset.s32 $0xFFFFF086  }
0x25: {  	[simem:s6], [sflag:s4] =	dma.local [hbm:s3], $0xF7A  }
0x26: {  	[smem:$0x3F97] =	sst s1;
	(tag) =	ssettag s2;
	_ =	strace s9  }
0x27: {  	s1 =	sld [smem:$0x3FA7]  }
0x28: {  	s2 =	sld [smem:$0x3FA8]  }
0x29: {  	s4 =	sld [smem:$0x3FAA]  }
0x2a: {  	p0 =	seq.s32 s5, $0x0;
	s5 =	sld [smem:$0x3FAB]  }
0x2b: {  	s6 =	sld [smem:$0x3FAC]  }
0x2c: {  	s7 =	sld [smem:$0x3FAD]  }
0x2d: {  	s3 =	simm.s32 $0x108;
	s8 =	sld [smem:$0x3FAE]  }
0x2e: {  	s3 =	simm.s32 @!p0 $0x1082;
	s9 =	sld [smem:$0x3FAF]  }
0x2f: {  	lr =	sadd.s32 s0, s3;
	s0 =	sld [smem:$0x3FA6]  }
0x30: {  	s3 =	sld [smem:$0x3FA9]  }
0x31: {  	[smem:$0x3FB2] =	sst s10  }
0x32: {  	s10 =	sld [smem:$0x3FB0];
	_ =	sdelay $0x3  }
0x33: {  	p0 =	seq.s32 s10, $0x1;
	s10 =	sld [smem:$0x3FB2];
	_ =	sdelay $0x3  }
0x34: {  	[smem:$0x3FB2] =	sst s10  }
0x35: {  	s10 =	sld [smem:$0x3FB1];
	_ =	sdelay $0x3  }
0x36: {  	p1 =	seq.s32 s10, $0x1;
	s10 =	sld [smem:$0x3FB2];
	_ =	sdelay $0x3  }
0x37: {  	[smem:$0x3FB2] =	sst s10  }
0x38: {  	s10 =	sld [smem:$0x3FB3]  }
0x39: {  	_ = 	snop;
	(pc) =	sbr.ind lr, $3  }
0x3a: {  	_ = 	snop  }
0x3b: {  	_ = 	snop  }
0x3c: {  	p2 =	seq.s32 s10, $0x1;
	s10 =	sld [smem:$0x3FB2]  }
0x3d: {  	_ =	shalt  }
0x3e: {  	_ =	shalt  }
0x3f: {  	_ =	shalt  }
0x40: {  	_ =	shalt  }
0x41: {  	_ =	shalt  }
0x42: {  	_ =	shalt  }
0x43: {  	_ =	shalt  }
0x44: {  	_ =	shalt  }
0x45: {  	_ =	shalt  }
0x46: {  	_ =	shalt  }
0x47: {  	_ =	shalt  }
0x48: {  	_ =	shalt  }
0x49: {  	_ =	shalt  }
0x4a: {  	_ =	shalt  }
0x4b: {  	_ =	shalt  }
0x4c: {  	_ =	shalt  }
0x4d: {  	_ =	shalt  }
0x4e: {  	_ =	shalt  }
0x4f: {  	_ =	shalt  }
0x50: {  	_ =	shalt  }
0x51: {  	_ =	shalt  }
0x52: {  	_ =	shalt  }
0x53: {  	_ =	shalt  }
0x54: {  	_ =	shalt  }
0x55: {  	_ =	shalt  }
0x56: {  	_ =	shalt  }
0x57: {  	_ =	shalt  }
0x58: {  	_ =	shalt  }
0x59: {  	_ =	shalt  }
0x5a: {  	_ =	shalt  }
0x5b: {  	_ =	shalt  }
0x5c: {  	_ =	shalt  }
0x5d: {  	_ =	shalt  }
0x5e: {  	_ =	shalt  }
0x5f: {  	_ =	shalt  }
0x60: {  	_ =	shalt  }
0x61: {  	_ =	shalt  }
0x62: {  	_ =	shalt  }
0x63: {  	_ =	shalt  }
0x64: {  	_ =	shalt  }
0x65: {  	_ =	shalt  }
0x66: {  	_ =	shalt  }
0x67: {  	_ =	shalt  }
0x68: {  	_ =	shalt  }
0x69: {  	_ =	shalt  }
0x6a: {  	_ =	shalt  }
0x6b: {  	_ =	shalt  }
0x6c: {  	_ =	shalt  }
0x6d: {  	_ =	shalt  }
0x6e: {  	_ =	shalt  }
0x6f: {  	_ =	shalt  }
0x70: {  	_ =	shalt  }
0x71: {  	_ =	shalt  }
0x72: {  	_ =	shalt  }
0x73: {  	_ =	shalt  }
0x74: {  	_ =	shalt  }
0x75: {  	_ =	shalt  }
0x76: {  	_ =	shalt  }
0x77: {  	_ =	shalt  }
0x78: {  	_ =	shalt  }
0x79: {  	_ =	shalt  }
0x7a: {  	_ =	shalt  }
0x7b: {  	_ =	shalt  }
0x7c: {  	_ =	shalt  }
0x7d: {  	_ =	shalt  }
0x7e: {  	_ =	shalt  }
0x7f: {  	_ =	shalt  }
0x80: {  	_ =	shalt  }
0x81: {  	_ =	shalt  }
0x82: {  	_ =	shalt  }
0x83: {  	_ =	shalt  }
0x84: {  	_ =	shalt  }
0x85: {  	_ =	shalt  }
0x86: {  	_ =	shalt  }
0x87: {  	_ =	shalt  }
.Lfunc_end0:
.L_simem_size_0:
called_computation.1_lowered:
.L_overlay_start_0:
0x88: {  	s2 =	sld [smem:$0x3FD9]  }
0x89: {  	s3 =	sld [smem:$0x3FFE];
	_ =	sdelay $0x1  }
0x8a: {  	s1 =	srdreg.scid  }
0x8b: {  	s0 =	sand.u32 $0x1, s1  }
0x8c: {  	s17 =	sshll.u32 s0, $0xA;
	s2 =	sadd.s32 s3, s2  }
0x8d: {  	s2 =	sadd.s32 s2, s17  }
0x8e: {  	[smem:$0x3FBE] =	sst s2  }
0x8f: {  	_ = 	snop  }
0x90: {  	(tm) =	ssettm $0x1  }
0x91: {  	s18 =	sld [smem:$0x3FFB];
	_ =	sdelay $0x3  }
0x92: {  	_ =	strace s18  }
0x93: {  	s2 =	sld [smem:$0x3FFC];
	_ =	sdelay $0x3  }
0x94: {  	_ =	strace s2  }
0x95: {  	s2 =	sld [smem:$0x3FFD];
	_ =	sdelay $0x3  }
0x96: {  	_ =	strace s2  }
0x97: {  	_ =	strace $0x8FFFFFFF  }
0x98: {  	s19 =	sld [smem:$0x3FDB];
	_ =	sdelay $0x1  }
0x99: {  	s20 =	simm.s32 $_scs_section_size  }
0x9a: {  	s4 =	simm.s32 $_size__tile_overlayer_lowered;
	s5 =	simm.s32 $_tile_overlayer_lowered  }
0x9b: {  	s6 =	simm.s32 $0x1BFF;
	s21 =	sshll.u32 s5, $0x1;
	s3 =	sadd.s32 s20, s19  }
0x9c: {  	s22 =	simm.s32 $0x0;
	s4 =	sshll.u32 s4, $0x1;
	s5 =	sadd.s32 s21, s3  }
0x9d: {  	[timem:s22], [sflag:s6] =	dma.local [hbm:s5], s4  }
0x9e: {  	_ =	swait.ge [sflag:s6], s4  }
0x9f: {  	s4 =	ssub.s32 $0x0, s4;
	[sflag:s6] =	ssyncset.done $0x0  }
0xa0: {  	[sflag:s6] =	ssyncadd.s32 s4;
	_ =	sdelay $0x1  }
0xa1: {  	s23 =	simm.s32 $0x1B8B  }
0xa2: {  	_ =	swait.ge [sflag:s23], $0x1  }
0xa3: {  	[sflag:s23] =	ssyncset.done $0x0  }
0xa4: {  	[sflag:s23] =	ssyncadd.s32 $0xFFFFFFFF  }
0xa5: {  	s4 =	sld [smem:$0x0]  }
0xa6: {  	s5 =	sand.u32 $0xFFFFFFFE, s1  }
0xa7: {  	p0 =	sne.s32 s1, s5  }
0xa8: {  	s5 =	sshll.u32 @p0 s5, $0xE  }
0xa9: {  	s5 =	sadd.s32 @p0 $0x11B8D, s5;
	s6 =	sshll.u32 @p0 s4, $0x11  }
0xaa: {  	s5 =	sor.u32 @p0 s6, s5  }
0xab: {  	[sflag:s5] =	ssyncadd.remote.s32 @p0 $0x1;
	_ =	sdelay $0x1  }
0xac: {  	s5 =	simm.s32 @p0 $0x1B8D  }
0xad: {  	_ =	swait.eq @p0 [sflag:s5], $0x1  }
0xae: {  	[sflag:s5] =	ssyncadd.s32 @p0 $0xFFFFFFFF  }
0xaf: {  	s6 =	sshll.u32 @!p0 s1, $0xE  }
0xb0: {  	s6 =	sor.u32 @!p0 $0x4000, s6;
	s5 =	simm.s32 @!p0 $0x1B8D  }
0xb1: {  	s4 =	sshll.u32 @!p0 s4, $0x11;
	s6 =	sadd.s32 @!p0 $0x11B8D, s6;
	_ =	swait.eq @!p0 [sflag:s5], $0x1  }
0xb2: {  	s4 =	sor.u32 @!p0 s4, s6;
	[sflag:s5] =	ssyncadd.s32 @!p0 $0xFFFFFFFF  }
0xb3: {  	s25 =	simm.s32 $0x1B8E;
	s24 =	sld [smem:$0x3FFE];
	[sflag:s4] =	ssyncadd.remote.s32 @!p0 $0x1  }
0xb4: {  	s26 =	simm.s32 $execute0_lowered;
	[smem:$0x3FD2] =	sst s25  }
0xb5: {  	s5 =	sshll.u32 s26, $0x1;
	_ =	strace $0x80000049;
	[dreg:$0x1] =	wrdreg $0xFFFFFFFF  }
0xb6: {  	s28 =	simm.s32 $_size_execute0_lowered;
	s3 =	sadd.s32 s3, s5;
	[dreg:$0x0] =	wrdreg $0x0  }
0xb7: {  	s5 =	sshll.u32 s28, $0x1;
	[dreg:$0x2] =	wrdreg s3  }
0xb8: {  	[dreg:$0x3] =	wrdreg s5  }
0xb9: {  	[dreg:$0x4] =	wrdreg $0xC0  }
0xba: {  	_ =	task [dreg:s22], $0x5FFFF  }
0xbb: {  	[dreg:$0x1] =	wrdreg $0xFFFFFFFF  }
0xbc: {  	[dreg:$0x0] =	wrdreg $0x60  }
0xbd: {  	[dreg:$0x2] =	wrdreg s24  }
0xbe: {  	[dreg:$0x3] =	wrdreg $0xA  }
0xbf: {  	_ =	task.clear_ibuf [dreg:s22], $0x4FFFF;
	_ =	strace $0x90000049  }
0xc0: {  	s29 =	simm.s32 $0xA;
	_ =	strace $0x8000004B  }
0xc1: {  	_ =	swait.ge [sflag:s29], $0x1  }
0xc2: {  	[sflag:s29] =	ssyncadd.s32 $0xFFFFFFFF  }
0xc3: {  	_ =	strace $0x9000004B  }
0xc4: {  	_ =	sfence  }
0xc5: {  	s30 =	sld [smem:$0x0];
	_ =	sdelay $0x2  }
0xc6: {  	s31 =	sshll.u32 s1, $0xD;
	s1 =	sshrl.u32 s1, $0x2  }
0xc7: {  	s4 =	sand.u32 $0x4000, s31;
	s1 =	sadd.s32 s1, s30  }
0xc8: {  	s0 =	sor.u32 s4, s0;
	s1 =	sshll.u32 s1, $0x11  }
0xc9: {  	s0 =	sor.u32 s1, s0  }
0xca: {  	s0 =	sadd.s32 $0x8F2B, s0  }
0xcb: {  	[sflag:s0] =	ssyncadd.remote.s32 $0x1  }
0xcc: {  	_ =	sfence.sel $0xFFFF  }
0xcd: {  	[dreg:$0x0] =	wrdreg $0xFFFFFFFF;
	(pc) =	sbr.abs _section_cstart, $3  }
0xce: {  	[dreg:$0x1] =	wrdreg $0xFFFFFFFF  }
0xcf: {  	_ =	task.clear_ibuf [dreg:s22], $0x2FFFF;
	_ =	strace $0x9FFFFFFF  }
0xd0: {  	(tm) =	ssettm $0x7FFFFFFF  }
0xd1: {  	_ =	shalt  }
tec
execute0_lowered:
.L_overlay_start_1:
0x0: {  	(tag) =	ssettag $0x1  }
0x1: {  	s0 =	srdreg.scid;
	s5 =	rddreg [dreg:$0x0]  }
0x2: {  	s1 =	stileid.u32;
	s6 =	simm.s32 $0x1;
	s9 =	simm.s32 $0x1  }
0x3: {  	s10 =	simm.s32 $0x3;
	s13 =	simm.s32 $0x0;
	s2 =	sshll.u32 s0, $0xD  }
0x4: {  	s12 =	simm.s32 $0x0;
	s3 =	sshll.u32 s1, $0xE;
	s2 =	sand.u32 $0x2000, s2  }
0x5: {  	s0 =	rddreg [dreg:$0x1];
	_ =	strace $0x8000004A;
	s2 =	sor.u32 s3, s2  }
0x6: {  	s4 =	sadd.s32 $0x2AE00, s5;
	[sflag:s6] =	ssyncpa.u1 $0x0;
	s8 =	ssub.s32 $0x50000, s2  }
.Ltmp0:
0x7: {  	s3 =	sadd.s32 $0x3EE00, s5;
	s7 =	sand.u32 $0x3E000, s8;
	(pc) =	sbr.rel .LBB2_1-.Ltmp0, $4  }
0x8: {  	s5 =	sadd.s32 $0x48E00, s5;
	s11 =	smov.u32 s2;
	p0 =	sne.s32 s7, $0x0  }
0x9: {  	s8 =	sshrl.u32 s8, $0x12;
	s7 =	simm.s32 $0x2;
	s9 =	simm.s32 @!p0 $0x0  }
0xa: {  	[sflag:s7] =	ssyncpa.u1 $0x0;
	p0 =	por $0x0, $0x0;
	s8 =	sadd.s32 s9, s8  }
0xb: {  	vm0 =	vmmov $0xffff;
	[sflag:s10] =	ssyncpa.u1 $0x0;
	s10 =	simm.s32 $0x0;
	s9 =	sadd.s32 $0x1, s8  }
.LBB2_4:
0xc: {  	v2 =	vnsel vm1, $0x0, v2  }
0xd: {  	vm1 =	vgt.s32 v0, $0x0;
	v2 =	vmin.u32 v2, $0x4FFFF  }
0xe: {  	v0 =	vnsel vm1, $0x0, v0  }
0xf: {  	v0 =	vmin.u32 v0, $0x4FFFF  }
0x10: {  	[tilespmem:s15], [sflag:$0x1] =	stream.indirect_vreg.gather [hbm4b:s3+s10], $0x1, v1, vm0, $0x4038;
	[tilespmem:$0x8000] =	vst v63  }
0x11: {  	(ifvalue) =	ssetifvalue $0x7FFFFFFF  }
0x12: {  	[tilespmem:s16], [sflag:$0x1] =	stream.indirect_vreg.gather [hbm4b:s3+s10], $0x1, v2, vm0, $0x4038;
	[tilespmem:$0x8000] =	vst v63  }
0x13: {  	s29 =	sadd.s32 $0x10, s16;
	(ifvalue) =	ssetifvalue $0x7FFFFFFF  }
0x14: {  	[tilespmem:s29], [sflag:$0x1] =	stream.indirect_vreg.gather [hbm4b:s3+s10], $0x1, v0, vm0, $0x4038;
	[tilespmem:$0x8000] =	vst v63  }
0x15: {  	_ =	swait.ge [sflag:s6], $0x2000  }
0x16: {  	s30 =	sshrl.u32 s13, $0x3;
	[sflag:s6] =	ssyncset.done $0x0  }
0x17: {  	s31 =	sand.u32 $0x7, s13;
	s15 =	sadd.s32 s5, s30;
	[sflag:s6] =	ssyncadd.s32 $0xFFFFE000  }
0x18: {  	[hbm4b:s15+s31] =	stream.linear.scatter [tilespmem:s14], [sflag:$0x3], $0x2000, $0x38;
	[tilespmem:$0x8000] =	vst v63  }
.LBB2_5:
0x19: {  	s15 =	sadd.s32 $0x40000, s11  }
0x1a: {  	p2 =	sgt.s32 s15, $0x4FFFF  }
0x1b: {  	s15 =	smov.u32 @p2 s2;
	p2 =	sne.s32 s12, s9  }
.Ltmp1:
0x1c: {  	p1 =	slt.u32 s12, $0x2;
	(pc) =	sbr.rel @!p2 .LBB2_6-.Ltmp1, $4  }
0x1d: {  	s14 =	simm.s32 @!p1 $0x3  }
0x1e: {  	s16 =	sadd.s32 $0x1, s12;
	_ =	swait.ge @!p1 [sflag:s14], $0x2000  }
0x1f: {  	s13 =	smov.u32 s11;
	p0 =	por !p0, !p0;
	[sflag:s14] =	ssyncset.done @!p1 $0x0  }
0x20: {  	s12 =	smov.u32 s16;
	s11 =	smov.u32 s15;
	[sflag:s14] =	ssyncadd.s32 @!p1 $0xFFFFE000  }
.LBB2_1:
0x21: {  	p1 =	sge.u32 s12, s8  }
0x22: {  	s14 =	sxor.u32 @!p1 $0xFFFFFFFF, s12  }
0x23: {  	s31 =	sadd.s32 $0xFFFFFFFF, s12;
	s15 =	sshrl.u32 @!p1 s11, $0x3;
	s14 =	sshll.u32 @!p1 s14, $0xD  }
0x24: {  	s16 =	sand.u32 @!p1 $0x7, s11;
	s15 =	sadd.s32 @!p1 s4, s15;
	s14 =	sand.u32 @!p1 $0x2000, s14  }
0x25: {  	[tilespmem:s14], [sflag:$0x2] =	stream.linear.gather @!p1 [hbm4b:s15+s16], $0x2000, $0x38;
	[tilespmem:$0x8000] =	vst v63  }
0x26: {  	p1 =	sge.u32 s31, s8  }
.Ltmp2:
0x27: {  	_ = 	snop;
	(pc) =	sbr.rel @p1 .LBB2_5-.Ltmp2, $1  }
0x28: {  	_ =	sdelay $0x3  }
0x29: {  	s14 =	simm.s32 $0x1  }
0x2a: {  	_ =	swait.ge [sflag:s7], $0x2000;
	s14 =	simm.s32 @!p0 $0x0  }
0x2b: {  	[sflag:s7] =	ssyncset.done $0x0;
	s14 =	sshll.u32 s14, $0xD  }
0x2c: {  	[sflag:s7] =	ssyncadd.s32 $0xFFFFE000;
	(ifvalue) =	ssetifvalue $0x7FFFFFFF;
	v0 =	vld.msk [tilespmem:s14+$0x0 ss:$0x1], $0xffff;
	_ =	sdelay $0x4  }
0x2d: {  	s15 =	sadd.s32 $0x10, s14;
	vm1 =	vgt.s32 v0, $0x0  }
0x2e: {  	v2 =	vld.msk [tilespmem:s15+$0x0 ss:$0x1], $0xffff;
	v1 =	vnsel vm1, $0x0, v0  }
0x2f: {  	v1 =	vmin.u32 v1, $0x4FFFF;
	_ =	sdelay $0x1  }
0x30: {  	s16 =	sshll.u32 s12, $0xD;
	s18 =	simm.s32 $0x20  }
0x31: {  	s16 =	sand.u32 $0x2000, s16;
	s17 =	sadd.s32 $0x10, s15;
	s15 =	sor.u32 $0x4000, s14  }
0x32: {  	s14 =	sor.u32 $0x4000, s16;
	s16 =	sadd.s32 $0x10, s15;
	v0 =	vld.msk [tilespmem:s17+$0x0 ss:$0x1], $0xffff;
	vm1 =	vgt.s32 v2, $0x0;
	(ifvalue) =	ssetifvalue $0x7FFFFFFF  }
.LBB2_3:
0x33: {  	[tilespmem:s15], [sflag:$0x1] =	stream.indirect_vreg.gather [hbm4b:s3+s10], $0x1, v1, vm0, $0x4038;
	[tilespmem:$0x8000] =	vst v63  }
0x34: {  	s18 =	sadd.s32 $0x10, s18  }
0x35: {  	v2 =	vnsel vm1, $0x0, v2;
	p1 =	slt.u32 s18, $0x1FF0  }
.Ltmp3:
0x36: {  	s15 =	smov.u32 s16;
	v1 =	vmin.u32 v2, $0x4FFFF;
	(pc) =	sbr.rel @p1 .LBB2_3-.Ltmp3, $3  }
0x37: {  	_ =	sdelay $0x1  }
0x38: {  	s17 =	sadd.s32 $0x10, s17  }
0x39: {  	vm1 =	vgt.s32 v0, $0x0;
	s16 =	sadd.s32 $0x10, s16;
	v2 =	vmov v0;
	(ifvalue) =	ssetifvalue $0x7FFFFFFF;
	v0 =	vld.msk [tilespmem:s17+$0x0 ss:$0x1], $0xffff  }
.Ltmp4:
0x3a: {  	_ = 	snop;
	(pc) =	sbr.rel .LBB2_4-.Ltmp4, $1  }
0x3b: {  	_ =	sdelay $0x3  }
.LBB2_6:
0x3c: {  	_ =	sfence.sel $0x180000  }
0x3d: {  	s2 =	simm.s32 $0x2;
	[bflag:$0x0] =	sbarrier.arrive $0xFFFF  }
0x3e: {  	s30 =	simm.s32 $0x3;
	[sflag:s2] =	ssyncpa.u1 $0x1  }
0x3f: {  	s31 =	simm.s32 $0x1;
	[sflag:s30] =	ssyncpa.u1 $0x1  }
0x40: {  	[sflag:s31] =	ssyncpa.u1 $0x1  }
0x41: {  	p0 =	sne.s32 s1, $0x0;
	_ =	strace $0x9000004A  }
0x42: {  	s0 =	sadd.s32 @!p0 $0x100000, s0;
	[bflag:$0x2] =	sbarrier.arrive $0xFFFF  }
0x43: {  	[sflag:s0] =	ssyncadd.tile.s32 @!p0 $0x1;
	_ =	shalt  }
.Lfunc_end2:
_tile_overlayer_lowered:
.L_overlay_start_2:
0x44: {  	(tag) =	ssettag $0x2  }
0x45: {  	s0 =	rddreg [dreg:$0x0];
	s2 =	stileid.u32  }
0x46: {  	s1 =	rddreg [dreg:$0x1];
	p0 =	sne.s32 s2, $0x0  }
0x47: {  	s3 =	rddreg [dreg:$0x2];
	[bflag:$0x3] =	sbarrier.arrive $0xFFFF;
	s2 =	simm.s32 @!p0 $0x1C01  }
0x48: {  	[timem:s3], [sflag:s2] =	dma.local @!p0 [hbm:s0], s1  }
0x49: {  	s0 =	simm.s32 @!p0 $0x1  }
0x4a: {  	_ =	swait.ge @!p0 [sflag:s0], s1  }
0x4b: {  	s1 =	ssub.s32 @!p0 $0x0, s1;
	[sflag:s0] =	ssyncset.done @!p0 $0x0  }
0x4c: {  	[sflag:s0] =	ssyncadd.s32 @!p0 s1  }
0x4d: {  	[bflag:$0x3] =	sbarrier.arrive $0xFFFF  }
0x4e: {  	_ =	shalt  }

// kernel: gather_offload_async_start.2
scs
__scs_entry_jumppad:
0x0: {  	(pc) =	sbr.rel $0x88, $3  }
0x1: {  	(tag) =	ssettag $0x0;
	lr =	simm.s32 $0x1  }
0x2: {  	[smem:$0x3F97] =	sst lr;
	_ =	strace $0xD0000000  }
0x3: {  	_ = 	snop  }
0x4: {  	_ = 	snop  }
0x5: {  	_ = 	snop  }
0x6: {  	_ = 	snop  }
0x7: {  	_ = 	snop  }
__scs_overlays_trampoline_lowered:
0x8: {  	[smem:$0x3FA6] =	sst s0  }
0x9: {  	[smem:$0x3FA7] =	sst s1  }
0xa: {  	[smem:$0x3FA8] =	sst s2  }
0xb: {  	[smem:$0x3FA9] =	sst s3  }
0xc: {  	[smem:$0x3FAA] =	sst s4  }
0xd: {  	[smem:$0x3FAB] =	sst s5  }
0xe: {  	[smem:$0x3FAC] =	sst s6  }
0xf: {  	[smem:$0x3FAD] =	sst s7  }
0x10: {  	[smem:$0x3FAE] =	sst s8  }
0x11: {  	[smem:$0x3FAF] =	sst s9;
	s0 =	simm.s32 @!p0 $0x0  }
0x12: {  	s1 =	sld [smem:$0x3F95];
	s0 =	simm.s32 @p0 $0x1  }
0x13: {  	[smem:$0x3FB0] =	sst s0;
	s0 =	simm.s32 @!p1 $0x0  }
0x14: {  	s2 =	sld [smem:$0x3F94];
	s0 =	simm.s32 @p1 $0x1  }
0x15: {  	[smem:$0x3FB1] =	sst s0;
	s0 =	simm.s32 @!p2 $0x0  }
0x16: {  	s3 =	sld [smem:$0x3FDB];
	s0 =	simm.s32 @p2 $0x1  }
0x17: {  	s4 =	simm.s32 $0x1BF5;
	[smem:$0x3FB3] =	sst s0  }
0x18: {  	s0 =	sld [smem:$0x3F96];
	_ =	swait.ge [sflag:s4], $0x0  }
0x19: {  	s7 =	sld [smem:$0x3F97]  }
0x1a: {  	s8 =	sadd.s32 $0xFFFFE003, lr  }
0x1b: {  	s9 =	sadd.s32 $0xFFFFFEF7, lr;
	s5 =	simm.s32 $0xFFFFFFFF;
	p2 =	slt.u32 s8, $0xFFFFF086  }
0x1c: {  	p1 =	slt.u32 s9, $0xF7A;
	s5 =	simm.s32 @!p2 $0x0  }
0x1d: {  	s5 =	simm.s32 @p1 $0x1;
	p0 =	seq.s32 s7, s2  }
0x1e: {  	s7 =	smul.u32 @!p0 $0xF7A, s2;
	p2 =	seq.s32 @!p0 s5, $0x0  }
0x1f: {  	s9 =	smul.u32 $0xF7A, s1;
	s8 =	simm.s32 @!p0 $0x1BF5;
	p2 =	por !p2, p0  }
0x20: {  	[sflag:s8] =	ssyncset.s32 @!p0 $0xFFFFF086;
	s6 =	sadd.s32 @!p0 s3, s7;
	s7 =	simm.s32 @!p0 $0x108  }
0x21: {  	s3 =	sadd.s32 s3, s9;
	s6 =	sadd.s32 @!p0 $0x88, s6;
	s7 =	simm.s32 @p2 $0x1082  }
0x22: {  	[simem:s7], [sflag:s8] =	dma.local @!p0 [hbm:s6], $0xF7A  }
0x23: {  	s9 =	sor.u32 $0xD0000000, s2;
	s6 =	simm.s32 $0x108;
	_ =	swait.ge @!p0 [sflag:s8], $0x0  }
0x24: {  	s3 =	sadd.s32 $0x88, s3;
	s6 =	simm.s32 @!p1 $0x1082;
	[sflag:s4] =	ssyncset.s32 $0xFFFFF086  }
0x25: {  	[simem:s6], [sflag:s4] =	dma.local [hbm:s3], $0xF7A  }
0x26: {  	[smem:$0x3F97] =	sst s1;
	(tag) =	ssettag s2;
	_ =	strace s9  }
0x27: {  	s1 =	sld [smem:$0x3FA7]  }
0x28: {  	s2 =	sld [smem:$0x3FA8]  }
0x29: {  	s4 =	sld [smem:$0x3FAA]  }
0x2a: {  	p0 =	seq.s32 s5, $0x0;
	s5 =	sld [smem:$0x3FAB]  }
0x2b: {  	s6 =	sld [smem:$0x3FAC]  }
0x2c: {  	s7 =	sld [smem:$0x3FAD]  }
0x2d: {  	s3 =	simm.s32 $0x108;
	s8 =	sld [smem:$0x3FAE]  }
0x2e: {  	s3 =	simm.s32 @!p0 $0x1082;
	s9 =	sld [smem:$0x3FAF]  }
0x2f: {  	lr =	sadd.s32 s0, s3;
	s0 =	sld [smem:$0x3FA6]  }
0x30: {  	s3 =	sld [smem:$0x3FA9]  }
0x31: {  	[smem:$0x3FB2] =	sst s10  }
0x32: {  	s10 =	sld [smem:$0x3FB0];
	_ =	sdelay $0x3  }
0x33: {  	p0 =	seq.s32 s10, $0x1;
	s10 =	sld [smem:$0x3FB2];
	_ =	sdelay $0x3  }
0x34: {  	[smem:$0x3FB2] =	sst s10  }
0x35: {  	s10 =	sld [smem:$0x3FB1];
	_ =	sdelay $0x3  }
0x36: {  	p1 =	seq.s32 s10, $0x1;
	s10 =	sld [smem:$0x3FB2];
	_ =	sdelay $0x3  }
0x37: {  	[smem:$0x3FB2] =	sst s10  }
0x38: {  	s10 =	sld [smem:$0x3FB3]  }
0x39: {  	_ = 	snop;
	(pc) =	sbr.ind lr, $3  }
0x3a: {  	_ = 	snop  }
0x3b: {  	_ = 	snop  }
0x3c: {  	p2 =	seq.s32 s10, $0x1;
	s10 =	sld [smem:$0x3FB2]  }
0x3d: {  	_ =	shalt  }
0x3e: {  	_ =	shalt  }
0x3f: {  	_ =	shalt  }
0x40: {  	_ =	shalt  }
0x41: {  	_ =	shalt  }
0x42: {  	_ =	shalt  }
0x43: {  	_ =	shalt  }
0x44: {  	_ =	shalt  }
0x45: {  	_ =	shalt  }
0x46: {  	_ =	shalt  }
0x47: {  	_ =	shalt  }
0x48: {  	_ =	shalt  }
0x49: {  	_ =	shalt  }
0x4a: {  	_ =	shalt  }
0x4b: {  	_ =	shalt  }
0x4c: {  	_ =	shalt  }
0x4d: {  	_ =	shalt  }
0x4e: {  	_ =	shalt  }
0x4f: {  	_ =	shalt  }
0x50: {  	_ =	shalt  }
0x51: {  	_ =	shalt  }
0x52: {  	_ =	shalt  }
0x53: {  	_ =	shalt  }
0x54: {  	_ =	shalt  }
0x55: {  	_ =	shalt  }
0x56: {  	_ =	shalt  }
0x57: {  	_ =	shalt  }
0x58: {  	_ =	shalt  }
0x59: {  	_ =	shalt  }
0x5a: {  	_ =	shalt  }
0x5b: {  	_ =	shalt  }
0x5c: {  	_ =	shalt  }
0x5d: {  	_ =	shalt  }
0x5e: {  	_ =	shalt  }
0x5f: {  	_ =	shalt  }
0x60: {  	_ =	shalt  }
0x61: {  	_ =	shalt  }
0x62: {  	_ =	shalt  }
0x63: {  	_ =	shalt  }
0x64: {  	_ =	shalt  }
0x65: {  	_ =	shalt  }
0x66: {  	_ =	shalt  }
0x67: {  	_ =	shalt  }
0x68: {  	_ =	shalt  }
0x69: {  	_ =	shalt  }
0x6a: {  	_ =	shalt  }
0x6b: {  	_ =	shalt  }
0x6c: {  	_ =	shalt  }
0x6d: {  	_ =	shalt  }
0x6e: {  	_ =	shalt  }
0x6f: {  	_ =	shalt  }
0x70: {  	_ =	shalt  }
0x71: {  	_ =	shalt  }
0x72: {  	_ =	shalt  }
0x73: {  	_ =	shalt  }
0x74: {  	_ =	shalt  }
0x75: {  	_ =	shalt  }
0x76: {  	_ =	shalt  }
0x77: {  	_ =	shalt  }
0x78: {  	_ =	shalt  }
0x79: {  	_ =	shalt  }
0x7a: {  	_ =	shalt  }
0x7b: {  	_ =	shalt  }
0x7c: {  	_ =	shalt  }
0x7d: {  	_ =	shalt  }
0x7e: {  	_ =	shalt  }
0x7f: {  	_ =	shalt  }
0x80: {  	_ =	shalt  }
0x81: {  	_ =	shalt  }
0x82: {  	_ =	shalt  }
0x83: {  	_ =	shalt  }
0x84: {  	_ =	shalt  }
0x85: {  	_ =	shalt  }
0x86: {  	_ =	shalt  }
0x87: {  	_ =	shalt  }
.Lfunc_end0:
.L_simem_size_0:
called_computation.2_lowered:
.L_overlay_start_0:
0x88: {  	s2 =	sld [smem:$0x3FD9]  }
0x89: {  	s3 =	sld [smem:$0x3FFE];
	_ =	sdelay $0x1  }
0x8a: {  	s1 =	srdreg.scid  }
0x8b: {  	s0 =	sand.u32 $0x1, s1  }
0x8c: {  	s17 =	sshll.u32 s0, $0xA;
	s2 =	sadd.s32 s3, s2  }
0x8d: {  	s2 =	sadd.s32 s2, s17  }
0x8e: {  	[smem:$0x3FBE] =	sst s2  }
0x8f: {  	_ = 	snop  }
0x90: {  	(tm) =	ssettm $0x1  }
0x91: {  	s18 =	sld [smem:$0x3FFB];
	_ =	sdelay $0x3  }
0x92: {  	_ =	strace s18  }
0x93: {  	s2 =	sld [smem:$0x3FFC];
	_ =	sdelay $0x3  }
0x94: {  	_ =	strace s2  }
0x95: {  	s2 =	sld [smem:$0x3FFD];
	_ =	sdelay $0x3  }
0x96: {  	_ =	strace s2  }
0x97: {  	_ =	strace $0x8FFFFFFF  }
0x98: {  	s19 =	sld [smem:$0x3FDB];
	_ =	sdelay $0x1  }
0x99: {  	s20 =	simm.s32 $_scs_section_size  }
0x9a: {  	s4 =	simm.s32 $_size__tile_overlayer_lowered;
	s5 =	simm.s32 $_tile_overlayer_lowered  }
0x9b: {  	s6 =	simm.s32 $0x1BFF;
	s21 =	sshll.u32 s5, $0x1;
	s3 =	sadd.s32 s20, s19  }
0x9c: {  	s22 =	simm.s32 $0x0;
	s4 =	sshll.u32 s4, $0x1;
	s5 =	sadd.s32 s21, s3  }
0x9d: {  	[timem:s22], [sflag:s6] =	dma.local [hbm:s5], s4  }
0x9e: {  	_ =	swait.ge [sflag:s6], s4  }
0x9f: {  	s4 =	ssub.s32 $0x0, s4;
	[sflag:s6] =	ssyncset.done $0x0  }
0xa0: {  	[sflag:s6] =	ssyncadd.s32 s4;
	_ =	sdelay $0x1  }
0xa1: {  	s23 =	simm.s32 $0x1B8B  }
0xa2: {  	_ =	swait.ge [sflag:s23], $0x1  }
0xa3: {  	[sflag:s23] =	ssyncset.done $0x0  }
0xa4: {  	[sflag:s23] =	ssyncadd.s32 $0xFFFFFFFF  }
0xa5: {  	s4 =	sld [smem:$0x0]  }
0xa6: {  	s5 =	sand.u32 $0xFFFFFFFE, s1  }
0xa7: {  	p0 =	sne.s32 s1, s5  }
0xa8: {  	s5 =	sshll.u32 @p0 s5, $0xE  }
0xa9: {  	s5 =	sadd.s32 @p0 $0x11B8D, s5;
	s6 =	sshll.u32 @p0 s4, $0x11  }
0xaa: {  	s5 =	sor.u32 @p0 s6, s5  }
0xab: {  	[sflag:s5] =	ssyncadd.remote.s32 @p0 $0x1;
	_ =	sdelay $0x1  }
0xac: {  	s5 =	simm.s32 @p0 $0x1B8D  }
0xad: {  	_ =	swait.eq @p0 [sflag:s5], $0x1  }
0xae: {  	[sflag:s5] =	ssyncadd.s32 @p0 $0xFFFFFFFF  }
0xaf: {  	s6 =	sshll.u32 @!p0 s1, $0xE  }
0xb0: {  	s6 =	sor.u32 @!p0 $0x4000, s6;
	s5 =	simm.s32 @!p0 $0x1B8D  }
0xb1: {  	s4 =	sshll.u32 @!p0 s4, $0x11;
	s6 =	sadd.s32 @!p0 $0x11B8D, s6;
	_ =	swait.eq @!p0 [sflag:s5], $0x1  }
0xb2: {  	s4 =	sor.u32 @!p0 s4, s6;
	[sflag:s5] =	ssyncadd.s32 @!p0 $0xFFFFFFFF  }
0xb3: {  	s25 =	simm.s32 $0x1B8E;
	s24 =	sld [smem:$0x3FFE];
	[sflag:s4] =	ssyncadd.remote.s32 @!p0 $0x1  }
0xb4: {  	s26 =	simm.s32 $execute0_lowered;
	[smem:$0x3FD2] =	sst s25  }
0xb5: {  	s5 =	sshll.u32 s26, $0x1;
	_ =	strace $0x8000004F;
	[dreg:$0x1] =	wrdreg $0xFFFFFFFF  }
0xb6: {  	s28 =	simm.s32 $_size_execute0_lowered;
	s3 =	sadd.s32 s3, s5;
	[dreg:$0x0] =	wrdreg $0x0  }
0xb7: {  	s5 =	sshll.u32 s28, $0x1;
	[dreg:$0x2] =	wrdreg s3  }
0xb8: {  	[dreg:$0x3] =	wrdreg s5  }
0xb9: {  	[dreg:$0x4] =	wrdreg $0xC0  }
0xba: {  	_ =	task [dreg:s22], $0x5FFFF  }
0xbb: {  	[dreg:$0x1] =	wrdreg $0xFFFFFFFF  }
0xbc: {  	[dreg:$0x0] =	wrdreg $0x60  }
0xbd: {  	[dreg:$0x2] =	wrdreg s24  }
0xbe: {  	[dreg:$0x3] =	wrdreg $0x9  }
0xbf: {  	_ =	task.clear_ibuf [dreg:s22], $0x4FFFF;
	_ =	strace $0x9000004F  }
0xc0: {  	s29 =	simm.s32 $0x9;
	_ =	strace $0x80000051  }
0xc1: {  	_ =	swait.ge [sflag:s29], $0x1  }
0xc2: {  	[sflag:s29] =	ssyncadd.s32 $0xFFFFFFFF  }
0xc3: {  	_ =	strace $0x90000051  }
0xc4: {  	_ =	sfence  }
0xc5: {  	s30 =	sld [smem:$0x0];
	_ =	sdelay $0x2  }
0xc6: {  	s31 =	sshll.u32 s1, $0xD;
	s1 =	sshrl.u32 s1, $0x2  }
0xc7: {  	s4 =	sand.u32 $0x4000, s31;
	s1 =	sadd.s32 s1, s30  }
0xc8: {  	s0 =	sor.u32 s4, s0;
	s1 =	sshll.u32 s1, $0x11  }
0xc9: {  	s0 =	sor.u32 s1, s0  }
0xca: {  	s0 =	sadd.s32 $0x8F2B, s0  }
0xcb: {  	[sflag:s0] =	ssyncadd.remote.s32 $0x1  }
0xcc: {  	_ =	sfence.sel $0xFFFF  }
0xcd: {  	[dreg:$0x0] =	wrdreg $0xFFFFFFFF;
	(pc) =	sbr.abs _section_cstart, $3  }
0xce: {  	[dreg:$0x1] =	wrdreg $0xFFFFFFFF  }
0xcf: {  	_ =	task.clear_ibuf [dreg:s22], $0x2FFFF;
	_ =	strace $0x9FFFFFFF  }
0xd0: {  	(tm) =	ssettm $0x7FFFFFFF  }
0xd1: {  	_ =	shalt  }
tec
execute0_lowered:
.L_overlay_start_1:
0x0: {  	(tag) =	ssettag $0x1  }
0x1: {  	s0 =	srdreg.scid;
	s5 =	rddreg [dreg:$0x0]  }
0x2: {  	s1 =	stileid.u32;
	s6 =	simm.s32 $0x1;
	s9 =	simm.s32 $0x1  }
0x3: {  	s10 =	simm.s32 $0x3;
	s13 =	simm.s32 $0x0;
	s2 =	sshll.u32 s0, $0xD  }
0x4: {  	s12 =	simm.s32 $0x0;
	s3 =	sshll.u32 s1, $0xE;
	s2 =	sand.u32 $0x2000, s2  }
0x5: {  	s0 =	rddreg [dreg:$0x1];
	_ =	strace $0x80000050;
	s2 =	sor.u32 s3, s2  }
0x6: {  	s4 =	sadd.s32 $0x2AE00, s5;
	[sflag:s6] =	ssyncpa.u1 $0x0;
	s8 =	ssub.s32 $0x50000, s2  }
.Ltmp0:
0x7: {  	s3 =	sadd.s32 $0x34E00, s5;
	s7 =	sand.u32 $0x3E000, s8;
	(pc) =	sbr.rel .LBB2_1-.Ltmp0, $4  }
0x8: {  	s5 =	sadd.s32 $0x3EE00, s5;
	s11 =	smov.u32 s2;
	p0 =	sne.s32 s7, $0x0  }
0x9: {  	s8 =	sshrl.u32 s8, $0x12;
	s7 =	simm.s32 $0x2;
	s9 =	simm.s32 @!p0 $0x0  }
0xa: {  	[sflag:s7] =	ssyncpa.u1 $0x0;
	p0 =	por $0x0, $0x0;
	s8 =	sadd.s32 s9, s8  }
0xb: {  	vm0 =	vmmov $0xffff;
	[sflag:s10] =	ssyncpa.u1 $0x0;
	s10 =	simm.s32 $0x0;
	s9 =	sadd.s32 $0x1, s8  }
.LBB2_4:
0xc: {  	v2 =	vnsel vm1, $0x0, v2  }
0xd: {  	vm1 =	vgt.s32 v0, $0x0;
	v2 =	vmin.u32 v2, $0x4FFFF  }
0xe: {  	v0 =	vnsel vm1, $0x0, v0  }
0xf: {  	v0 =	vmin.u32 v0, $0x4FFFF  }
0x10: {  	[tilespmem:s15], [sflag:$0x1] =	stream.indirect_vreg.gather [hbm4b:s3+s10], $0x1, v1, vm0, $0x4038;
	[tilespmem:$0x8000] =	vst v63  }
0x11: {  	(ifvalue) =	ssetifvalue $0x7FFFFFFF  }
0x12: {  	[tilespmem:s16], [sflag:$0x1] =	stream.indirect_vreg.gather [hbm4b:s3+s10], $0x1, v2, vm0, $0x4038;
	[tilespmem:$0x8000] =	vst v63  }
0x13: {  	s29 =	sadd.s32 $0x10, s16;
	(ifvalue) =	ssetifvalue $0x7FFFFFFF  }
0x14: {  	[tilespmem:s29], [sflag:$0x1] =	stream.indirect_vreg.gather [hbm4b:s3+s10], $0x1, v0, vm0, $0x4038;
	[tilespmem:$0x8000] =	vst v63  }
0x15: {  	_ =	swait.ge [sflag:s6], $0x2000  }
0x16: {  	s30 =	sshrl.u32 s13, $0x3;
	[sflag:s6] =	ssyncset.done $0x0  }
0x17: {  	s31 =	sand.u32 $0x7, s13;
	s15 =	sadd.s32 s5, s30;
	[sflag:s6] =	ssyncadd.s32 $0xFFFFE000  }
0x18: {  	[hbm4b:s15+s31] =	stream.linear.scatter [tilespmem:s14], [sflag:$0x3], $0x2000, $0x38;
	[tilespmem:$0x8000] =	vst v63  }
.LBB2_5:
0x19: {  	s15 =	sadd.s32 $0x40000, s11  }
0x1a: {  	p2 =	sgt.s32 s15, $0x4FFFF  }
0x1b: {  	s15 =	smov.u32 @p2 s2;
	p2 =	sne.s32 s12, s9  }
.Ltmp1:
0x1c: {  	p1 =	slt.u32 s12, $0x2;
	(pc) =	sbr.rel @!p2 .LBB2_6-.Ltmp1, $4  }
0x1d: {  	s14 =	simm.s32 @!p1 $0x3  }
0x1e: {  	s16 =	sadd.s32 $0x1, s12;
	_ =	swait.ge @!p1 [sflag:s14], $0x2000  }
0x1f: {  	s13 =	smov.u32 s11;
	p0 =	por !p0, !p0;
	[sflag:s14] =	ssyncset.done @!p1 $0x0  }
0x20: {  	s12 =	smov.u32 s16;
	s11 =	smov.u32 s15;
	[sflag:s14] =	ssyncadd.s32 @!p1 $0xFFFFE000  }
.LBB2_1:
0x21: {  	p1 =	sge.u32 s12, s8  }
0x22: {  	s14 =	sxor.u32 @!p1 $0xFFFFFFFF, s12  }
0x23: {  	s31 =	sadd.s32 $0xFFFFFFFF, s12;
	s15 =	sshrl.u32 @!p1 s11, $0x3;
	s14 =	sshll.u32 @!p1 s14, $0xD  }
0x24: {  	s16 =	sand.u32 @!p1 $0x7, s11;
	s15 =	sadd.s32 @!p1 s4, s15;
	s14 =	sand.u32 @!p1 $0x2000, s14  }
0x25: {  	[tilespmem:s14], [sflag:$0x2] =	stream.linear.gather @!p1 [hbm4b:s15+s16], $0x2000, $0x38;
	[tilespmem:$0x8000] =	vst v63  }
0x26: {  	p1 =	sge.u32 s31, s8  }
.Ltmp2:
0x27: {  	_ = 	snop;
	(pc) =	sbr.rel @p1 .LBB2_5-.Ltmp2, $1  }
0x28: {  	_ =	sdelay $0x3  }
0x29: {  	s14 =	simm.s32 $0x1  }
0x2a: {  	_ =	swait.ge [sflag:s7], $0x2000;
	s14 =	simm.s32 @!p0 $0x0  }
0x2b: {  	[sflag:s7] =	ssyncset.done $0x0;
	s14 =	sshll.u32 s14, $0xD  }
0x2c: {  	[sflag:s7] =	ssyncadd.s32 $0xFFFFE000;
	(ifvalue) =	ssetifvalue $0x7FFFFFFF;
	v0 =	vld.msk [tilespmem:s14+$0x0 ss:$0x1], $0xffff;
	_ =	sdelay $0x4  }
0x2d: {  	s15 =	sadd.s32 $0x10, s14;
	vm1 =	vgt.s32 v0, $0x0  }
0x2e: {  	v2 =	vld.msk [tilespmem:s15+$0x0 ss:$0x1], $0xffff;
	v1 =	vnsel vm1, $0x0, v0  }
0x2f: {  	v1 =	vmin.u32 v1, $0x4FFFF;
	_ =	sdelay $0x1  }
0x30: {  	s16 =	sshll.u32 s12, $0xD;
	s18 =	simm.s32 $0x20  }
0x31: {  	s16 =	sand.u32 $0x2000, s16;
	s17 =	sadd.s32 $0x10, s15;
	s15 =	sor.u32 $0x4000, s14  }
0x32: {  	s14 =	sor.u32 $0x4000, s16;
	s16 =	sadd.s32 $0x10, s15;
	v0 =	vld.msk [tilespmem:s17+$0x0 ss:$0x1], $0xffff;
	vm1 =	vgt.s32 v2, $0x0;
	(ifvalue) =	ssetifvalue $0x7FFFFFFF  }
.LBB2_3:
0x33: {  	[tilespmem:s15], [sflag:$0x1] =	stream.indirect_vreg.gather [hbm4b:s3+s10], $0x1, v1, vm0, $0x4038;
	[tilespmem:$0x8000] =	vst v63  }
0x34: {  	s18 =	sadd.s32 $0x10, s18  }
0x35: {  	v2 =	vnsel vm1, $0x0, v2;
	p1 =	slt.u32 s18, $0x1FF0  }
.Ltmp3:
0x36: {  	s15 =	smov.u32 s16;
	v1 =	vmin.u32 v2, $0x4FFFF;
	(pc) =	sbr.rel @p1 .LBB2_3-.Ltmp3, $3  }
0x37: {  	_ =	sdelay $0x1  }
0x38: {  	s17 =	sadd.s32 $0x10, s17  }
0x39: {  	vm1 =	vgt.s32 v0, $0x0;
	s16 =	sadd.s32 $0x10, s16;
	v2 =	vmov v0;
	(ifvalue) =	ssetifvalue $0x7FFFFFFF;
	v0 =	vld.msk [tilespmem:s17+$0x0 ss:$0x1], $0xffff  }
.Ltmp4:
0x3a: {  	_ = 	snop;
	(pc) =	sbr.rel .LBB2_4-.Ltmp4, $1  }
0x3b: {  	_ =	sdelay $0x3  }
.LBB2_6:
0x3c: {  	_ =	sfence.sel $0x180000  }
0x3d: {  	s2 =	simm.s32 $0x2;
	[bflag:$0x0] =	sbarrier.arrive $0xFFFF  }
0x3e: {  	s30 =	simm.s32 $0x3;
	[sflag:s2] =	ssyncpa.u1 $0x1  }
0x3f: {  	s31 =	simm.s32 $0x1;
	[sflag:s30] =	ssyncpa.u1 $0x1  }
0x40: {  	[sflag:s31] =	ssyncpa.u1 $0x1  }
0x41: {  	p0 =	sne.s32 s1, $0x0;
	_ =	strace $0x90000050  }
0x42: {  	s0 =	sadd.s32 @!p0 $0x100000, s0;
	[bflag:$0x2] =	sbarrier.arrive $0xFFFF  }
0x43: {  	[sflag:s0] =	ssyncadd.tile.s32 @!p0 $0x1;
	_ =	shalt  }
.Lfunc_end2:
_tile_overlayer_lowered:
.L_overlay_start_2:
0x44: {  	(tag) =	ssettag $0x2  }
0x45: {  	s0 =	rddreg [dreg:$0x0];
	s2 =	stileid.u32  }
0x46: {  	s1 =	rddreg [dreg:$0x1];
	p0 =	sne.s32 s2, $0x0  }
0x47: {  	s3 =	rddreg [dreg:$0x2];
	[bflag:$0x3] =	sbarrier.arrive $0xFFFF;
	s2 =	simm.s32 @!p0 $0x1C01  }
0x48: {  	[timem:s3], [sflag:s2] =	dma.local @!p0 [hbm:s0], s1  }
0x49: {  	s0 =	simm.s32 @!p0 $0x1  }
0x4a: {  	_ =	swait.ge @!p0 [sflag:s0], s1  }
0x4b: {  	s1 =	ssub.s32 @!p0 $0x0, s1;
	[sflag:s0] =	ssyncset.done @!p0 $0x0  }
0x4c: {  	[sflag:s0] =	ssyncadd.s32 @!p0 s1  }
0x4d: {  	[bflag:$0x3] =	sbarrier.arrive $0xFFFF  }
0x4e: {  	_ =	shalt  }

// kernel: gather_offload_async_start
scs
__scs_entry_jumppad:
0x0: {  	(pc) =	sbr.rel $0x88, $3  }
0x1: {  	(tag) =	ssettag $0x0;
	lr =	simm.s32 $0x1  }
0x2: {  	[smem:$0x3F97] =	sst lr;
	_ =	strace $0xD0000000  }
0x3: {  	_ = 	snop  }
0x4: {  	_ = 	snop  }
0x5: {  	_ = 	snop  }
0x6: {  	_ = 	snop  }
0x7: {  	_ = 	snop  }
__scs_overlays_trampoline_lowered:
0x8: {  	[smem:$0x3FA6] =	sst s0  }
0x9: {  	[smem:$0x3FA7] =	sst s1  }
0xa: {  	[smem:$0x3FA8] =	sst s2  }
0xb: {  	[smem:$0x3FA9] =	sst s3  }
0xc: {  	[smem:$0x3FAA] =	sst s4  }
0xd: {  	[smem:$0x3FAB] =	sst s5  }
0xe: {  	[smem:$0x3FAC] =	sst s6  }
0xf: {  	[smem:$0x3FAD] =	sst s7  }
0x10: {  	[smem:$0x3FAE] =	sst s8  }
0x11: {  	[smem:$0x3FAF] =	sst s9;
	s0 =	simm.s32 @!p0 $0x0  }
0x12: {  	s1 =	sld [smem:$0x3F95];
	s0 =	simm.s32 @p0 $0x1  }
0x13: {  	[smem:$0x3FB0] =	sst s0;
	s0 =	simm.s32 @!p1 $0x0  }
0x14: {  	s2 =	sld [smem:$0x3F94];
	s0 =	simm.s32 @p1 $0x1  }
0x15: {  	[smem:$0x3FB1] =	sst s0;
	s0 =	simm.s32 @!p2 $0x0  }
0x16: {  	s3 =	sld [smem:$0x3FDB];
	s0 =	simm.s32 @p2 $0x1  }
0x17: {  	s4 =	simm.s32 $0x1BF5;
	[smem:$0x3FB3] =	sst s0  }
0x18: {  	s0 =	sld [smem:$0x3F96];
	_ =	swait.ge [sflag:s4], $0x0  }
0x19: {  	s7 =	sld [smem:$0x3F97]  }
0x1a: {  	s8 =	sadd.s32 $0xFFFFE003, lr  }
0x1b: {  	s9 =	sadd.s32 $0xFFFFFEF7, lr;
	s5 =	simm.s32 $0xFFFFFFFF;
	p2 =	slt.u32 s8, $0xFFFFF086  }
0x1c: {  	p1 =	slt.u32 s9, $0xF7A;
	s5 =	simm.s32 @!p2 $0x0  }
0x1d: {  	s5 =	simm.s32 @p1 $0x1;
	p0 =	seq.s32 s7, s2  }
0x1e: {  	s7 =	smul.u32 @!p0 $0xF7A, s2;
	p2 =	seq.s32 @!p0 s5, $0x0  }
0x1f: {  	s9 =	smul.u32 $0xF7A, s1;
	s8 =	simm.s32 @!p0 $0x1BF5;
	p2 =	por !p2, p0  }
0x20: {  	[sflag:s8] =	ssyncset.s32 @!p0 $0xFFFFF086;
	s6 =	sadd.s32 @!p0 s3, s7;
	s7 =	simm.s32 @!p0 $0x108  }
0x21: {  	s3 =	sadd.s32 s3, s9;
	s6 =	sadd.s32 @!p0 $0x88, s6;
	s7 =	simm.s32 @p2 $0x1082  }
0x22: {  	[simem:s7], [sflag:s8] =	dma.local @!p0 [hbm:s6], $0xF7A  }
0x23: {  	s9 =	sor.u32 $0xD0000000, s2;
	s6 =	simm.s32 $0x108;
	_ =	swait.ge @!p0 [sflag:s8], $0x0  }
0x24: {  	s3 =	sadd.s32 $0x88, s3;
	s6 =	simm.s32 @!p1 $0x1082;
	[sflag:s4] =	ssyncset.s32 $0xFFFFF086  }
0x25: {  	[simem:s6], [sflag:s4] =	dma.local [hbm:s3], $0xF7A  }
0x26: {  	[smem:$0x3F97] =	sst s1;
	(tag) =	ssettag s2;
	_ =	strace s9  }
0x27: {  	s1 =	sld [smem:$0x3FA7]  }
0x28: {  	s2 =	sld [smem:$0x3FA8]  }
0x29: {  	s4 =	sld [smem:$0x3FAA]  }
0x2a: {  	p0 =	seq.s32 s5, $0x0;
	s5 =	sld [smem:$0x3FAB]  }
0x2b: {  	s6 =	sld [smem:$0x3FAC]  }
0x2c: {  	s7 =	sld [smem:$0x3FAD]  }
0x2d: {  	s3 =	simm.s32 $0x108;
	s8 =	sld [smem:$0x3FAE]  }
0x2e: {  	s3 =	simm.s32 @!p0 $0x1082;
	s9 =	sld [smem:$0x3FAF]  }
0x2f: {  	lr =	sadd.s32 s0, s3;
	s0 =	sld [smem:$0x3FA6]  }
0x30: {  	s3 =	sld [smem:$0x3FA9]  }
0x31: {  	[smem:$0x3FB2] =	sst s10  }
0x32: {  	s10 =	sld [smem:$0x3FB0];
	_ =	sdelay $0x3  }
0x33: {  	p0 =	seq.s32 s10, $0x1;
	s10 =	sld [smem:$0x3FB2];
	_ =	sdelay $0x3  }
0x34: {  	[smem:$0x3FB2] =	sst s10  }
0x35: {  	s10 =	sld [smem:$0x3FB1];
	_ =	sdelay $0x3  }
0x36: {  	p1 =	seq.s32 s10, $0x1;
	s10 =	sld [smem:$0x3FB2];
	_ =	sdelay $0x3  }
0x37: {  	[smem:$0x3FB2] =	sst s10  }
0x38: {  	s10 =	sld [smem:$0x3FB3]  }
0x39: {  	_ = 	snop;
	(pc) =	sbr.ind lr, $3  }
0x3a: {  	_ = 	snop  }
0x3b: {  	_ = 	snop  }
0x3c: {  	p2 =	seq.s32 s10, $0x1;
	s10 =	sld [smem:$0x3FB2]  }
0x3d: {  	_ =	shalt  }
0x3e: {  	_ =	shalt  }
0x3f: {  	_ =	shalt  }
0x40: {  	_ =	shalt  }
0x41: {  	_ =	shalt  }
0x42: {  	_ =	shalt  }
0x43: {  	_ =	shalt  }
0x44: {  	_ =	shalt  }
0x45: {  	_ =	shalt  }
0x46: {  	_ =	shalt  }
0x47: {  	_ =	shalt  }
0x48: {  	_ =	shalt  }
0x49: {  	_ =	shalt  }
0x4a: {  	_ =	shalt  }
0x4b: {  	_ =	shalt  }
0x4c: {  	_ =	shalt  }
0x4d: {  	_ =	shalt  }
0x4e: {  	_ =	shalt  }
0x4f: {  	_ =	shalt  }
0x50: {  	_ =	shalt  }
0x51: {  	_ =	shalt  }
0x52: {  	_ =	shalt  }
0x53: {  	_ =	shalt  }
0x54: {  	_ =	shalt  }
0x55: {  	_ =	shalt  }
0x56: {  	_ =	shalt  }
0x57: {  	_ =	shalt  }
0x58: {  	_ =	shalt  }
0x59: {  	_ =	shalt  }
0x5a: {  	_ =	shalt  }
0x5b: {  	_ =	shalt  }
0x5c: {  	_ =	shalt  }
0x5d: {  	_ =	shalt  }
0x5e: {  	_ =	shalt  }
0x5f: {  	_ =	shalt  }
0x60: {  	_ =	shalt  }
0x61: {  	_ =	shalt  }
0x62: {  	_ =	shalt  }
0x63: {  	_ =	shalt  }
0x64: {  	_ =	shalt  }
0x65: {  	_ =	shalt  }
0x66: {  	_ =	shalt  }
0x67: {  	_ =	shalt  }
0x68: {  	_ =	shalt  }
0x69: {  	_ =	shalt  }
0x6a: {  	_ =	shalt  }
0x6b: {  	_ =	shalt  }
0x6c: {  	_ =	shalt  }
0x6d: {  	_ =	shalt  }
0x6e: {  	_ =	shalt  }
0x6f: {  	_ =	shalt  }
0x70: {  	_ =	shalt  }
0x71: {  	_ =	shalt  }
0x72: {  	_ =	shalt  }
0x73: {  	_ =	shalt  }
0x74: {  	_ =	shalt  }
0x75: {  	_ =	shalt  }
0x76: {  	_ =	shalt  }
0x77: {  	_ =	shalt  }
0x78: {  	_ =	shalt  }
0x79: {  	_ =	shalt  }
0x7a: {  	_ =	shalt  }
0x7b: {  	_ =	shalt  }
0x7c: {  	_ =	shalt  }
0x7d: {  	_ =	shalt  }
0x7e: {  	_ =	shalt  }
0x7f: {  	_ =	shalt  }
0x80: {  	_ =	shalt  }
0x81: {  	_ =	shalt  }
0x82: {  	_ =	shalt  }
0x83: {  	_ =	shalt  }
0x84: {  	_ =	shalt  }
0x85: {  	_ =	shalt  }
0x86: {  	_ =	shalt  }
0x87: {  	_ =	shalt  }
.Lfunc_end0:
.L_simem_size_0:
called_computation_lowered:
.L_overlay_start_0:
0x88: {  	s0 =	sld [smem:$0x3FD9]  }
0x89: {  	s1 =	sld [smem:$0x3FFE];
	_ =	sdelay $0x3  }
0x8a: {  	s0 =	sadd.s32 s1, s0  }
0x8b: {  	[smem:$0x3FBE] =	sst s0  }
0x8c: {  	_ = 	snop  }
0x8d: {  	s0 =	sld [smem:$0x3FC9];
	(tm) =	ssettm $0x1  }
0x8e: {  	s16 =	sld [smem:$0x3FFB];
	_ =	sdelay $0x3  }
0x8f: {  	_ =	strace s16  }
0x90: {  	s1 =	sld [smem:$0x3FFC];
	_ =	sdelay $0x3  }
0x91: {  	_ =	strace s1  }
0x92: {  	s1 =	sld [smem:$0x3FFD];
	_ =	sdelay $0x3  }
0x93: {  	_ =	strace s1  }
0x94: {  	_ =	strace $0x8FFFFFFF  }
0x95: {  	s17 =	sld [smem:$0x3FDB];
	_ =	sdelay $0x1  }
0x96: {  	s2 =	simm.s32 $_scs_section_size  }
0x97: {  	s3 =	simm.s32 $_size__tile_overlayer_lowered;
	s4 =	simm.s32 $_tile_overlayer_lowered  }
0x98: {  	s20 =	simm.s32 $0x1BFF;
	s19 =	sshll.u32 s4, $0x1;
	s1 =	sadd.s32 s2, s17  }
0x99: {  	s5 =	simm.s32 $0x0;
	s18 =	sshll.u32 s3, $0x1;
	s3 =	sadd.s32 s19, s1  }
0x9a: {  	[timem:s5], [sflag:s20] =	dma.local [hbm:s3], s18  }
0x9b: {  	_ =	swait.ge [sflag:s20], s18  }
0x9c: {  	s2 =	ssub.s32 $0x0, s18;
	[sflag:s20] =	ssyncset.done $0x0  }
0x9d: {  	[sflag:s20] =	ssyncadd.s32 s2;
	_ =	sdelay $0x1  }
0x9e: {  	s21 =	simm.s32 $0x1B8B  }
0x9f: {  	_ =	swait.ge [sflag:s21], $0x1  }
0xa0: {  	[sflag:s21] =	ssyncset.done $0x0  }
0xa1: {  	s23 =	simm.s32 $0x1B8E;
	s22 =	sld [smem:$0x3FFE];
	[sflag:s21] =	ssyncadd.s32 $0xFFFFFFFF  }
0xa2: {  	s24 =	simm.s32 $execute0_lowered;
	[smem:$0x3FD2] =	sst s23  }
0xa3: {  	s3 =	sshll.u32 s24, $0x1;
	_ =	strace $0x80000046;
	[dreg:$0x1] =	wrdreg $0xFFFFFFFF  }
0xa4: {  	s25 =	simm.s32 $_size_execute0_lowered;
	s1 =	sadd.s32 s1, s3;
	[dreg:$0x0] =	wrdreg $0x0  }
0xa5: {  	s3 =	sshll.u32 s25, $0x1;
	[dreg:$0x2] =	wrdreg s1  }
0xa6: {  	[dreg:$0x3] =	wrdreg s3  }
0xa7: {  	[dreg:$0x4] =	wrdreg $0xC0  }
0xa8: {  	_ =	task [dreg:s5], $0x5FFFF  }
0xa9: {  	[dreg:$0x1] =	wrdreg $0xFFFFFFFF  }
0xaa: {  	[dreg:$0x0] =	wrdreg $0x60  }
0xab: {  	[dreg:$0x2] =	wrdreg s0  }
0xac: {  	[dreg:$0x3] =	wrdreg s22  }
0xad: {  	[dreg:$0x4] =	wrdreg $0x9  }
0xae: {  	_ =	task.clear_ibuf [dreg:s5], $0x5FFFF;
	_ =	strace $0x90000046  }
0xaf: {  	s26 =	simm.s32 $0x9;
	_ =	strace $0x80000048  }
0xb0: {  	_ =	swait.ge [sflag:s26], $0x1  }
0xb1: {  	[sflag:s26] =	ssyncadd.s32 $0xFFFFFFFF  }
0xb2: {  	_ =	strace $0x90000048  }
0xb3: {  	_ =	sfence  }
0xb4: {  	s28 =	sld [smem:$0x0];
	_ =	sdelay $0x1  }
0xb5: {  	s29 =	srdreg.scid  }
0xb6: {  	s30 =	sshll.u32 s29, $0xD;
	s31 =	sshrl.u32 s29, $0x2  }
0xb7: {  	s2 =	sand.u32 $0x4000, s30;
	s1 =	sand.u32 $0x1, s29;
	s0 =	sadd.s32 s31, s28  }
0xb8: {  	s1 =	sor.u32 s2, s1;
	s0 =	sshll.u32 s0, $0x11  }
0xb9: {  	s0 =	sor.u32 s0, s1  }
0xba: {  	s0 =	sadd.s32 $0x8F2B, s0  }
0xbb: {  	[sflag:s0] =	ssyncadd.remote.s32 $0x1  }
0xbc: {  	_ =	sfence.sel $0xFFFF  }
0xbd: {  	[dreg:$0x0] =	wrdreg $0xFFFFFFFF;
	(pc) =	sbr.abs _section_cstart, $3  }
0xbe: {  	[dreg:$0x1] =	wrdreg $0xFFFFFFFF  }
0xbf: {  	_ =	task.clear_ibuf [dreg:s5], $0x2FFFF;
	_ =	strace $0x9FFFFFFF  }
0xc0: {  	(tm) =	ssettm $0x7FFFFFFF  }
0xc1: {  	_ =	shalt  }
tec
execute0_lowered:
.L_overlay_start_1:
0x0: {  	(tag) =	ssettag $0x1  }
0x1: {  	s0 =	stileid.u32  }
0x2: {  	s1 =	smin.u32 s0, $0x9  }
0x3: {  	s1 =	sadd.s32 s0, s1  }
0x4: {  	s2 =	simm.s32 $0x320;
	p0 =	slt.u32 s0, $0x9;
	s1 =	smul.u32 $0x190, s1  }
0x5: {  	s2 =	simm.s32 @!p0 $0x190  }
0x6: {  	s2 =	sadd.s32 s2, s1  }
0x7: {  	s3 =	smin.u32 s2, $0x2710  }
0x8: {  	s7 =	ssub.s32 s3, s1  }
0x9: {  	p0 =	sgt.s32 s7, $0x0  }
0xa: {  	s7 =	simm.s32 @!p0 $0x0  }
0xb: {  	s31 =	sand.u32 $0xFFF0, s7  }
0xc: {  	s2 =	sshrl.u32 s31, $0x4  }
0xd: {  	s4 =	rddreg [dreg:$0x0];
	s2 =	smul.u32 $0xA3E, s2  }
0xe: {  	s9 =	rddreg [dreg:$0x1];
	s6 =	simm.s32 $0x1  }
0xf: {  	s11 =	simm.s32 $0x3;
	s13 =	simm.s32 $0x0;
	s8 =	sshrl.u32 s2, $0x10  }
0x10: {  	s12 =	simm.s32 $0x0;
	s5 =	sadd.s32 $0x3600, s9;
	s10 =	smul.u32 $0x190, s8  }
.Ltmp0:
0x11: {  	s9 =	sadd.s32 $0x3C00, s9;
	s2 =	rddreg [dreg:$0x2];
	(pc) =	sbr.rel .LBB2_1-.Ltmp0, $4  }
0x12: {  	_ =	strace $0x80000047;
	p0 =	sne.s32 s7, s10;
	s10 =	simm.s32 $0x1  }
0x13: {  	[sflag:s6] =	ssyncpa.u1 $0x0;
	s7 =	simm.s32 $0x2;
	s10 =	simm.s32 @!p0 $0x0  }
0x14: {  	[sflag:s7] =	ssyncpa.u1 $0x0;
	p0 =	por $0x0, $0x0;
	s8 =	sadd.s32 s8, s10  }
0x15: {  	vm0 =	vmmov $0xff;
	vm1 =	vcmask $0x3F20;
	[sflag:s11] =	ssyncpa.u1 $0x0;
	s11 =	smov.u32 s1;
	s10 =	sadd.s32 $0x1, s8  }
.LBB2_6:
0x16: {  	[hbm:s17] =	stream.linear.scatter [tilespmem:s14], [sflag:$0x3], $0x400, $0x38;
	[tilespmem:$0x19320] =	vst v63  }
.LBB2_7:
0x17: {  	s13 =	sadd.s32 $0x190, s11  }
0x18: {  	s15 =	smov.u32 s1;
	p2 =	slt.s32 s13, s3  }
0x19: {  	s15 =	smov.u32 @p2 s13;
	p2 =	sne.s32 s12, s10  }
.Ltmp1:
0x1a: {  	p1 =	slt.u32 s12, $0x2;
	(pc) =	sbr.rel @!p2 .LBB2_8-.Ltmp1, $4  }
0x1b: {  	s14 =	simm.s32 @!p1 $0x3  }
0x1c: {  	s16 =	sadd.s32 $0x1, s12;
	_ =	swait.ge @!p1 [sflag:s14], $0xC800  }
0x1d: {  	p0 =	por !p0, !p0;
	s13 =	smov.u32 s11;
	[sflag:s14] =	ssyncset.done @!p1 $0x0  }
0x1e: {  	s12 =	smov.u32 s16;
	s11 =	smov.u32 s15;
	[sflag:s14] =	ssyncadd.s32 @!p1 $0xFFFF3800  }
.LBB2_1:
0x1f: {  	p1 =	sge.u32 s12, s8  }
0x20: {  	s14 =	sxor.u32 @!p1 $0xFFFFFFFF, s12  }
0x21: {  	s14 =	sand.u32 @!p1 $0x1, s14  }
0x22: {  	s14 =	smul.u32 @!p1 $0x640, s14  }
0x23: {  	s31 =	sadd.s32 $0xFFFFFFFF, s12;
	s15 =	sshrl.u32 @!p1 s11, $0x3  }
0x24: {  	s16 =	sand.u32 @!p1 $0x7, s11;
	s15 =	sadd.s32 @!p1 s5, s15;
	s14 =	sshrl.u32 @!p1 s14, $0x2  }
0x25: {  	[tilespmem:s14], [sflag:$0x2] =	stream.linear.gather @!p1 [hbm4b:s15+s16], $0x190, $0x38;
	[tilespmem:$0x19320] =	vst v63  }
0x26: {  	p1 =	sge.u32 s31, s8  }
.Ltmp2:
0x27: {  	_ = 	snop;
	(pc) =	sbr.rel @p1 .LBB2_7-.Ltmp2, $1  }
0x28: {  	_ =	sdelay $0x3  }
0x29: {  	s14 =	simm.s32 $0x1  }
0x2a: {  	s14 =	simm.s32 @!p0 $0x0  }
0x2b: {  	s15 =	smul.u32 $0x640, s14  }
0x2c: {  	_ =	swait.ge [sflag:s7], $0x190  }
0x2d: {  	[sflag:s7] =	ssyncset.done $0x0;
	s16 =	sshrl.u32 s15, $0x2  }
0x2e: {  	[sflag:s7] =	ssyncadd.s32 $0xFFFFFE70;
	s15 =	sadd.s32 $0x0, s16  }
0x2f: {  	v0 =	vld.msk [tilespmem:s15+$0x0 ss:$0x1], $0xffff;
	_ =	sdelay $0x4  }
0x30: {  	vm2 =	vgt.s32 v0, $0x0  }
0x31: {  	v0 =	vnsel vm2, $0x0, v0  }
0x32: {  	v0 =	vmin.u32 v0, $0x270F  }
0x33: {  	v0 =	vshll.u32 v0, $0x4  }
0x34: {  	s14 =	smul.u32 $0x32000, s14;
	_ =	sdelay $0x1  }
0x35: {  	s14 =	sshrl.u32 s14, $0x2  }
0x36: {  	s14 =	sor.u32 $0x320, s14  }
0x37: {  	[tilespmem:s14], [sflag:$0x1] =	stream.indirect_vreg.gather [hbm:s4], $0x80, v0, vm0, $0x38;
	[tilespmem:$0x19320] =	vst v63  }
0x38: {  	s17 =	sadd.s32 $0x10, s16;
	s15 =	sadd.s32 $0x400, s14  }
0x39: {  	[tilespmem:s15], [sflag:$0x1] =	stream.indirect_vreg.gather [hbm:s4], $0x80, v0, vm1, $0x38;
	[tilespmem:$0x19320] =	vst v63  }
0x3a: {  	s18 =	simm.s32 $0x80;
	v0 =	vld.msk [tilespmem:s17+$0x0 ss:$0x1], $0xffff;
	s17 =	smov.u32 s14  }
.LBB2_3:
0x3b: {  	p1 =	sne.s32 s18, $0x600;
	_ =	sdelay $0x4  }
0x3c: {  	vm2 =	vgt.s32 v0, $0x0  }
0x3d: {  	v0 =	vnsel vm2, $0x0, v0  }
0x3e: {  	v0 =	vmin.u32 v0, $0x270F  }
0x3f: {  	v0 =	vshll.u32 v0, $0x4;
	_ =	sdelay $0x3  }
.Ltmp3:
0x40: {  	s19 =	sshra.s32 s18, $0x2;
	s17 =	sadd.s32 $0x800, s17;
	(pc) =	sbr.rel @p1 .LBB2_3-.Ltmp3, $4  }
0x41: {  	[tilespmem:s17], [sflag:$0x1] =	stream.indirect_vreg.gather [hbm:s4], $0x80, v0, vm0, $0x38;
	[tilespmem:$0x19320] =	vst v63  }
0x42: {  	s19 =	sadd.s32 s19, s16;
	s20 =	sadd.s32 $0x400, s17  }
0x43: {  	[tilespmem:s20], [sflag:$0x1] =	stream.indirect_vreg.gather [hbm:s4], $0x80, v0, vm1, $0x38;
	[tilespmem:$0x19320] =	vst v63  }
0x44: {  	s18 =	sadd.s32 $0x40, s18;
	v0 =	vld.msk [tilespmem:s19+$0x0 ss:$0x1], $0xffff  }
0x45: {  	_ =	sdelay $0x3  }
0x46: {  	vm2 =	vgt.s32 v0, $0x0  }
0x47: {  	v0 =	vnsel vm2, $0x0, v0  }
0x48: {  	v0 =	vmin.u32 v0, $0x270F  }
0x49: {  	v0 =	vshll.u32 v0, $0x4;
	_ =	sdelay $0x3  }
0x4a: {  	s16 =	sadd.s32 $0x800, s17  }
0x4b: {  	[tilespmem:s16], [sflag:$0x1] =	stream.indirect_vreg.gather [hbm:s4], $0x80, v0, vm0, $0x38;
	[tilespmem:$0x19320] =	vst v63  }
0x4c: {  	s16 =	sadd.s32 $0x400, s16  }
0x4d: {  	[tilespmem:s16], [sflag:$0x1] =	stream.indirect_vreg.gather [hbm:s4], $0x80, v0, vm1, $0x38;
	[tilespmem:$0x19320] =	vst v63  }
0x4e: {  	s13 =	sshll.u32 s13, $0x4;
	_ =	swait.ge [sflag:s6], $0xC800  }
0x4f: {  	s13 =	sadd.s32 s13, s9;
	[sflag:s6] =	ssyncset.done $0x0  }
0x50: {  	s17 =	sadd.s32 $0x0, s13;
	s16 =	simm.s32 $0x80;
	[sflag:s6] =	ssyncadd.s32 $0xFFFF3800  }
.LBB2_5:
0x51: {  	[hbm:s17] =	stream.linear.scatter [tilespmem:s14], [sflag:$0x3], $0x400, $0x38;
	[tilespmem:$0x19320] =	vst v63  }
0x52: {  	s17 =	smov.u32 s16;
	s14 =	smov.u32 s15;
	p1 =	sne.s32 s16, $0x1880  }
.Ltmp4:
0x53: {  	s16 =	sadd.s32 $0x80, s16;
	(pc) =	sbr.rel @p1 .LBB2_5-.Ltmp4, $2  }
0x54: {  	_ =	sdelay $0x2  }
0x55: {  	s15 =	sadd.s32 $0x400, s15;
	s17 =	sadd.s32 s17, s13  }
.Ltmp5:
0x56: {  	_ = 	snop;
	(pc) =	sbr.rel .LBB2_6-.Ltmp5, $1  }
0x57: {  	_ =	sdelay $0x3  }
.LBB2_8:
0x58: {  	_ =	sfence.sel $0x180000  }
0x59: {  	s1 =	simm.s32 $0x2;
	[bflag:$0x0] =	sbarrier.arrive $0xFFFF  }
0x5a: {  	s30 =	simm.s32 $0x3;
	[sflag:s1] =	ssyncpa.u1 $0x1  }
0x5b: {  	s31 =	simm.s32 $0x1;
	[sflag:s30] =	ssyncpa.u1 $0x1  }
0x5c: {  	[sflag:s31] =	ssyncpa.u1 $0x1  }
0x5d: {  	p0 =	sne.s32 s0, $0x0;
	_ =	strace $0x90000047  }
0x5e: {  	s0 =	sadd.s32 @!p0 $0x100000, s2;
	[bflag:$0x2] =	sbarrier.arrive $0xFFFF  }
0x5f: {  	[sflag:s0] =	ssyncadd.tile.s32 @!p0 $0x1;
	_ =	shalt  }
.Lfunc_end2:
_tile_overlayer_lowered:
.L_overlay_start_2:
0x60: {  	(tag) =	ssettag $0x2  }
0x61: {  	s0 =	rddreg [dreg:$0x0];
	s2 =	stileid.u32  }
0x62: {  	s1 =	rddreg [dreg:$0x1];
	p0 =	sne.s32 s2, $0x0  }
0x63: {  	s3 =	rddreg [dreg:$0x2];
	[bflag:$0x3] =	sbarrier.arrive $0xFFFF;
	s2 =	simm.s32 @!p0 $0x1C01  }
0x64: {  	[timem:s3], [sflag:s2] =	dma.local @!p0 [hbm:s0], s1  }
0x65: {  	s0 =	simm.s32 @!p0 $0x1  }
0x66: {  	_ =	swait.ge @!p0 [sflag:s0], s1  }
0x67: {  	s1 =	ssub.s32 @!p0 $0x0, s1;
	[sflag:s0] =	ssyncset.done @!p0 $0x0  }
0x68: {  	[sflag:s0] =	ssyncadd.s32 @!p0 s1  }
0x69: {  	[bflag:$0x3] =	sbarrier.arrive $0xFFFF  }
0x6a: {  	_ =	shalt  }

// kernel: kernel.10.cloned.1.call-start
scs
__scs_entry_jumppad:
0x0: {  	(pc) =	sbr.rel $0x88, $3  }
0x1: {  	(tag) =	ssettag $0x0;
	lr =	simm.s32 $0x1  }
0x2: {  	[smem:$0x3F97] =	sst lr;
	_ =	strace $0xD0000000  }
0x3: {  	_ = 	snop  }
0x4: {  	_ = 	snop  }
0x5: {  	_ = 	snop  }
0x6: {  	_ = 	snop  }
0x7: {  	_ = 	snop  }
__scs_overlays_trampoline_lowered:
0x8: {  	[smem:$0x3FA6] =	sst s0  }
0x9: {  	[smem:$0x3FA7] =	sst s1  }
0xa: {  	[smem:$0x3FA8] =	sst s2  }
0xb: {  	[smem:$0x3FA9] =	sst s3  }
0xc: {  	[smem:$0x3FAA] =	sst s4  }
0xd: {  	[smem:$0x3FAB] =	sst s5  }
0xe: {  	[smem:$0x3FAC] =	sst s6  }
0xf: {  	[smem:$0x3FAD] =	sst s7  }
0x10: {  	[smem:$0x3FAE] =	sst s8  }
0x11: {  	[smem:$0x3FAF] =	sst s9;
	s0 =	simm.s32 @!p0 $0x0  }
0x12: {  	s1 =	sld [smem:$0x3F95];
	s0 =	simm.s32 @p0 $0x1  }
0x13: {  	[smem:$0x3FB0] =	sst s0;
	s0 =	simm.s32 @!p1 $0x0  }
0x14: {  	s2 =	sld [smem:$0x3F94];
	s0 =	simm.s32 @p1 $0x1  }
0x15: {  	[smem:$0x3FB1] =	sst s0;
	s0 =	simm.s32 @!p2 $0x0  }
0x16: {  	s3 =	sld [smem:$0x3FDB];
	s0 =	simm.s32 @p2 $0x1  }
0x17: {  	s4 =	simm.s32 $0x1BF5;
	[smem:$0x3FB3] =	sst s0  }
0x18: {  	s0 =	sld [smem:$0x3F96];
	_ =	swait.ge [sflag:s4], $0x0  }
0x19: {  	s7 =	sld [smem:$0x3F97]  }
0x1a: {  	s8 =	sadd.s32 $0xFFFFE003, lr  }
0x1b: {  	s9 =	sadd.s32 $0xFFFFFEF7, lr;
	s5 =	simm.s32 $0xFFFFFFFF;
	p2 =	slt.u32 s8, $0xFFFFF086  }
0x1c: {  	p1 =	slt.u32 s9, $0xF7A;
	s5 =	simm.s32 @!p2 $0x0  }
0x1d: {  	s5 =	simm.s32 @p1 $0x1;
	p0 =	seq.s32 s7, s2  }
0x1e: {  	s7 =	smul.u32 @!p0 $0xF7A, s2;
	p2 =	seq.s32 @!p0 s5, $0x0  }
0x1f: {  	s9 =	smul.u32 $0xF7A, s1;
	s8 =	simm.s32 @!p0 $0x1BF5;
	p2 =	por !p2, p0  }
0x20: {  	[sflag:s8] =	ssyncset.s32 @!p0 $0xFFFFF086;
	s6 =	sadd.s32 @!p0 s3, s7;
	s7 =	simm.s32 @!p0 $0x108  }
0x21: {  	s3 =	sadd.s32 s3, s9;
	s6 =	sadd.s32 @!p0 $0x88, s6;
	s7 =	simm.s32 @p2 $0x1082  }
0x22: {  	[simem:s7], [sflag:s8] =	dma.local @!p0 [hbm:s6], $0xF7A  }
0x23: {  	s9 =	sor.u32 $0xD0000000, s2;
	s6 =	simm.s32 $0x108;
	_ =	swait.ge @!p0 [sflag:s8], $0x0  }
0x24: {  	s3 =	sadd.s32 $0x88, s3;
	s6 =	simm.s32 @!p1 $0x1082;
	[sflag:s4] =	ssyncset.s32 $0xFFFFF086  }
0x25: {  	[simem:s6], [sflag:s4] =	dma.local [hbm:s3], $0xF7A  }
0x26: {  	[smem:$0x3F97] =	sst s1;
	(tag) =	ssettag s2;
	_ =	strace s9  }
0x27: {  	s1 =	sld [smem:$0x3FA7]  }
0x28: {  	s2 =	sld [smem:$0x3FA8]  }
0x29: {  	s4 =	sld [smem:$0x3FAA]  }
0x2a: {  	p0 =	seq.s32 s5, $0x0;
	s5 =	sld [smem:$0x3FAB]  }
0x2b: {  	s6 =	sld [smem:$0x3FAC]  }
0x2c: {  	s7 =	sld [smem:$0x3FAD]  }
0x2d: {  	s3 =	simm.s32 $0x108;
	s8 =	sld [smem:$0x3FAE]  }
0x2e: {  	s3 =	simm.s32 @!p0 $0x1082;
	s9 =	sld [smem:$0x3FAF]  }
0x2f: {  	lr =	sadd.s32 s0, s3;
	s0 =	sld [smem:$0x3FA6]  }
0x30: {  	s3 =	sld [smem:$0x3FA9]  }
0x31: {  	[smem:$0x3FB2] =	sst s10  }
0x32: {  	s10 =	sld [smem:$0x3FB0];
	_ =	sdelay $0x3  }
0x33: {  	p0 =	seq.s32 s10, $0x1;
	s10 =	sld [smem:$0x3FB2];
	_ =	sdelay $0x3  }
0x34: {  	[smem:$0x3FB2] =	sst s10  }
0x35: {  	s10 =	sld [smem:$0x3FB1];
	_ =	sdelay $0x3  }
0x36: {  	p1 =	seq.s32 s10, $0x1;
	s10 =	sld [smem:$0x3FB2];
	_ =	sdelay $0x3  }
0x37: {  	[smem:$0x3FB2] =	sst s10  }
0x38: {  	s10 =	sld [smem:$0x3FB3]  }
0x39: {  	_ = 	snop;
	(pc) =	sbr.ind lr, $3  }
0x3a: {  	_ = 	snop  }
0x3b: {  	_ = 	snop  }
0x3c: {  	p2 =	seq.s32 s10, $0x1;
	s10 =	sld [smem:$0x3FB2]  }
0x3d: {  	_ =	shalt  }
0x3e: {  	_ =	shalt  }
0x3f: {  	_ =	shalt  }
0x40: {  	_ =	shalt  }
0x41: {  	_ =	shalt  }
0x42: {  	_ =	shalt  }
0x43: {  	_ =	shalt  }
0x44: {  	_ =	shalt  }
0x45: {  	_ =	shalt  }
0x46: {  	_ =	shalt  }
0x47: {  	_ =	shalt  }
0x48: {  	_ =	shalt  }
0x49: {  	_ =	shalt  }
0x4a: {  	_ =	shalt  }
0x4b: {  	_ =	shalt  }
0x4c: {  	_ =	shalt  }
0x4d: {  	_ =	shalt  }
0x4e: {  	_ =	shalt  }
0x4f: {  	_ =	shalt  }
0x50: {  	_ =	shalt  }
0x51: {  	_ =	shalt  }
0x52: {  	_ =	shalt  }
0x53: {  	_ =	shalt  }
0x54: {  	_ =	shalt  }
0x55: {  	_ =	shalt  }
0x56: {  	_ =	shalt  }
0x57: {  	_ =	shalt  }
0x58: {  	_ =	shalt  }
0x59: {  	_ =	shalt  }
0x5a: {  	_ =	shalt  }
0x5b: {  	_ =	shalt  }
0x5c: {  	_ =	shalt  }
0x5d: {  	_ =	shalt  }
0x5e: {  	_ =	shalt  }
0x5f: {  	_ =	shalt  }
0x60: {  	_ =	shalt  }
0x61: {  	_ =	shalt  }
0x62: {  	_ =	shalt  }
0x63: {  	_ =	shalt  }
0x64: {  	_ =	shalt  }
0x65: {  	_ =	shalt  }
0x66: {  	_ =	shalt  }
0x67: {  	_ =	shalt  }
0x68: {  	_ =	shalt  }
0x69: {  	_ =	shalt  }
0x6a: {  	_ =	shalt  }
0x6b: {  	_ =	shalt  }
0x6c: {  	_ =	shalt  }
0x6d: {  	_ =	shalt  }
0x6e: {  	_ =	shalt  }
0x6f: {  	_ =	shalt  }
0x70: {  	_ =	shalt  }
0x71: {  	_ =	shalt  }
0x72: {  	_ =	shalt  }
0x73: {  	_ =	shalt  }
0x74: {  	_ =	shalt  }
0x75: {  	_ =	shalt  }
0x76: {  	_ =	shalt  }
0x77: {  	_ =	shalt  }
0x78: {  	_ =	shalt  }
0x79: {  	_ =	shalt  }
0x7a: {  	_ =	shalt  }
0x7b: {  	_ =	shalt  }
0x7c: {  	_ =	shalt  }
0x7d: {  	_ =	shalt  }
0x7e: {  	_ =	shalt  }
0x7f: {  	_ =	shalt  }
0x80: {  	_ =	shalt  }
0x81: {  	_ =	shalt  }
0x82: {  	_ =	shalt  }
0x83: {  	_ =	shalt  }
0x84: {  	_ =	shalt  }
0x85: {  	_ =	shalt  }
0x86: {  	_ =	shalt  }
0x87: {  	_ =	shalt  }
.Lfunc_end0:
.L_simem_size_0:
called_computation.4_lowered:
.L_overlay_start_0:
0x88: {  	s2 =	sld [smem:$0x3FD9]  }
0x89: {  	s3 =	sld [smem:$0x3FFE];
	_ =	sdelay $0x1  }
0x8a: {  	s1 =	srdreg.scid  }
0x8b: {  	s0 =	sand.u32 $0x1, s1  }
0x8c: {  	s16 =	sshll.u32 s0, $0xA;
	s2 =	sadd.s32 s3, s2  }
0x8d: {  	s2 =	sadd.s32 s2, s16  }
0x8e: {  	[smem:$0x3FBE] =	sst s2  }
0x8f: {  	_ = 	snop  }
0x90: {  	(tm) =	ssettm $0x1  }
0x91: {  	s17 =	sld [smem:$0x3FFB];
	_ =	sdelay $0x3  }
0x92: {  	_ =	strace s17  }
0x93: {  	s2 =	sld [smem:$0x3FFC];
	_ =	sdelay $0x3  }
0x94: {  	_ =	strace s2  }
0x95: {  	s2 =	sld [smem:$0x3FFD];
	_ =	sdelay $0x3  }
0x96: {  	_ =	strace s2  }
0x97: {  	_ =	strace $0x8FFFFFFF  }
0x98: {  	s18 =	sld [smem:$0x3FDB];
	_ =	sdelay $0x1  }
0x99: {  	s19 =	simm.s32 $_scs_section_size  }
0x9a: {  	s4 =	simm.s32 $_size__tile_overlayer_lowered;
	s5 =	simm.s32 $_tile_overlayer_lowered  }
0x9b: {  	s22 =	simm.s32 $0x1BFF;
	s21 =	sshll.u32 s5, $0x1;
	s2 =	sadd.s32 s19, s18  }
0x9c: {  	s6 =	simm.s32 $0x0;
	s20 =	sshll.u32 s4, $0x1;
	s4 =	sadd.s32 s21, s2  }
0x9d: {  	[timem:s6], [sflag:s22] =	dma.local [hbm:s4], s20  }
0x9e: {  	_ =	swait.ge [sflag:s22], s20  }
0x9f: {  	s3 =	ssub.s32 $0x0, s20;
	[sflag:s22] =	ssyncset.done $0x0  }
0xa0: {  	[sflag:s22] =	ssyncadd.s32 s3;
	_ =	sdelay $0x1  }
0xa1: {  	s23 =	simm.s32 $0x1B8B  }
0xa2: {  	_ =	swait.ge [sflag:s23], $0x1  }
0xa3: {  	[sflag:s23] =	ssyncset.done $0x0  }
0xa4: {  	s25 =	simm.s32 $0x1B8E;
	s24 =	sld [smem:$0x3FFE];
	[sflag:s23] =	ssyncadd.s32 $0xFFFFFFFF  }
0xa5: {  	s26 =	simm.s32 $execute0_lowered;
	[smem:$0x3FD2] =	sst s25  }
0xa6: {  	s4 =	sshll.u32 s26, $0x1;
	_ =	strace $0x80000052;
	[dreg:$0x1] =	wrdreg $0xFFFFFFFF  }
0xa7: {  	s28 =	simm.s32 $_size_execute0_lowered;
	s2 =	sadd.s32 s2, s4;
	[dreg:$0x0] =	wrdreg $0x0  }
0xa8: {  	s4 =	sshll.u32 s28, $0x1;
	[dreg:$0x2] =	wrdreg s2  }
0xa9: {  	[dreg:$0x3] =	wrdreg s4  }
0xaa: {  	[dreg:$0x4] =	wrdreg $0xC0  }
0xab: {  	_ =	task [dreg:s6], $0x5FFFF  }
0xac: {  	[dreg:$0x1] =	wrdreg $0xFFFFFFFF  }
0xad: {  	[dreg:$0x0] =	wrdreg $0x60  }
0xae: {  	[dreg:$0x2] =	wrdreg s24  }
0xaf: {  	[dreg:$0x3] =	wrdreg $0x50000  }
0xb0: {  	[dreg:$0x4] =	wrdreg $0x9  }
0xb1: {  	_ =	task.clear_ibuf [dreg:s6], $0x5FFFF;
	_ =	strace $0x90000052  }
0xb2: {  	s29 =	simm.s32 $0x9;
	_ =	strace $0x80000054  }
0xb3: {  	_ =	swait.ge [sflag:s29], $0x1  }
0xb4: {  	[sflag:s29] =	ssyncadd.s32 $0xFFFFFFFF  }
0xb5: {  	_ =	strace $0x90000054  }
0xb6: {  	_ =	sfence  }
0xb7: {  	s30 =	sld [smem:$0x0];
	_ =	sdelay $0x2  }
0xb8: {  	s31 =	sshll.u32 s1, $0xD;
	s1 =	sshrl.u32 s1, $0x2  }
0xb9: {  	s3 =	sand.u32 $0x4000, s31;
	s1 =	sadd.s32 s1, s30  }
0xba: {  	s0 =	sor.u32 s3, s0;
	s1 =	sshll.u32 s1, $0x11  }
0xbb: {  	s0 =	sor.u32 s1, s0  }
0xbc: {  	s0 =	sadd.s32 $0x8F2B, s0  }
0xbd: {  	[sflag:s0] =	ssyncadd.remote.s32 $0x1  }
0xbe: {  	_ =	sfence.sel $0xFFFF  }
0xbf: {  	[dreg:$0x0] =	wrdreg $0xFFFFFFFF;
	(pc) =	sbr.abs _section_cstart, $3  }
0xc0: {  	[dreg:$0x1] =	wrdreg $0xFFFFFFFF  }
0xc1: {  	_ =	task.clear_ibuf [dreg:s6], $0x2FFFF;
	_ =	strace $0x9FFFFFFF  }
0xc2: {  	(tm) =	ssettm $0x7FFFFFFF  }
0xc3: {  	_ =	shalt  }
tec
execute0_lowered:
.L_overlay_start_1:
0x0: {  	(tag) =	ssettag $0x1  }
0x1: {  	s1 =	srdreg.scid  }
0x2: {  	s0 =	stileid.u32;
	s6 =	rddreg [dreg:$0x0]  }
0x3: {  	s2 =	rddreg [dreg:$0x1];
	s3 =	simm.s32 $0x0;
	s15 =	simm.s32 $0x3200  }
0x4: {  	s16 =	simm.s32 $0x3700;
	s5 =	sand.u32 $0x1, s1;
	s8 =	smul.u32 $0x2720, s0  }
0x5: {  	s17 =	sshll.u32 s0, $0x1;
	[smem:$0x7FF] =	sst s3;
	s12 =	smul.u32 $0x50000, s0  }
0x6: {  	s4 =	sadd.s32 $0xF2E00, s6;
	s19 =	sshll.u32 s0, $0x6;
	s9 =	smul.u32 $0x27200, s5  }
0x7: {  	s1 =	sor.u32 s5, s17;
	_ =	strace $0x80000053;
	s13 =	smul.u32 $0x28000, s5  }
0x8: {  	s11 =	ssub.s32 $0x2, s5;
	s17 =	simm.s32 $0x3C00;
	s7 =	smul.u32 $0x500, s1  }
0x9: {  	s10 =	sshrl.u32 s8, $0x3;
	s18 =	sshrl.u32 s11, $0x1;
	s14 =	sadd.s32 s8, s2  }
0xa: {  	s10 =	sadd.s32 s10, s6;
	s9 =	sadd.s32 s8, s9;
	s11 =	ssub.s32 s11, s18  }
0xb: {  	s20 =	sadd.s32 s13, s12;
	s18 =	simm.s32 $0x4100;
	s7 =	sadd.s32 s7, s6  }
0xc: {  	s9 =	sshrl.u32 s9, $0x3;
	s5 =	sadd.s32 $0x3600, s10;
	s21 =	sshrl.u32 s20, $0x3  }
0xd: {  	s12 =	sor.u32 $0x2300, s20;
	s23 =	sor.u32 $0x1E00, s20;
	s25 =	sor.u32 $0x1900, s20  }
0xe: {  	s28 =	sor.u32 $0x1400, s20;
	s30 =	sor.u32 $0xF00, s20;
	s13 =	sor.u32 $0xA00, s20  }
0xf: {  	s10 =	sor.u32 $0x500, s20;
	s20 =	simm.s32 $0x4B00;
	s9 =	sadd.s32 s9, s6  }
0x10: {  	s6 =	sor.u32 $0x1C03, s19;
	s7 =	sadd.s32 $0x3EE00, s7;
	[dreg:$0x3] =	wrdreg s21  }
0x11: {  	s22 =	sshrl.u32 s12, $0x3;
	s24 =	sshrl.u32 s23, $0x3;
	s26 =	sshrl.u32 s25, $0x3  }
0x12: {  	s29 =	sshrl.u32 s28, $0x3;
	s12 =	sshrl.u32 s30, $0x3;
	[dreg:$0x4] =	wrdreg s22  }
0x13: {  	s31 =	sshrl.u32 s13, $0x3;
	s10 =	sshrl.u32 s10, $0x3;
	[dreg:$0x5] =	wrdreg s24  }
0x14: {  	s13 =	simm.s32 $0x2800;
	s19 =	simm.s32 $0x4600;
	[dreg:$0x6] =	wrdreg s26  }
0x15: {  	s21 =	simm.s32 $0x1;
	s23 =	simm.s32 $0x2;
	[dreg:$0x7] =	wrdreg s29  }
0x16: {  	s8 =	sadd.s32 $0x8600, s9;
	[dreg:$0x8] =	wrdreg s12;
	s9 =	smax.u32 s11, $0x1  }
0x17: {  	[dreg:$0x9] =	wrdreg s31;
	s11 =	sshrl.u32 s14, $0x3;
	s12 =	simm.s32 $0x3  }
0x18: {  	s14 =	simm.s32 $0x2D00;
	s22 =	simm.s32 $0x50;
	s24 =	simm.s32 $0x0  }
.LBB2_1:
0x19: {  	[spmem:s11], [sflag:s6] =	dma.local [hbm:s5], $0x4E4  }
0x1a: {  	_ =	swait.ge [sflag:s12], $0x4E4  }
0x1b: {  	[sflag:s12] =	ssyncset.done $0x0  }
0x1c: {  	[sflag:s12] =	ssyncadd.s32 $0xFFFFFB1C  }
0x1d: {  	[bflag:$0x0] =	sbarrier.arrive $0xFFFF  }
0x1e: {  	[tilespmem:s3], [sflag:$0x3] =	stream.linear.gather [hbm4b:s7+s3], $0x2800, $0x38;
	[tilespmem:$0x7720] =	vst v63  }
0x1f: {  	_ =	swait.ge [sflag:s12], $0x2800  }
0x20: {  	s25 =	rddreg [dreg:$0x3];
	[sflag:s12] =	ssyncset.done $0x0  }
0x21: {  	[sflag:s12] =	ssyncadd.s32 $0xFFFFD800;
	s25 =	sadd.s32 s4, s25  }
0x22: {  	[tilespmem:s13], [sflag:$0x1] =	stream.linear.gather [hbm4b:s25+s3], $0x500, $0x38;
	[tilespmem:$0x7720] =	vst v63  }
0x23: {  	s1 =	sadd.s32 s4, s10;
	s26 =	rddreg [dreg:$0x9]  }
0x24: {  	[tilespmem:s14], [sflag:$0x1] =	stream.linear.gather [hbm4b:s1+s3], $0x500, $0x38;
	[tilespmem:$0x7720] =	vst v63  }
0x25: {  	s28 =	rddreg [dreg:$0x8];
	s29 =	sadd.s32 s4, s26  }
0x26: {  	[tilespmem:s15], [sflag:$0x1] =	stream.linear.gather [hbm4b:s29+s3], $0x500, $0x38;
	[tilespmem:$0x7720] =	vst v63  }
0x27: {  	s31 =	rddreg [dreg:$0x7];
	s1 =	sadd.s32 s4, s28  }
0x28: {  	[tilespmem:s16], [sflag:$0x1] =	stream.linear.gather [hbm4b:s1+s3], $0x500, $0x38;
	[tilespmem:$0x7720] =	vst v63  }
0x29: {  	s28 =	rddreg [dreg:$0x6];
	s29 =	sadd.s32 s4, s31  }
0x2a: {  	[tilespmem:s17], [sflag:$0x1] =	stream.linear.gather [hbm4b:s29+s3], $0x500, $0x38;
	[tilespmem:$0x7720] =	vst v63  }
0x2b: {  	s31 =	rddreg [dreg:$0x5];
	s1 =	sadd.s32 s4, s28  }
0x2c: {  	[tilespmem:s18], [sflag:$0x1] =	stream.linear.gather [hbm4b:s1+s3], $0x500, $0x38;
	[tilespmem:$0x7720] =	vst v63  }
0x2d: {  	s28 =	rddreg [dreg:$0x4];
	s29 =	sadd.s32 s4, s31  }
0x2e: {  	[tilespmem:s19], [sflag:$0x1] =	stream.linear.gather [hbm4b:s29+s3], $0x500, $0x38;
	[tilespmem:$0x7720] =	vst v63  }
0x2f: {  	s31 =	sadd.s32 s4, s28  }
0x30: {  	[tilespmem:s20], [sflag:$0x1] =	stream.linear.gather [hbm4b:s31+s3], $0x500, $0x38;
	[tilespmem:$0x7720] =	vst v63  }
0x31: {  	_ =	swait.ge [sflag:s21], $0x500  }
0x32: {  	[sflag:s21] =	ssyncset.done $0x0  }
0x33: {  	[sflag:s21] =	ssyncadd.s32 $0xFFFFFB00  }
0x34: {  	_ =	swait.ge [sflag:s21], $0x500  }
0x35: {  	[sflag:s21] =	ssyncset.done $0x0  }
0x36: {  	[sflag:s21] =	ssyncadd.s32 $0xFFFFFB00  }
0x37: {  	_ =	swait.ge [sflag:s21], $0x500  }
0x38: {  	[sflag:s21] =	ssyncset.done $0x0  }
0x39: {  	[sflag:s21] =	ssyncadd.s32 $0xFFFFFB00  }
0x3a: {  	_ =	swait.ge [sflag:s21], $0x500  }
0x3b: {  	[sflag:s21] =	ssyncset.done $0x0  }
0x3c: {  	[sflag:s21] =	ssyncadd.s32 $0xFFFFFB00  }
0x3d: {  	_ =	swait.ge [sflag:s21], $0x500  }
0x3e: {  	[sflag:s21] =	ssyncset.done $0x0  }
0x3f: {  	[sflag:s21] =	ssyncadd.s32 $0xFFFFFB00  }
0x40: {  	_ =	swait.ge [sflag:s21], $0x500  }
0x41: {  	[sflag:s21] =	ssyncset.done $0x0  }
0x42: {  	[sflag:s21] =	ssyncadd.s32 $0xFFFFFB00  }
0x43: {  	_ =	swait.ge [sflag:s21], $0x500  }
0x44: {  	[sflag:s21] =	ssyncset.done $0x0  }
0x45: {  	[sflag:s21] =	ssyncadd.s32 $0xFFFFFB00  }
0x46: {  	_ =	swait.ge [sflag:s21], $0x500  }
0x47: {  	[sflag:s21] =	ssyncset.done $0x0  }
0x48: {  	s1 =	simm.s32 $0x0;
	[sflag:s21] =	ssyncadd.s32 $0xFFFFFB00  }
0x49: {  	[spmem:s2] =	stream.indirect.scatter.add.f32 [tilespmem:s13], [sflag:$0x2], $0x10, s1, s22, $0xb8;
	[tilespmem:$0x7720] =	vst v63  }
0x4a: {  	s26 =	simm.s32 $0x50  }
0x4b: {  	[spmem:s2] =	stream.indirect.scatter.add.f32 [tilespmem:s14], [sflag:$0x2], $0x10, s26, s22, $0xb8;
	[tilespmem:$0x7720] =	vst v63  }
0x4c: {  	s29 =	simm.s32 $0xA0  }
0x4d: {  	[spmem:s2] =	stream.indirect.scatter.add.f32 [tilespmem:s15], [sflag:$0x2], $0x10, s29, s22, $0xb8;
	[tilespmem:$0x7720] =	vst v63  }
0x4e: {  	s31 =	simm.s32 $0xF0  }
0x4f: {  	[spmem:s2] =	stream.indirect.scatter.add.f32 [tilespmem:s16], [sflag:$0x2], $0x10, s31, s22, $0xb8;
	[tilespmem:$0x7720] =	vst v63  }
0x50: {  	s1 =	simm.s32 $0x140  }
0x51: {  	[spmem:s2] =	stream.indirect.scatter.add.f32 [tilespmem:s17], [sflag:$0x2], $0x10, s1, s22, $0xb8;
	[tilespmem:$0x7720] =	vst v63  }
0x52: {  	s26 =	simm.s32 $0x190  }
0x53: {  	[spmem:s2] =	stream.indirect.scatter.add.f32 [tilespmem:s18], [sflag:$0x2], $0x10, s26, s22, $0xb8;
	[tilespmem:$0x7720] =	vst v63  }
0x54: {  	s29 =	simm.s32 $0x1E0  }
0x55: {  	[spmem:s2] =	stream.indirect.scatter.add.f32 [tilespmem:s19], [sflag:$0x2], $0x10, s29, s22, $0xb8;
	[tilespmem:$0x7720] =	vst v63  }
0x56: {  	s31 =	simm.s32 $0x230  }
0x57: {  	[spmem:s2] =	stream.indirect.scatter.add.f32 [tilespmem:s20], [sflag:$0x2], $0x10, s31, s22, $0xb8;
	[tilespmem:$0x7720] =	vst v63  }
0x58: {  	_ =	swait.ge [sflag:s23], $0x500  }
0x59: {  	[sflag:s23] =	ssyncset.done $0x0  }
0x5a: {  	[sflag:s23] =	ssyncadd.s32 $0xFFFFFB00  }
0x5b: {  	_ =	swait.ge [sflag:s23], $0x500  }
0x5c: {  	[sflag:s23] =	ssyncset.done $0x0  }
0x5d: {  	[sflag:s23] =	ssyncadd.s32 $0xFFFFFB00  }
0x5e: {  	_ =	swait.ge [sflag:s23], $0x500  }
0x5f: {  	[sflag:s23] =	ssyncset.done $0x0  }
0x60: {  	[sflag:s23] =	ssyncadd.s32 $0xFFFFFB00  }
0x61: {  	_ =	swait.ge [sflag:s23], $0x500  }
0x62: {  	[sflag:s23] =	ssyncset.done $0x0  }
0x63: {  	[sflag:s23] =	ssyncadd.s32 $0xFFFFFB00  }
0x64: {  	_ =	swait.ge [sflag:s23], $0x500  }
0x65: {  	[sflag:s23] =	ssyncset.done $0x0  }
0x66: {  	[sflag:s23] =	ssyncadd.s32 $0xFFFFFB00  }
0x67: {  	_ =	swait.ge [sflag:s23], $0x500  }
0x68: {  	[sflag:s23] =	ssyncset.done $0x0  }
0x69: {  	[sflag:s23] =	ssyncadd.s32 $0xFFFFFB00  }
0x6a: {  	_ =	swait.ge [sflag:s23], $0x500  }
0x6b: {  	[sflag:s23] =	ssyncset.done $0x0  }
0x6c: {  	[sflag:s23] =	ssyncadd.s32 $0xFFFFFB00  }
0x6d: {  	s25 =	simm.s32 $0xA00;
	s28 =	smov.u32 s4;
	_ =	swait.ge [sflag:s23], $0x500  }
0x6e: {  	s26 =	simm.s32 $0x1400;
	s30 =	rddreg [dreg:$0x3];
	[sflag:s23] =	ssyncset.done $0x0  }
.LBB2_2:
0x6f: {  	s28 =	sadd.s32 $0x500, s28  }
0x70: {  	[sflag:s23] =	ssyncadd.s32 $0xFFFFFB00;
	s30 =	sadd.s32 s28, s30  }
0x71: {  	[tilespmem:s13], [sflag:$0x1] =	stream.linear.gather [hbm4b:s30+s3], $0x500, $0x38;
	[tilespmem:$0x7720] =	vst v63  }
0x72: {  	s31 =	rddreg [dreg:$0x9];
	s30 =	sadd.s32 s28, s10  }
0x73: {  	[tilespmem:s14], [sflag:$0x1] =	stream.linear.gather [hbm4b:s30+s3], $0x500, $0x38;
	[tilespmem:$0x7720] =	vst v63  }
0x74: {  	s1 =	rddreg [dreg:$0x8];
	s30 =	sadd.s32 s28, s31  }
0x75: {  	[tilespmem:s15], [sflag:$0x1] =	stream.linear.gather [hbm4b:s30+s3], $0x500, $0x38;
	[tilespmem:$0x7720] =	vst v63  }
0x76: {  	s1 =	sadd.s32 s28, s1;
	s31 =	rddreg [dreg:$0x7]  }
0x77: {  	[tilespmem:s16], [sflag:$0x1] =	stream.linear.gather [hbm4b:s1+s3], $0x500, $0x38;
	[tilespmem:$0x7720] =	vst v63  }
0x78: {  	s30 =	rddreg [dreg:$0x6];
	s1 =	sadd.s32 s28, s31  }
0x79: {  	[tilespmem:s17], [sflag:$0x1] =	stream.linear.gather [hbm4b:s1+s3], $0x500, $0x38;
	[tilespmem:$0x7720] =	vst v63  }
0x7a: {  	s31 =	rddreg [dreg:$0x5];
	s1 =	sadd.s32 s28, s30  }
0x7b: {  	[tilespmem:s18], [sflag:$0x1] =	stream.linear.gather [hbm4b:s1+s3], $0x500, $0x38;
	[tilespmem:$0x7720] =	vst v63  }
0x7c: {  	s31 =	sadd.s32 s28, s31;
	s30 =	rddreg [dreg:$0x4]  }
0x7d: {  	[tilespmem:s19], [sflag:$0x1] =	stream.linear.gather [hbm4b:s31+s3], $0x500, $0x38;
	[tilespmem:$0x7720] =	vst v63  }
0x7e: {  	s31 =	sadd.s32 s28, s30  }
0x7f: {  	[tilespmem:s20], [sflag:$0x1] =	stream.linear.gather [hbm4b:s31+s3], $0x500, $0x38;
	[tilespmem:$0x7720] =	vst v63  }
0x80: {  	_ =	swait.ge [sflag:s21], $0x500  }
0x81: {  	[sflag:s21] =	ssyncset.done $0x0  }
0x82: {  	[sflag:s21] =	ssyncadd.s32 $0xFFFFFB00  }
0x83: {  	_ =	swait.ge [sflag:s21], $0x500  }
0x84: {  	[sflag:s21] =	ssyncset.done $0x0  }
0x85: {  	[sflag:s21] =	ssyncadd.s32 $0xFFFFFB00  }
0x86: {  	_ =	swait.ge [sflag:s21], $0x500  }
0x87: {  	[sflag:s21] =	ssyncset.done $0x0  }
0x88: {  	[sflag:s21] =	ssyncadd.s32 $0xFFFFFB00  }
0x89: {  	_ =	swait.ge [sflag:s21], $0x500  }
0x8a: {  	[sflag:s21] =	ssyncset.done $0x0  }
0x8b: {  	[sflag:s21] =	ssyncadd.s32 $0xFFFFFB00  }
0x8c: {  	_ =	swait.ge [sflag:s21], $0x500  }
0x8d: {  	[sflag:s21] =	ssyncset.done $0x0  }
0x8e: {  	[sflag:s21] =	ssyncadd.s32 $0xFFFFFB00  }
0x8f: {  	_ =	swait.ge [sflag:s21], $0x500  }
0x90: {  	[sflag:s21] =	ssyncset.done $0x0  }
0x91: {  	[sflag:s21] =	ssyncadd.s32 $0xFFFFFB00  }
0x92: {  	_ =	swait.ge [sflag:s21], $0x500  }
0x93: {  	[sflag:s21] =	ssyncset.done $0x0  }
0x94: {  	[sflag:s21] =	ssyncadd.s32 $0xFFFFFB00  }
0x95: {  	_ =	swait.ge [sflag:s21], $0x500  }
0x96: {  	[sflag:s21] =	ssyncset.done $0x0  }
0x97: {  	s1 =	sshra.s32 s25, $0x2;
	[sflag:s21] =	ssyncadd.s32 $0xFFFFFB00  }
0x98: {  	[spmem:s2] =	stream.indirect.scatter.add.f32 [tilespmem:s13], [sflag:$0x2], $0x10, s1, s22, $0xb8;
	[tilespmem:$0x7720] =	vst v63  }
0x99: {  	s31 =	sadd.s32 $0x50, s1  }
0x9a: {  	[spmem:s2] =	stream.indirect.scatter.add.f32 [tilespmem:s14], [sflag:$0x2], $0x10, s31, s22, $0xb8;
	[tilespmem:$0x7720] =	vst v63  }
0x9b: {  	s31 =	sadd.s32 $0xA0, s1  }
0x9c: {  	[spmem:s2] =	stream.indirect.scatter.add.f32 [tilespmem:s15], [sflag:$0x2], $0x10, s31, s22, $0xb8;
	[tilespmem:$0x7720] =	vst v63  }
0x9d: {  	s31 =	sadd.s32 $0xF0, s1  }
0x9e: {  	[spmem:s2] =	stream.indirect.scatter.add.f32 [tilespmem:s16], [sflag:$0x2], $0x10, s31, s22, $0xb8;
	[tilespmem:$0x7720] =	vst v63  }
0x9f: {  	s31 =	sadd.s32 $0x140, s1  }
0xa0: {  	[spmem:s2] =	stream.indirect.scatter.add.f32 [tilespmem:s17], [sflag:$0x2], $0x10, s31, s22, $0xb8;
	[tilespmem:$0x7720] =	vst v63  }
0xa1: {  	s31 =	sadd.s32 $0x190, s1  }
0xa2: {  	[spmem:s2] =	stream.indirect.scatter.add.f32 [tilespmem:s18], [sflag:$0x2], $0x10, s31, s22, $0xb8;
	[tilespmem:$0x7720] =	vst v63  }
0xa3: {  	s31 =	sadd.s32 $0x1E0, s1  }
0xa4: {  	[spmem:s2] =	stream.indirect.scatter.add.f32 [tilespmem:s19], [sflag:$0x2], $0x10, s31, s22, $0xb8;
	[tilespmem:$0x7720] =	vst v63  }
0xa5: {  	s1 =	sadd.s32 $0x230, s1  }
0xa6: {  	[spmem:s2] =	stream.indirect.scatter.add.f32 [tilespmem:s20], [sflag:$0x2], $0x10, s1, s22, $0xb8;
	[tilespmem:$0x7720] =	vst v63  }
0xa7: {  	_ =	swait.ge [sflag:s23], $0x500  }
0xa8: {  	[sflag:s23] =	ssyncset.done $0x0  }
0xa9: {  	[sflag:s23] =	ssyncadd.s32 $0xFFFFFB00  }
0xaa: {  	_ =	swait.ge [sflag:s23], $0x500  }
0xab: {  	[sflag:s23] =	ssyncset.done $0x0  }
0xac: {  	[sflag:s23] =	ssyncadd.s32 $0xFFFFFB00  }
0xad: {  	_ =	swait.ge [sflag:s23], $0x500  }
0xae: {  	[sflag:s23] =	ssyncset.done $0x0  }
0xaf: {  	[sflag:s23] =	ssyncadd.s32 $0xFFFFFB00  }
0xb0: {  	_ =	swait.ge [sflag:s23], $0x500  }
0xb1: {  	[sflag:s23] =	ssyncset.done $0x0  }
0xb2: {  	[sflag:s23] =	ssyncadd.s32 $0xFFFFFB00  }
0xb3: {  	_ =	swait.ge [sflag:s23], $0x500  }
0xb4: {  	[sflag:s23] =	ssyncset.done $0x0  }
0xb5: {  	[sflag:s23] =	ssyncadd.s32 $0xFFFFFB00  }
0xb6: {  	_ =	swait.ge [sflag:s23], $0x500  }
0xb7: {  	[sflag:s23] =	ssyncset.done $0x0  }
0xb8: {  	p0 =	sne.s32 s26, $0x9600;
	[sflag:s23] =	ssyncadd.s32 $0xFFFFFB00  }
.Ltmp0:
0xb9: {  	_ =	swait.ge [sflag:s23], $0x500;
	(pc) =	sbr.rel @p0 .LBB2_2-.Ltmp0, $4  }
0xba: {  	[sflag:s23] =	ssyncset.done $0x0  }
0xbb: {  	[sflag:s23] =	ssyncadd.s32 $0xFFFFFB00  }
0xbc: {  	s29 =	smov.u32 s26;
	s26 =	sadd.s32 $0xA00, s26;
	_ =	swait.ge [sflag:s23], $0x500  }
0xbd: {  	s25 =	smov.u32 s29;
	s30 =	rddreg [dreg:$0x3];
	[sflag:s23] =	ssyncset.done $0x0  }
0xbe: {  	s1 =	sadd.s32 $0x500, s28  }
0xbf: {  	[sflag:s23] =	ssyncadd.s32 $0xFFFFFB00;
	s26 =	sadd.s32 s1, s30  }
0xc0: {  	[tilespmem:s13], [sflag:$0x1] =	stream.linear.gather [hbm4b:s26+s3], $0x500, $0x38;
	[tilespmem:$0x7720] =	vst v63  }
0xc1: {  	s31 =	rddreg [dreg:$0x9];
	s30 =	sadd.s32 s1, s10  }
0xc2: {  	[tilespmem:s14], [sflag:$0x1] =	stream.linear.gather [hbm4b:s30+s3], $0x500, $0x38;
	[tilespmem:$0x7720] =	vst v63  }
0xc3: {  	s29 =	rddreg [dreg:$0x8];
	s31 =	sadd.s32 s1, s31  }
0xc4: {  	[tilespmem:s15], [sflag:$0x1] =	stream.linear.gather [hbm4b:s31+s3], $0x500, $0x38;
	[tilespmem:$0x7720] =	vst v63  }
0xc5: {  	s28 =	rddreg [dreg:$0x7];
	s30 =	sadd.s32 s1, s29  }
0xc6: {  	[tilespmem:s16], [sflag:$0x1] =	stream.linear.gather [hbm4b:s30+s3], $0x500, $0x38;
	[tilespmem:$0x7720] =	vst v63  }
0xc7: {  	s31 =	rddreg [dreg:$0x6];
	s30 =	sadd.s32 s1, s28  }
0xc8: {  	[tilespmem:s17], [sflag:$0x1] =	stream.linear.gather [hbm4b:s30+s3], $0x500, $0x38;
	[tilespmem:$0x7720] =	vst v63  }
0xc9: {  	s31 =	sadd.s32 s1, s31;
	s28 =	rddreg [dreg:$0x5]  }
0xca: {  	[tilespmem:s18], [sflag:$0x1] =	stream.linear.gather [hbm4b:s31+s3], $0x500, $0x38;
	[tilespmem:$0x7720] =	vst v63  }
0xcb: {  	s30 =	rddreg [dreg:$0x4];
	s31 =	sadd.s32 s1, s28  }
0xcc: {  	[tilespmem:s19], [sflag:$0x1] =	stream.linear.gather [hbm4b:s31+s3], $0x500, $0x38;
	[tilespmem:$0x7720] =	vst v63  }
0xcd: {  	s1 =	sadd.s32 s1, s30  }
0xce: {  	[tilespmem:s20], [sflag:$0x1] =	stream.linear.gather [hbm4b:s1+s3], $0x500, $0x38;
	[tilespmem:$0x7720] =	vst v63  }
0xcf: {  	_ =	swait.ge [sflag:s21], $0x500  }
0xd0: {  	[sflag:s21] =	ssyncset.done $0x0  }
0xd1: {  	[sflag:s21] =	ssyncadd.s32 $0xFFFFFB00  }
0xd2: {  	_ =	swait.ge [sflag:s21], $0x500  }
0xd3: {  	[sflag:s21] =	ssyncset.done $0x0  }
0xd4: {  	[sflag:s21] =	ssyncadd.s32 $0xFFFFFB00  }
0xd5: {  	_ =	swait.ge [sflag:s21], $0x500  }
0xd6: {  	[sflag:s21] =	ssyncset.done $0x0  }
0xd7: {  	[sflag:s21] =	ssyncadd.s32 $0xFFFFFB00  }
0xd8: {  	_ =	swait.ge [sflag:s21], $0x500  }
0xd9: {  	[sflag:s21] =	ssyncset.done $0x0  }
0xda: {  	[sflag:s21] =	ssyncadd.s32 $0xFFFFFB00  }
0xdb: {  	_ =	swait.ge [sflag:s21], $0x500  }
0xdc: {  	[sflag:s21] =	ssyncset.done $0x0  }
0xdd: {  	[sflag:s21] =	ssyncadd.s32 $0xFFFFFB00  }
0xde: {  	_ =	swait.ge [sflag:s21], $0x500  }
0xdf: {  	[sflag:s21] =	ssyncset.done $0x0  }
0xe0: {  	[sflag:s21] =	ssyncadd.s32 $0xFFFFFB00  }
0xe1: {  	_ =	swait.ge [sflag:s21], $0x500  }
0xe2: {  	[sflag:s21] =	ssyncset.done $0x0  }
0xe3: {  	[sflag:s21] =	ssyncadd.s32 $0xFFFFFB00  }
0xe4: {  	_ =	swait.ge [sflag:s21], $0x500  }
0xe5: {  	[sflag:s21] =	ssyncset.done $0x0  }
0xe6: {  	s1 =	sshra.s32 s25, $0x2;
	[sflag:s21] =	ssyncadd.s32 $0xFFFFFB00  }
0xe7: {  	[spmem:s2] =	stream.indirect.scatter.add.f32 [tilespmem:s13], [sflag:$0x2], $0x10, s1, s22, $0xb8;
	[tilespmem:$0x7720] =	vst v63  }
0xe8: {  	s25 =	sadd.s32 $0x50, s1  }
0xe9: {  	[spmem:s2] =	stream.indirect.scatter.add.f32 [tilespmem:s14], [sflag:$0x2], $0x10, s25, s22, $0xb8;
	[tilespmem:$0x7720] =	vst v63  }
0xea: {  	s26 =	sadd.s32 $0xA0, s1  }
0xeb: {  	[spmem:s2] =	stream.indirect.scatter.add.f32 [tilespmem:s15], [sflag:$0x2], $0x10, s26, s22, $0xb8;
	[tilespmem:$0x7720] =	vst v63  }
0xec: {  	s28 =	sadd.s32 $0xF0, s1  }
0xed: {  	[spmem:s2] =	stream.indirect.scatter.add.f32 [tilespmem:s16], [sflag:$0x2], $0x10, s28, s22, $0xb8;
	[tilespmem:$0x7720] =	vst v63  }
0xee: {  	s29 =	sadd.s32 $0x140, s1  }
0xef: {  	[spmem:s2] =	stream.indirect.scatter.add.f32 [tilespmem:s17], [sflag:$0x2], $0x10, s29, s22, $0xb8;
	[tilespmem:$0x7720] =	vst v63  }
0xf0: {  	s30 =	sadd.s32 $0x190, s1  }
0xf1: {  	[spmem:s2] =	stream.indirect.scatter.add.f32 [tilespmem:s18], [sflag:$0x2], $0x10, s30, s22, $0xb8;
	[tilespmem:$0x7720] =	vst v63  }
0xf2: {  	s31 =	sadd.s32 $0x1E0, s1  }
0xf3: {  	[spmem:s2] =	stream.indirect.scatter.add.f32 [tilespmem:s19], [sflag:$0x2], $0x10, s31, s22, $0xb8;
	[tilespmem:$0x7720] =	vst v63  }
0xf4: {  	s1 =	sadd.s32 $0x230, s1  }
0xf5: {  	[spmem:s2] =	stream.indirect.scatter.add.f32 [tilespmem:s20], [sflag:$0x2], $0x10, s1, s22, $0xb8;
	[tilespmem:$0x7720] =	vst v63  }
0xf6: {  	_ =	swait.ge [sflag:s23], $0x500  }
0xf7: {  	[sflag:s23] =	ssyncset.done $0x0  }
0xf8: {  	[sflag:s23] =	ssyncadd.s32 $0xFFFFFB00  }
0xf9: {  	_ =	swait.ge [sflag:s23], $0x500  }
0xfa: {  	[sflag:s23] =	ssyncset.done $0x0  }
0xfb: {  	[sflag:s23] =	ssyncadd.s32 $0xFFFFFB00  }
0xfc: {  	_ =	swait.ge [sflag:s23], $0x500  }
0xfd: {  	[sflag:s23] =	ssyncset.done $0x0  }
0xfe: {  	[sflag:s23] =	ssyncadd.s32 $0xFFFFFB00  }
0xff: {  	_ =	swait.ge [sflag:s23], $0x500  }
0x100: {  	[sflag:s23] =	ssyncset.done $0x0  }
0x101: {  	[sflag:s23] =	ssyncadd.s32 $0xFFFFFB00  }
0x102: {  	_ =	swait.ge [sflag:s23], $0x500  }
0x103: {  	[sflag:s23] =	ssyncset.done $0x0  }
0x104: {  	[sflag:s23] =	ssyncadd.s32 $0xFFFFFB00  }
0x105: {  	_ =	swait.ge [sflag:s23], $0x500  }
0x106: {  	[sflag:s23] =	ssyncset.done $0x0  }
0x107: {  	[sflag:s23] =	ssyncadd.s32 $0xFFFFFB00  }
0x108: {  	_ =	swait.ge [sflag:s23], $0x500  }
0x109: {  	[sflag:s23] =	ssyncset.done $0x0  }
0x10a: {  	[sflag:s23] =	ssyncadd.s32 $0xFFFFFB00  }
0x10b: {  	_ =	swait.ge [sflag:s23], $0x500  }
0x10c: {  	s24 =	sadd.s32 $0x1, s24;
	[sflag:s23] =	ssyncset.done $0x0  }
0x10d: {  	p0 =	sne.s32 s24, s9;
	[sflag:s23] =	ssyncadd.s32 $0xFFFFFB00  }
.Ltmp1:
0x10e: {  	[bflag:$0x0] =	sbarrier.arrive $0xFFFF;
	(pc) =	sbr.rel @p0 .LBB2_1-.Ltmp1, $4  }
0x10f: {  	[hbm:s8], [sflag:s6] =	dma.local [spmem:s11], $0x4E4  }
0x110: {  	_ =	swait.ge [sflag:s12], $0x4E4  }
0x111: {  	[sflag:s12] =	ssyncset.done $0x0  }
0x112: {  	[sflag:s12] =	ssyncadd.s32 $0xFFFFFB1C  }
0x113: {  	_ =	sfence.sel $0x180000  }
0x114: {  	[bflag:$0x0] =	sbarrier.arrive $0xFFFF  }
0x115: {  	_ =	strace $0x90000053  }
0x116: {  	[bflag:$0x2] =	sbarrier.arrive $0xFFFF  }
0x117: {  	p0 =	sne.s32 s0, $0x0;
	s0 =	rddreg [dreg:$0x2]  }
0x118: {  	s0 =	sadd.s32 @!p0 $0x100000, s0  }
0x119: {  	[sflag:s0] =	ssyncadd.tile.s32 @!p0 $0x1;
	_ =	shalt  }
.Lfunc_end2:
_tile_overlayer_lowered:
.L_overlay_start_2:
0x11a: {  	(tag) =	ssettag $0x2  }
0x11b: {  	s0 =	rddreg [dreg:$0x0];
	s2 =	stileid.u32  }
0x11c: {  	s1 =	rddreg [dreg:$0x1];
	p0 =	sne.s32 s2, $0x0  }
0x11d: {  	s3 =	rddreg [dreg:$0x2];
	[bflag:$0x3] =	sbarrier.arrive $0xFFFF;
	s2 =	simm.s32 @!p0 $0x1C03  }
0x11e: {  	[timem:s3], [sflag:s2] =	dma.local @!p0 [hbm:s0], s1  }
0x11f: {  	s0 =	simm.s32 @!p0 $0x3  }
0x120: {  	_ =	swait.ge @!p0 [sflag:s0], s1  }
0x121: {  	s1 =	ssub.s32 @!p0 $0x0, s1;
	[sflag:s0] =	ssyncset.done @!p0 $0x0  }
0x122: {  	[sflag:s0] =	ssyncadd.s32 @!p0 s1  }
0x123: {  	[bflag:$0x3] =	sbarrier.arrive $0xFFFF  }
0x124: {  	_ =	shalt  }

// kernel: kernel.7.cloned.1.call-start
scs
__scs_entry_jumppad:
0x0: {  	(pc) =	sbr.rel $0x88, $3  }
0x1: {  	(tag) =	ssettag $0x0;
	lr =	simm.s32 $0x1  }
0x2: {  	[smem:$0x3F97] =	sst lr;
	_ =	strace $0xD0000000  }
0x3: {  	_ = 	snop  }
0x4: {  	_ = 	snop  }
0x5: {  	_ = 	snop  }
0x6: {  	_ = 	snop  }
0x7: {  	_ = 	snop  }
__scs_overlays_trampoline_lowered:
0x8: {  	[smem:$0x3FA6] =	sst s0  }
0x9: {  	[smem:$0x3FA7] =	sst s1  }
0xa: {  	[smem:$0x3FA8] =	sst s2  }
0xb: {  	[smem:$0x3FA9] =	sst s3  }
0xc: {  	[smem:$0x3FAA] =	sst s4  }
0xd: {  	[smem:$0x3FAB] =	sst s5  }
0xe: {  	[smem:$0x3FAC] =	sst s6  }
0xf: {  	[smem:$0x3FAD] =	sst s7  }
0x10: {  	[smem:$0x3FAE] =	sst s8  }
0x11: {  	[smem:$0x3FAF] =	sst s9;
	s0 =	simm.s32 @!p0 $0x0  }
0x12: {  	s1 =	sld [smem:$0x3F95];
	s0 =	simm.s32 @p0 $0x1  }
0x13: {  	[smem:$0x3FB0] =	sst s0;
	s0 =	simm.s32 @!p1 $0x0  }
0x14: {  	s2 =	sld [smem:$0x3F94];
	s0 =	simm.s32 @p1 $0x1  }
0x15: {  	[smem:$0x3FB1] =	sst s0;
	s0 =	simm.s32 @!p2 $0x0  }
0x16: {  	s3 =	sld [smem:$0x3FDB];
	s0 =	simm.s32 @p2 $0x1  }
0x17: {  	s4 =	simm.s32 $0x1BF5;
	[smem:$0x3FB3] =	sst s0  }
0x18: {  	s0 =	sld [smem:$0x3F96];
	_ =	swait.ge [sflag:s4], $0x0  }
0x19: {  	s7 =	sld [smem:$0x3F97]  }
0x1a: {  	s8 =	sadd.s32 $0xFFFFE003, lr  }
0x1b: {  	s9 =	sadd.s32 $0xFFFFFEF7, lr;
	s5 =	simm.s32 $0xFFFFFFFF;
	p2 =	slt.u32 s8, $0xFFFFF086  }
0x1c: {  	p1 =	slt.u32 s9, $0xF7A;
	s5 =	simm.s32 @!p2 $0x0  }
0x1d: {  	s5 =	simm.s32 @p1 $0x1;
	p0 =	seq.s32 s7, s2  }
0x1e: {  	s7 =	smul.u32 @!p0 $0xF7A, s2;
	p2 =	seq.s32 @!p0 s5, $0x0  }
0x1f: {  	s9 =	smul.u32 $0xF7A, s1;
	s8 =	simm.s32 @!p0 $0x1BF5;
	p2 =	por !p2, p0  }
0x20: {  	[sflag:s8] =	ssyncset.s32 @!p0 $0xFFFFF086;
	s6 =	sadd.s32 @!p0 s3, s7;
	s7 =	simm.s32 @!p0 $0x108  }
0x21: {  	s3 =	sadd.s32 s3, s9;
	s6 =	sadd.s32 @!p0 $0x88, s6;
	s7 =	simm.s32 @p2 $0x1082  }
0x22: {  	[simem:s7], [sflag:s8] =	dma.local @!p0 [hbm:s6], $0xF7A  }
0x23: {  	s9 =	sor.u32 $0xD0000000, s2;
	s6 =	simm.s32 $0x108;
	_ =	swait.ge @!p0 [sflag:s8], $0x0  }
0x24: {  	s3 =	sadd.s32 $0x88, s3;
	s6 =	simm.s32 @!p1 $0x1082;
	[sflag:s4] =	ssyncset.s32 $0xFFFFF086  }
0x25: {  	[simem:s6], [sflag:s4] =	dma.local [hbm:s3], $0xF7A  }
0x26: {  	[smem:$0x3F97] =	sst s1;
	(tag) =	ssettag s2;
	_ =	strace s9  }
0x27: {  	s1 =	sld [smem:$0x3FA7]  }
0x28: {  	s2 =	sld [smem:$0x3FA8]  }
0x29: {  	s4 =	sld [smem:$0x3FAA]  }
0x2a: {  	p0 =	seq.s32 s5, $0x0;
	s5 =	sld [smem:$0x3FAB]  }
0x2b: {  	s6 =	sld [smem:$0x3FAC]  }
0x2c: {  	s7 =	sld [smem:$0x3FAD]  }
0x2d: {  	s3 =	simm.s32 $0x108;
	s8 =	sld [smem:$0x3FAE]  }
0x2e: {  	s3 =	simm.s32 @!p0 $0x1082;
	s9 =	sld [smem:$0x3FAF]  }
0x2f: {  	lr =	sadd.s32 s0, s3;
	s0 =	sld [smem:$0x3FA6]  }
0x30: {  	s3 =	sld [smem:$0x3FA9]  }
0x31: {  	[smem:$0x3FB2] =	sst s10  }
0x32: {  	s10 =	sld [smem:$0x3FB0];
	_ =	sdelay $0x3  }
0x33: {  	p0 =	seq.s32 s10, $0x1;
	s10 =	sld [smem:$0x3FB2];
	_ =	sdelay $0x3  }
0x34: {  	[smem:$0x3FB2] =	sst s10  }
0x35: {  	s10 =	sld [smem:$0x3FB1];
	_ =	sdelay $0x3  }
0x36: {  	p1 =	seq.s32 s10, $0x1;
	s10 =	sld [smem:$0x3FB2];
	_ =	sdelay $0x3  }
0x37: {  	[smem:$0x3FB2] =	sst s10  }
0x38: {  	s10 =	sld [smem:$0x3FB3]  }
0x39: {  	_ = 	snop;
	(pc) =	sbr.ind lr, $3  }
0x3a: {  	_ = 	snop  }
0x3b: {  	_ = 	snop  }
0x3c: {  	p2 =	seq.s32 s10, $0x1;
	s10 =	sld [smem:$0x3FB2]  }
0x3d: {  	_ =	shalt  }
0x3e: {  	_ =	shalt  }
0x3f: {  	_ =	shalt  }
0x40: {  	_ =	shalt  }
0x41: {  	_ =	shalt  }
0x42: {  	_ =	shalt  }
0x43: {  	_ =	shalt  }
0x44: {  	_ =	shalt  }
0x45: {  	_ =	shalt  }
0x46: {  	_ =	shalt  }
0x47: {  	_ =	shalt  }
0x48: {  	_ =	shalt  }
0x49: {  	_ =	shalt  }
0x4a: {  	_ =	shalt  }
0x4b: {  	_ =	shalt  }
0x4c: {  	_ =	shalt  }
0x4d: {  	_ =	shalt  }
0x4e: {  	_ =	shalt  }
0x4f: {  	_ =	shalt  }
0x50: {  	_ =	shalt  }
0x51: {  	_ =	shalt  }
0x52: {  	_ =	shalt  }
0x53: {  	_ =	shalt  }
0x54: {  	_ =	shalt  }
0x55: {  	_ =	shalt  }
0x56: {  	_ =	shalt  }
0x57: {  	_ =	shalt  }
0x58: {  	_ =	shalt  }
0x59: {  	_ =	shalt  }
0x5a: {  	_ =	shalt  }
0x5b: {  	_ =	shalt  }
0x5c: {  	_ =	shalt  }
0x5d: {  	_ =	shalt  }
0x5e: {  	_ =	shalt  }
0x5f: {  	_ =	shalt  }
0x60: {  	_ =	shalt  }
0x61: {  	_ =	shalt  }
0x62: {  	_ =	shalt  }
0x63: {  	_ =	shalt  }
0x64: {  	_ =	shalt  }
0x65: {  	_ =	shalt  }
0x66: {  	_ =	shalt  }
0x67: {  	_ =	shalt  }
0x68: {  	_ =	shalt  }
0x69: {  	_ =	shalt  }
0x6a: {  	_ =	shalt  }
0x6b: {  	_ =	shalt  }
0x6c: {  	_ =	shalt  }
0x6d: {  	_ =	shalt  }
0x6e: {  	_ =	shalt  }
0x6f: {  	_ =	shalt  }
0x70: {  	_ =	shalt  }
0x71: {  	_ =	shalt  }
0x72: {  	_ =	shalt  }
0x73: {  	_ =	shalt  }
0x74: {  	_ =	shalt  }
0x75: {  	_ =	shalt  }
0x76: {  	_ =	shalt  }
0x77: {  	_ =	shalt  }
0x78: {  	_ =	shalt  }
0x79: {  	_ =	shalt  }
0x7a: {  	_ =	shalt  }
0x7b: {  	_ =	shalt  }
0x7c: {  	_ =	shalt  }
0x7d: {  	_ =	shalt  }
0x7e: {  	_ =	shalt  }
0x7f: {  	_ =	shalt  }
0x80: {  	_ =	shalt  }
0x81: {  	_ =	shalt  }
0x82: {  	_ =	shalt  }
0x83: {  	_ =	shalt  }
0x84: {  	_ =	shalt  }
0x85: {  	_ =	shalt  }
0x86: {  	_ =	shalt  }
0x87: {  	_ =	shalt  }
.Lfunc_end0:
.L_simem_size_0:
called_computation.3_lowered:
.L_overlay_start_0:
0x88: {  	s2 =	sld [smem:$0x3FD9]  }
0x89: {  	s3 =	sld [smem:$0x3FFE];
	_ =	sdelay $0x1  }
0x8a: {  	s1 =	srdreg.scid  }
0x8b: {  	s0 =	sand.u32 $0x1, s1  }
0x8c: {  	s16 =	sshll.u32 s0, $0xA;
	s2 =	sadd.s32 s3, s2  }
0x8d: {  	s2 =	sadd.s32 s2, s16  }
0x8e: {  	[smem:$0x3FBE] =	sst s2  }
0x8f: {  	_ = 	snop  }
0x90: {  	(tm) =	ssettm $0x1  }
0x91: {  	s17 =	sld [smem:$0x3FFB];
	_ =	sdelay $0x3  }
0x92: {  	_ =	strace s17  }
0x93: {  	s2 =	sld [smem:$0x3FFC];
	_ =	sdelay $0x3  }
0x94: {  	_ =	strace s2  }
0x95: {  	s2 =	sld [smem:$0x3FFD];
	_ =	sdelay $0x3  }
0x96: {  	_ =	strace s2  }
0x97: {  	_ =	strace $0x8FFFFFFF  }
0x98: {  	s18 =	sld [smem:$0x3FDB];
	_ =	sdelay $0x1  }
0x99: {  	s19 =	simm.s32 $_scs_section_size  }
0x9a: {  	s4 =	simm.s32 $_size__tile_overlayer_lowered;
	s5 =	simm.s32 $_tile_overlayer_lowered  }
0x9b: {  	s22 =	simm.s32 $0x1BFF;
	s21 =	sshll.u32 s5, $0x1;
	s2 =	sadd.s32 s19, s18  }
0x9c: {  	s6 =	simm.s32 $0x0;
	s20 =	sshll.u32 s4, $0x1;
	s4 =	sadd.s32 s21, s2  }
0x9d: {  	[timem:s6], [sflag:s22] =	dma.local [hbm:s4], s20  }
0x9e: {  	_ =	swait.ge [sflag:s22], s20  }
0x9f: {  	s3 =	ssub.s32 $0x0, s20;
	[sflag:s22] =	ssyncset.done $0x0  }
0xa0: {  	[sflag:s22] =	ssyncadd.s32 s3;
	_ =	sdelay $0x1  }
0xa1: {  	s23 =	simm.s32 $0x1B8B  }
0xa2: {  	_ =	swait.ge [sflag:s23], $0x1  }
0xa3: {  	[sflag:s23] =	ssyncset.done $0x0  }
0xa4: {  	s25 =	simm.s32 $0x1B8E;
	s24 =	sld [smem:$0x3FFE];
	[sflag:s23] =	ssyncadd.s32 $0xFFFFFFFF  }
0xa5: {  	s26 =	simm.s32 $execute0_lowered;
	[smem:$0x3FD2] =	sst s25  }
0xa6: {  	s4 =	sshll.u32 s26, $0x1;
	_ =	strace $0x8000004C;
	[dreg:$0x1] =	wrdreg $0xFFFFFFFF  }
0xa7: {  	s28 =	simm.s32 $_size_execute0_lowered;
	s2 =	sadd.s32 s2, s4;
	[dreg:$0x0] =	wrdreg $0x0  }
0xa8: {  	s4 =	sshll.u32 s28, $0x1;
	[dreg:$0x2] =	wrdreg s2  }
0xa9: {  	[dreg:$0x3] =	wrdreg s4  }
0xaa: {  	[dreg:$0x4] =	wrdreg $0xC0  }
0xab: {  	_ =	task [dreg:s6], $0x5FFFF  }
0xac: {  	[dreg:$0x1] =	wrdreg $0xFFFFFFFF  }
0xad: {  	[dreg:$0x0] =	wrdreg $0x60  }
0xae: {  	[dreg:$0x2] =	wrdreg s24  }
0xaf: {  	[dreg:$0x3] =	wrdreg $0xA  }
0xb0: {  	_ =	task.clear_ibuf [dreg:s6], $0x4FFFF;
	_ =	strace $0x9000004C  }
0xb1: {  	s29 =	simm.s32 $0xA;
	_ =	strace $0x8000004E  }
0xb2: {  	_ =	swait.ge [sflag:s29], $0x1  }
0xb3: {  	[sflag:s29] =	ssyncadd.s32 $0xFFFFFFFF  }
0xb4: {  	_ =	strace $0x9000004E  }
0xb5: {  	_ =	sfence  }
0xb6: {  	s30 =	sld [smem:$0x0];
	_ =	sdelay $0x2  }
0xb7: {  	s31 =	sshll.u32 s1, $0xD;
	s1 =	sshrl.u32 s1, $0x2  }
0xb8: {  	s3 =	sand.u32 $0x4000, s31;
	s1 =	sadd.s32 s1, s30  }
0xb9: {  	s0 =	sor.u32 s3, s0;
	s1 =	sshll.u32 s1, $0x11  }
0xba: {  	s0 =	sor.u32 s1, s0  }
0xbb: {  	s0 =	sadd.s32 $0x8F2B, s0  }
0xbc: {  	[sflag:s0] =	ssyncadd.remote.s32 $0x1  }
0xbd: {  	_ =	sfence.sel $0xFFFF  }
0xbe: {  	[dreg:$0x0] =	wrdreg $0xFFFFFFFF;
	(pc) =	sbr.abs _section_cstart, $3  }
0xbf: {  	[dreg:$0x1] =	wrdreg $0xFFFFFFFF  }
0xc0: {  	_ =	task.clear_ibuf [dreg:s6], $0x2FFFF;
	_ =	strace $0x9FFFFFFF  }
0xc1: {  	(tm) =	ssettm $0x7FFFFFFF  }
tec
execute0_lowered:
.L_overlay_start_1:
0x0: {  	(tag) =	ssettag $0x1  }
0x1: {  	s1 =	srdreg.scid  }
0x2: {  	s0 =	stileid.u32;
	s5 =	rddreg [dreg:$0x0];
	s2 =	simm.s32 $0x0  }
0x3: {  	s11 =	simm.s32 $0x2D00;
	s12 =	simm.s32 $0x3200;
	s13 =	simm.s32 $0x3700  }
0x4: {  	s14 =	simm.s32 $0x3C00;
	s4 =	sand.u32 $0x1, s1;
	s1 =	rddreg [dreg:$0x1]  }
0x5: {  	s15 =	sshll.u32 s0, $0x1;
	[smem:$0x7FF] =	sst s2;
	s7 =	smul.u32 $0x50000, s0  }
0x6: {  	s9 =	sadd.s32 $0x52E00, s5;
	s3 =	sor.u32 s4, s15;
	s8 =	smul.u32 $0x28000, s4  }
0x7: {  	_ =	strace $0x8000004D;
	s4 =	ssub.s32 $0x2, s4;
	s6 =	smul.u32 $0x500, s3  }
0x8: {  	s15 =	simm.s32 $0x4100;
	s3 =	sadd.s32 $0x3600, s5;
	s16 =	sshrl.u32 s4, $0x1  }
0x9: {  	s7 =	sadd.s32 s8, s7;
	s6 =	sadd.s32 s6, s5;
	s5 =	ssub.s32 s4, s16  }
0xa: {  	s8 =	sshrl.u32 s7, $0x3;
	s10 =	sor.u32 $0x2300, s7;
	s20 =	sor.u32 $0x1E00, s7  }
0xb: {  	s22 =	sor.u32 $0x1900, s7;
	s23 =	sor.u32 $0x1400, s7;
	s28 =	sor.u32 $0xF00, s7  }
0xc: {  	s30 =	sor.u32 $0xA00, s7;
	s7 =	sor.u32 $0x500, s7;
	s16 =	simm.s32 $0x4600  }
0xd: {  	s4 =	sadd.s32 $0x48E00, s6;
	s17 =	sadd.s32 s8, s9;
	s18 =	sshrl.u32 s10, $0x3  }
0xe: {  	s21 =	sshrl.u32 s20, $0x3;
	s8 =	sshrl.u32 s22, $0x3;
	s25 =	sshrl.u32 s23, $0x3  }
0xf: {  	s5 =	smax.u32 s5, $0x1;
	s29 =	sshrl.u32 s28, $0x3;
	s31 =	sshrl.u32 s30, $0x3  }
0x10: {  	s7 =	sshrl.u32 s7, $0x3;
	s10 =	simm.s32 $0x2800;
	s20 =	simm.s32 $0x0  }
0x11: {  	[dreg:$0x2] =	wrdreg s17;
	s19 =	sadd.s32 s18, s9;
	s6 =	sadd.s32 s21, s9  }
0x12: {  	s24 =	sadd.s32 s8, s9;
	s26 =	sadd.s32 s25, s9;
	[dreg:$0x3] =	wrdreg s19  }
0x13: {  	s7 =	sadd.s32 s7, s9;
	s8 =	simm.s32 $0x3;
	[dreg:$0x4] =	wrdreg s6  }
0x14: {  	s17 =	simm.s32 $0x4B00;
	s18 =	simm.s32 $0x1;
	[dreg:$0x5] =	wrdreg s24  }
0x15: {  	[dreg:$0x6] =	wrdreg s26;
	s6 =	sadd.s32 s29, s9;
	s19 =	simm.s32 $0x2  }
0x16: {  	[dreg:$0x7] =	wrdreg s6;
	s6 =	sadd.s32 s31, s9;
	s9 =	simm.s32 $0x50  }
.LBB2_1:
0x17: {  	[tilespmem:s2], [sflag:$0x3] =	stream.linear.gather [hbm4b:s4+s2], $0x2800, $0x38;
	[tilespmem:$0x5000] =	vst v63  }
0x18: {  	_ =	swait.ge [sflag:s8], $0x2800  }
0x19: {  	[sflag:s8] =	ssyncset.done $0x0  }
0x1a: {  	[sflag:s8] =	ssyncadd.s32 $0xFFFFD800  }
0x1b: {  	[tilespmem:s10], [sflag:$0x1] =	stream.indirect.gather [hbm4b:s3+s9], $0x10, s2, s9, $0xb8;
	[tilespmem:$0x5000] =	vst v63  }
0x1c: {  	s21 =	simm.s32 $0x50  }
0x1d: {  	[tilespmem:s11], [sflag:$0x1] =	stream.indirect.gather [hbm4b:s3+s9], $0x10, s21, s9, $0xb8;
	[tilespmem:$0x5000] =	vst v63  }
0x1e: {  	s22 =	simm.s32 $0xA0  }
0x1f: {  	[tilespmem:s12], [sflag:$0x1] =	stream.indirect.gather [hbm4b:s3+s9], $0x10, s22, s9, $0xb8;
	[tilespmem:$0x5000] =	vst v63  }
0x20: {  	s23 =	simm.s32 $0xF0  }
0x21: {  	[tilespmem:s13], [sflag:$0x1] =	stream.indirect.gather [hbm4b:s3+s9], $0x10, s23, s9, $0xb8;
	[tilespmem:$0x5000] =	vst v63  }
0x22: {  	s24 =	simm.s32 $0x140  }
0x23: {  	[tilespmem:s14], [sflag:$0x1] =	stream.indirect.gather [hbm4b:s3+s9], $0x10, s24, s9, $0xb8;
	[tilespmem:$0x5000] =	vst v63  }
0x24: {  	s25 =	simm.s32 $0x190  }
0x25: {  	[tilespmem:s15], [sflag:$0x1] =	stream.indirect.gather [hbm4b:s3+s9], $0x10, s25, s9, $0xb8;
	[tilespmem:$0x5000] =	vst v63  }
0x26: {  	s26 =	simm.s32 $0x1E0  }
0x27: {  	[tilespmem:s16], [sflag:$0x1] =	stream.indirect.gather [hbm4b:s3+s9], $0x10, s26, s9, $0xb8;
	[tilespmem:$0x5000] =	vst v63  }
0x28: {  	s28 =	simm.s32 $0x230  }
0x29: {  	[tilespmem:s17], [sflag:$0x1] =	stream.indirect.gather [hbm4b:s3+s9], $0x10, s28, s9, $0xb8;
	[tilespmem:$0x5000] =	vst v63  }
0x2a: {  	_ =	swait.ge [sflag:s18], $0x500  }
0x2b: {  	[sflag:s18] =	ssyncset.done $0x0  }
0x2c: {  	[sflag:s18] =	ssyncadd.s32 $0xFFFFFB00  }
0x2d: {  	_ =	swait.ge [sflag:s18], $0x500  }
0x2e: {  	[sflag:s18] =	ssyncset.done $0x0  }
0x2f: {  	[sflag:s18] =	ssyncadd.s32 $0xFFFFFB00  }
0x30: {  	_ =	swait.ge [sflag:s18], $0x500  }
0x31: {  	[sflag:s18] =	ssyncset.done $0x0  }
0x32: {  	[sflag:s18] =	ssyncadd.s32 $0xFFFFFB00  }
0x33: {  	_ =	swait.ge [sflag:s18], $0x500  }
0x34: {  	[sflag:s18] =	ssyncset.done $0x0  }
0x35: {  	[sflag:s18] =	ssyncadd.s32 $0xFFFFFB00  }
0x36: {  	_ =	swait.ge [sflag:s18], $0x500  }
0x37: {  	[sflag:s18] =	ssyncset.done $0x0  }
0x38: {  	[sflag:s18] =	ssyncadd.s32 $0xFFFFFB00  }
0x39: {  	_ =	swait.ge [sflag:s18], $0x500  }
0x3a: {  	[sflag:s18] =	ssyncset.done $0x0  }
0x3b: {  	[sflag:s18] =	ssyncadd.s32 $0xFFFFFB00  }
0x3c: {  	_ =	swait.ge [sflag:s18], $0x500  }
0x3d: {  	[sflag:s18] =	ssyncset.done $0x0  }
0x3e: {  	[sflag:s18] =	ssyncadd.s32 $0xFFFFFB00  }
0x3f: {  	_ =	swait.ge [sflag:s18], $0x500  }
0x40: {  	s29 =	rddreg [dreg:$0x2];
	[sflag:s18] =	ssyncset.done $0x0  }
0x41: {  	[sflag:s18] =	ssyncadd.s32 $0xFFFFFB00;
	s21 =	sadd.s32 $0x0, s29  }
0x42: {  	[hbm4b:s21+s2] =	stream.linear.scatter [tilespmem:s10], [sflag:$0x2], $0x500, $0x38;
	[tilespmem:$0x5000] =	vst v63  }
0x43: {  	s30 =	sadd.s32 $0x0, s7  }
0x44: {  	[hbm4b:s30+s2] =	stream.linear.scatter [tilespmem:s11], [sflag:$0x2], $0x500, $0x38;
	[tilespmem:$0x5000] =	vst v63  }
0x45: {  	s31 =	sadd.s32 $0x0, s6;
	s22 =	rddreg [dreg:$0x7]  }
0x46: {  	[hbm4b:s31+s2] =	stream.linear.scatter [tilespmem:s12], [sflag:$0x2], $0x500, $0x38;
	[tilespmem:$0x5000] =	vst v63  }
0x47: {  	s23 =	rddreg [dreg:$0x6];
	s22 =	sadd.s32 $0x0, s22  }
0x48: {  	[hbm4b:s22+s2] =	stream.linear.scatter [tilespmem:s13], [sflag:$0x2], $0x500, $0x38;
	[tilespmem:$0x5000] =	vst v63  }
0x49: {  	s24 =	rddreg [dreg:$0x5];
	s25 =	sadd.s32 $0x0, s23  }
0x4a: {  	[hbm4b:s25+s2] =	stream.linear.scatter [tilespmem:s14], [sflag:$0x2], $0x500, $0x38;
	[tilespmem:$0x5000] =	vst v63  }
0x4b: {  	s26 =	rddreg [dreg:$0x4];
	s28 =	sadd.s32 $0x0, s24  }
0x4c: {  	[hbm4b:s28+s2] =	stream.linear.scatter [tilespmem:s15], [sflag:$0x2], $0x500, $0x38;
	[tilespmem:$0x5000] =	vst v63  }
0x4d: {  	s29 =	rddreg [dreg:$0x3];
	s30 =	sadd.s32 $0x0, s26  }
0x4e: {  	[hbm4b:s30+s2] =	stream.linear.scatter [tilespmem:s16], [sflag:$0x2], $0x500, $0x38;
	[tilespmem:$0x5000] =	vst v63  }
0x4f: {  	s31 =	sadd.s32 $0x0, s29  }
0x50: {  	[hbm4b:s31+s2] =	stream.linear.scatter [tilespmem:s17], [sflag:$0x2], $0x500, $0x38;
	[tilespmem:$0x5000] =	vst v63  }
0x51: {  	_ =	swait.ge [sflag:s19], $0x500  }
0x52: {  	[sflag:s19] =	ssyncset.done $0x0  }
0x53: {  	[sflag:s19] =	ssyncadd.s32 $0xFFFFFB00  }
0x54: {  	_ =	swait.ge [sflag:s19], $0x500  }
0x55: {  	[sflag:s19] =	ssyncset.done $0x0  }
0x56: {  	[sflag:s19] =	ssyncadd.s32 $0xFFFFFB00  }
0x57: {  	_ =	swait.ge [sflag:s19], $0x500  }
0x58: {  	[sflag:s19] =	ssyncset.done $0x0  }
0x59: {  	[sflag:s19] =	ssyncadd.s32 $0xFFFFFB00  }
0x5a: {  	_ =	swait.ge [sflag:s19], $0x500  }
0x5b: {  	[sflag:s19] =	ssyncset.done $0x0  }
0x5c: {  	[sflag:s19] =	ssyncadd.s32 $0xFFFFFB00  }
0x5d: {  	_ =	swait.ge [sflag:s19], $0x500  }
0x5e: {  	[sflag:s19] =	ssyncset.done $0x0  }
0x5f: {  	[sflag:s19] =	ssyncadd.s32 $0xFFFFFB00  }
0x60: {  	_ =	swait.ge [sflag:s19], $0x500  }
0x61: {  	[sflag:s19] =	ssyncset.done $0x0  }
0x62: {  	[sflag:s19] =	ssyncadd.s32 $0xFFFFFB00  }
0x63: {  	_ =	swait.ge [sflag:s19], $0x500  }
0x64: {  	[sflag:s19] =	ssyncset.done $0x0  }
0x65: {  	[sflag:s19] =	ssyncadd.s32 $0xFFFFFB00  }
0x66: {  	_ =	swait.ge [sflag:s19], $0x500  }
0x67: {  	s21 =	simm.s32 $0x500;
	s22 =	simm.s32 $0x0;
	[sflag:s19] =	ssyncset.done $0x0  }
.LBB2_2:
0x68: {  	[sflag:s19] =	ssyncadd.s32 $0xFFFFFB00;
	s22 =	sadd.s32 $0x280, s22  }
0x69: {  	[tilespmem:s10], [sflag:$0x1] =	stream.indirect.gather [hbm4b:s3+s9], $0x10, s22, s9, $0xb8;
	[tilespmem:$0x5000] =	vst v63  }
0x6a: {  	s24 =	sadd.s32 $0x50, s22  }
0x6b: {  	[tilespmem:s11], [sflag:$0x1] =	stream.indirect.gather [hbm4b:s3+s9], $0x10, s24, s9, $0xb8;
	[tilespmem:$0x5000] =	vst v63  }
0x6c: {  	s26 =	sadd.s32 $0xA0, s22  }
0x6d: {  	[tilespmem:s12], [sflag:$0x1] =	stream.indirect.gather [hbm4b:s3+s9], $0x10, s26, s9, $0xb8;
	[tilespmem:$0x5000] =	vst v63  }
0x6e: {  	s28 =	sadd.s32 $0xF0, s22  }
0x6f: {  	[tilespmem:s13], [sflag:$0x1] =	stream.indirect.gather [hbm4b:s3+s9], $0x10, s28, s9, $0xb8;
	[tilespmem:$0x5000] =	vst v63  }
0x70: {  	s29 =	sadd.s32 $0x140, s22  }
0x71: {  	[tilespmem:s14], [sflag:$0x1] =	stream.indirect.gather [hbm4b:s3+s9], $0x10, s29, s9, $0xb8;
	[tilespmem:$0x5000] =	vst v63  }
0x72: {  	s30 =	sadd.s32 $0x190, s22  }
0x73: {  	[tilespmem:s15], [sflag:$0x1] =	stream.indirect.gather [hbm4b:s3+s9], $0x10, s30, s9, $0xb8;
	[tilespmem:$0x5000] =	vst v63  }
0x74: {  	s31 =	sadd.s32 $0x1E0, s22  }
0x75: {  	[tilespmem:s16], [sflag:$0x1] =	stream.indirect.gather [hbm4b:s3+s9], $0x10, s31, s9, $0xb8;
	[tilespmem:$0x5000] =	vst v63  }
0x76: {  	s25 =	sadd.s32 $0x230, s22  }
0x77: {  	[tilespmem:s17], [sflag:$0x1] =	stream.indirect.gather [hbm4b:s3+s9], $0x10, s25, s9, $0xb8;
	[tilespmem:$0x5000] =	vst v63  }
0x78: {  	_ =	swait.ge [sflag:s18], $0x500  }
0x79: {  	[sflag:s18] =	ssyncset.done $0x0  }
0x7a: {  	[sflag:s18] =	ssyncadd.s32 $0xFFFFFB00  }
0x7b: {  	_ =	swait.ge [sflag:s18], $0x500  }
0x7c: {  	[sflag:s18] =	ssyncset.done $0x0  }
0x7d: {  	[sflag:s18] =	ssyncadd.s32 $0xFFFFFB00  }
0x7e: {  	_ =	swait.ge [sflag:s18], $0x500  }
0x7f: {  	[sflag:s18] =	ssyncset.done $0x0  }
0x80: {  	[sflag:s18] =	ssyncadd.s32 $0xFFFFFB00  }
0x81: {  	_ =	swait.ge [sflag:s18], $0x500  }
0x82: {  	[sflag:s18] =	ssyncset.done $0x0  }
0x83: {  	[sflag:s18] =	ssyncadd.s32 $0xFFFFFB00  }
0x84: {  	_ =	swait.ge [sflag:s18], $0x500  }
0x85: {  	[sflag:s18] =	ssyncset.done $0x0  }
0x86: {  	[sflag:s18] =	ssyncadd.s32 $0xFFFFFB00  }
0x87: {  	_ =	swait.ge [sflag:s18], $0x500  }
0x88: {  	[sflag:s18] =	ssyncset.done $0x0  }
0x89: {  	[sflag:s18] =	ssyncadd.s32 $0xFFFFFB00  }
0x8a: {  	_ =	swait.ge [sflag:s18], $0x500  }
0x8b: {  	[sflag:s18] =	ssyncset.done $0x0  }
0x8c: {  	[sflag:s18] =	ssyncadd.s32 $0xFFFFFB00  }
0x8d: {  	_ =	swait.ge [sflag:s18], $0x500  }
0x8e: {  	s23 =	smov.u32 s21;
	s26 =	rddreg [dreg:$0x2];
	[sflag:s18] =	ssyncset.done $0x0  }
0x8f: {  	[sflag:s18] =	ssyncadd.s32 $0xFFFFFB00;
	s24 =	sadd.s32 s23, s26  }
0x90: {  	[hbm4b:s24+s2] =	stream.linear.scatter [tilespmem:s10], [sflag:$0x2], $0x500, $0x38;
	[tilespmem:$0x5000] =	vst v63  }
0x91: {  	s28 =	sadd.s32 s23, s7  }
0x92: {  	[hbm4b:s28+s2] =	stream.linear.scatter [tilespmem:s11], [sflag:$0x2], $0x500, $0x38;
	[tilespmem:$0x5000] =	vst v63  }
0x93: {  	s29 =	sadd.s32 s23, s6;
	s25 =	rddreg [dreg:$0x7]  }
0x94: {  	[hbm4b:s29+s2] =	stream.linear.scatter [tilespmem:s12], [sflag:$0x2], $0x500, $0x38;
	[tilespmem:$0x5000] =	vst v63  }
0x95: {  	s26 =	rddreg [dreg:$0x6];
	s30 =	sadd.s32 s23, s25  }
0x96: {  	[hbm4b:s30+s2] =	stream.linear.scatter [tilespmem:s13], [sflag:$0x2], $0x500, $0x38;
	[tilespmem:$0x5000] =	vst v63  }
0x97: {  	s31 =	rddreg [dreg:$0x5];
	s26 =	sadd.s32 s23, s26  }
0x98: {  	[hbm4b:s26+s2] =	stream.linear.scatter [tilespmem:s14], [sflag:$0x2], $0x500, $0x38;
	[tilespmem:$0x5000] =	vst v63  }
0x99: {  	s28 =	rddreg [dreg:$0x4];
	s29 =	sadd.s32 s23, s31  }
0x9a: {  	[hbm4b:s29+s2] =	stream.linear.scatter [tilespmem:s15], [sflag:$0x2], $0x500, $0x38;
	[tilespmem:$0x5000] =	vst v63  }
0x9b: {  	s31 =	sadd.s32 s23, s28;
	s30 =	rddreg [dreg:$0x3]  }
0x9c: {  	[hbm4b:s31+s2] =	stream.linear.scatter [tilespmem:s16], [sflag:$0x2], $0x500, $0x38;
	[tilespmem:$0x5000] =	vst v63  }
0x9d: {  	s23 =	sadd.s32 s23, s30  }
0x9e: {  	[hbm4b:s23+s2] =	stream.linear.scatter [tilespmem:s17], [sflag:$0x2], $0x500, $0x38;
	[tilespmem:$0x5000] =	vst v63  }
0x9f: {  	_ =	swait.ge [sflag:s19], $0x500  }
0xa0: {  	[sflag:s19] =	ssyncset.done $0x0  }
0xa1: {  	[sflag:s19] =	ssyncadd.s32 $0xFFFFFB00  }
0xa2: {  	_ =	swait.ge [sflag:s19], $0x500  }
0xa3: {  	[sflag:s19] =	ssyncset.done $0x0  }
0xa4: {  	[sflag:s19] =	ssyncadd.s32 $0xFFFFFB00  }
0xa5: {  	_ =	swait.ge [sflag:s19], $0x500  }
0xa6: {  	[sflag:s19] =	ssyncset.done $0x0  }
0xa7: {  	[sflag:s19] =	ssyncadd.s32 $0xFFFFFB00  }
0xa8: {  	_ =	swait.ge [sflag:s19], $0x500  }
0xa9: {  	[sflag:s19] =	ssyncset.done $0x0  }
0xaa: {  	[sflag:s19] =	ssyncadd.s32 $0xFFFFFB00  }
0xab: {  	_ =	swait.ge [sflag:s19], $0x500  }
0xac: {  	[sflag:s19] =	ssyncset.done $0x0  }
0xad: {  	[sflag:s19] =	ssyncadd.s32 $0xFFFFFB00  }
0xae: {  	_ =	swait.ge [sflag:s19], $0x500  }
0xaf: {  	[sflag:s19] =	ssyncset.done $0x0  }
0xb0: {  	p0 =	sne.s32 s21, $0x4B00;
	[sflag:s19] =	ssyncadd.s32 $0xFFFFFB00  }
.Ltmp0:
0xb1: {  	_ =	swait.ge [sflag:s19], $0x500;
	(pc) =	sbr.rel @p0 .LBB2_2-.Ltmp0, $4  }
0xb2: {  	[sflag:s19] =	ssyncset.done $0x0  }
0xb3: {  	[sflag:s19] =	ssyncadd.s32 $0xFFFFFB00  }
0xb4: {  	_ =	swait.ge [sflag:s19], $0x500  }
0xb5: {  	s21 =	sadd.s32 $0x500, s21;
	[sflag:s19] =	ssyncset.done $0x0  }
0xb6: {  	s20 =	sadd.s32 $0x1, s20  }
0xb7: {  	p0 =	sne.s32 s20, s5  }
.Ltmp1:
0xb8: {  	_ = 	snop;
	(pc) =	sbr.rel @p0 .LBB2_1-.Ltmp1, $2  }
0xb9: {  	_ =	sdelay $0x2  }
0xba: {  	[sflag:s19] =	ssyncadd.s32 $0xFFFFFB00  }
0xbb: {  	_ =	sfence.sel $0x180000  }
0xbc: {  	[bflag:$0x0] =	sbarrier.arrive $0xFFFF  }
0xbd: {  	p0 =	sne.s32 s0, $0x0;
	_ =	strace $0x9000004D  }
0xbe: {  	s0 =	sadd.s32 @!p0 $0x100000, s1;
	[bflag:$0x2] =	sbarrier.arrive $0xFFFF  }
0xbf: {  	[sflag:s0] =	ssyncadd.tile.s32 @!p0 $0x1;
	_ =	shalt  }
.Lfunc_end2:
_tile_overlayer_lowered:
.L_overlay_start_2:
0xc0: {  	(tag) =	ssettag $0x2  }
0xc1: {  	s0 =	rddreg [dreg:$0x0];
	s2 =	stileid.u32  }
0xc2: {  	s1 =	rddreg [dreg:$0x1];
	p0 =	sne.s32 s2, $0x0  }
0xc3: {  	s3 =	rddreg [dreg:$0x2];
	[bflag:$0x3] =	sbarrier.arrive $0xFFFF;
	s2 =	simm.s32 @!p0 $0x1C03  }
0xc4: {  	[timem:s3], [sflag:s2] =	dma.local @!p0 [hbm:s0], s1  }
0xc5: {  	s0 =	simm.s32 @!p0 $0x3  }
0xc6: {  	_ =	swait.ge @!p0 [sflag:s0], s1  }
0xc7: {  	s1 =	ssub.s32 @!p0 $0x0, s1;
	[sflag:s0] =	ssyncset.done @!p0 $0x0  }
0xc8: {  	[sflag:s0] =	ssyncadd.s32 @!p0 s1  }
0xc9: {  	[bflag:$0x3] =	sbarrier.arrive $0xFFFF  }
0xca: {  	_ =	shalt  }

</sc_bundles>
